<compile_context>
chip_gen: v7x
topology: tpu7x:2x2x1
jax: 0.10.2.dev20260603
libtpu: 0.0.44.dev20260713+nightly
codegen_flags: <defaults>
</compile_context>

<pallas_src>
import dataclasses
import functools

import jax
import jax.numpy as jnp
from jax import lax
from jax.experimental import pallas as pl
from jax.experimental.pallas import tpu as pltpu
from jax.experimental.pallas import tpu_sc as plsc

N = 10000
NPAD = 10112
HROWS = NPAD // 128
E = 320000
CH = 128
NCHUNK = 2560
EPAD = NCHUNK * CH
NC = 2
NS = 16
TILES = NC * NS
CPT = NCHUNK // TILES
IDXROWS = 64
CPT_DEG = NCHUNK // NS
RPT = NPAD // NS
F = 128
GARBAGE = N

_MESH = plsc.VectorSubcoreMesh(core_axis_name="c", subcore_axis_name="s",
                               num_cores=NC, num_subcores=NS)

BLK = 2528
GRID = 4

_SC_PARAMS = pltpu.CompilerParams()
if "needs_layout_passes" in pltpu.CompilerParams.__dataclass_fields__:
    _SC_PARAMS = dataclasses.replace(_SC_PARAMS, needs_layout_passes=False)


def _sc_degrees(edges):

    @functools.partial(
        pl.kernel,
        mesh=_MESH,
        out_type=jax.ShapeDtypeStruct((2, NS, HROWS, 128), jnp.float32),
        scratch_types=[
            pltpu.VMEM((CPT_DEG, CH), jnp.int32),
            pltpu.VMEM((HROWS, 128), jnp.float32),
        ],
        compiler_params=_SC_PARAMS,
    )
    def deg_kernel(edges_hbm, cnt_hbm, idx_v, hist):
        c = lax.axis_index("c")
        s = lax.axis_index("s")

        pltpu.sync_copy(edges_hbm.at[c, pl.ds(s * CPT_DEG, CPT_DEG)], idx_v)

        zero16 = jnp.zeros((16,), jnp.float32)

        @pl.loop(0, HROWS)
        def _(i):
            for k in range(8):
                hist[i, pl.ds(k * 16, 16)] = zero16

        one16 = jnp.full((16,), 1.0, jnp.float32)

        @pl.loop(0, CPT_DEG)
        def _(j):
            for k in range(8):
                v = idx_v[j, pl.ds(k * 16, 16)]
                row = lax.shift_right_logical(v, 7)
                col = lax.bitwise_and(v, 127)
                plsc.addupdate_scatter(hist, [row, col], one16)

        pltpu.sync_copy(hist, cnt_hbm.at[c, s])

    return deg_kernel(edges)


def _tc_counts(raw):

    def body(x_ref, o_ref):
        total = x_ref[0, 0]
        for k in range(1, NS):
            total = total + x_ref[0, k]
        for b in range(HROWS):
            tile = jnp.broadcast_to(total[b:b + 1, :], (128, 128))
            o_ref[0, pl.ds(b * 128, 128), :] = tile.T

    return pl.pallas_call(
        body,
        out_shape=jax.ShapeDtypeStruct((2, NPAD, 128), jnp.float32),
        grid=(2,),
        in_specs=[pl.BlockSpec((1, NS, HROWS, 128), lambda i: (i, 0, 0, 0))],
        out_specs=pl.BlockSpec((1, NPAD, 128), lambda i: (i, 0, 0)),
    )(raw)


def _sc_agg(table, edges, zerosf):

    @functools.partial(
        pl.kernel,
        mesh=_MESH,
        out_type=jax.ShapeDtypeStruct((2, NPAD, F), jnp.float32),
        scratch_types=[
            pltpu.VMEM((IDXROWS, CH), jnp.int32),
            pltpu.VMEM((IDXROWS, CH), jnp.int32),
            pltpu.VMEM((2, CH, F), jnp.float32),
            pltpu.VMEM_SHARED((NPAD, F), jnp.float32),
            pltpu.SemaphoreType.DMA,
            pltpu.SemaphoreType.DMA,
        ],
    )
    def agg_kernel(table_hbm, edges_hbm, zeros_hbm, out_hbm,
                   sidx, didx, rows, acc, sem0, sem1):
        c = lax.axis_index("c")
        s = lax.axis_index("s")
        base = (c * NS + s) * CPT

        def segment(n):
            pltpu.async_copy(table_hbm.at[sidx.at[0]], rows.at[0], sem0)

            @pl.loop(0, n, step=2)
            def _(j):
                pltpu.async_copy(table_hbm.at[sidx.at[j + 1]], rows.at[1], sem1)
                pltpu.make_async_copy(
                    table_hbm.at[sidx.at[j]], rows.at[0], sem0).wait()
                pltpu.sync_copy(rows.at[0], acc.at[didx.at[j]], add=True)

                @pl.when(j + 2 < n)
                def _():
                    pltpu.async_copy(table_hbm.at[sidx.at[j + 2]], rows.at[0], sem0)

                pltpu.make_async_copy(
                    table_hbm.at[sidx.at[j + 1]], rows.at[1], sem1).wait()
                pltpu.sync_copy(rows.at[1], acc.at[didx.at[j + 1]], add=True)

        pltpu.sync_copy(zeros_hbm, acc.at[pl.ds(s * RPT, RPT)])
        pltpu.sync_copy(edges_hbm.at[0, pl.ds(base, IDXROWS)], sidx)
        pltpu.sync_copy(edges_hbm.at[1, pl.ds(base, IDXROWS)], didx)
        plsc.subcore_barrier()

        segment(IDXROWS)
        rem = CPT - IDXROWS
        pltpu.sync_copy(edges_hbm.at[0, pl.ds(base + IDXROWS, rem)],
                        sidx.at[pl.ds(0, rem)])
        pltpu.sync_copy(edges_hbm.at[1, pl.ds(base + IDXROWS, rem)],
                        didx.at[pl.ds(0, rem)])
        segment(rem)

        plsc.subcore_barrier()
        pltpu.sync_copy(acc.at[pl.ds(s * RPT, RPT)],
                        out_hbm.at[c, pl.ds(s * RPT, RPT)])

    return agg_kernel(table, edges, zerosf)


def _tc_scale(x, cnt_src):

    def body(x_ref, c_ref, o_ref):
        norm = lax.rsqrt(jnp.maximum(c_ref[:, 0:1], 1.0))
        o_ref[...] = x_ref[...] * norm

    return pl.pallas_call(
        body,
        out_shape=jax.ShapeDtypeStruct((NPAD, F), jnp.float32),
        grid=(GRID,),
        in_specs=[
            pl.BlockSpec((BLK, F), lambda i: (i, 0)),
            pl.BlockSpec((BLK, F), lambda i: (i, 0)),
        ],
        out_specs=pl.BlockSpec((BLK, F), lambda i: (i, 0)),
    )(x, cnt_src)


def _tc_layer1(p, cnt_dst, cnt_src, W1, b1):

    def body(p_ref, cd_ref, cs_ref, w_ref, b_ref, o_ref):
        nd = lax.rsqrt(jnp.maximum(cd_ref[:, 0:1], 1.0))
        agg = (p_ref[0] + p_ref[1]) * nd
        h = jnp.dot(agg, w_ref[...], preferred_element_type=jnp.float32)
        h = jnp.maximum(h + b_ref[...], 0.0)
        ns = lax.rsqrt(jnp.maximum(cs_ref[:, 0:1], 1.0))
        o_ref[...] = h * ns

    return pl.pallas_call(
        body,
        out_shape=jax.ShapeDtypeStruct((NPAD, F), jnp.float32),
        grid=(GRID,),
        in_specs=[
            pl.BlockSpec((2, BLK, F), lambda i: (0, i, 0)),
            pl.BlockSpec((BLK, F), lambda i: (i, 0)),
            pl.BlockSpec((BLK, F), lambda i: (i, 0)),
            pl.BlockSpec((F, F), lambda i: (0, 0)),
            pl.BlockSpec((1, F), lambda i: (0, 0)),
        ],
        out_specs=pl.BlockSpec((BLK, F), lambda i: (i, 0)),
    )(p, cnt_dst, cnt_src, W1, b1)


def _tc_layer2(q, cnt_dst, W2, b2):

    def body(q_ref, cd_ref, w_ref, b_ref, o_ref):
        nd = lax.rsqrt(jnp.maximum(cd_ref[:, 0:1], 1.0))
        agg = (q_ref[0] + q_ref[1]) * nd
        o_ref[...] = jnp.dot(agg, w_ref[...],
                             preferred_element_type=jnp.float32) + b_ref[...]

    return pl.pallas_call(
        body,
        out_shape=jax.ShapeDtypeStruct((N, F), jnp.float32),
        grid=(GRID,),
        in_specs=[
            pl.BlockSpec((2, BLK, F), lambda i: (0, i, 0)),
            pl.BlockSpec((BLK, F), lambda i: (i, 0)),
            pl.BlockSpec((F, F), lambda i: (0, 0)),
            pl.BlockSpec((1, F), lambda i: (0, 0)),
        ],
        out_specs=pl.BlockSpec((BLK, F), lambda i: (i, 0)),
    )(q, cnt_dst, W2, b2)


def kernel(in_feat, edge_index, W1, b1, W2, b2):
    src = edge_index[0].astype(jnp.int32)
    dst = edge_index[1].astype(jnp.int32)
    pad = jnp.full((EPAD - E,), GARBAGE, jnp.int32)
    edges = jnp.stack([jnp.concatenate([src, pad]),
                       jnp.concatenate([dst, pad])]).reshape(2, NCHUNK, CH)
    zerosf = jnp.zeros((RPT, F), jnp.float32)

    raw = _sc_degrees(edges)
    cnt = _tc_counts(raw)
    xs = _tc_scale(in_feat, cnt[0])
    p = _sc_agg(xs, edges, zerosf)
    h = _tc_layer1(p, cnt[1], cnt[0], W1, b1.reshape(1, F))
    q = _sc_agg(h, edges, zerosf)
    out = _tc_layer2(q, cnt[1], W2, b2.reshape(1, F))
    return out

# --- scband reference (transcript-rebuilt; emitter-appended) ---
"""Pipeline reference for scband-gcn-27376121545092 (READ-ONLY COPY).

The authoritative reference and input builder live on the scoring server;
editing this copy changes nothing except your own understanding.
"""

import jax, jax.numpy as jnp
import numpy as np

N_NODES = 10000
N_EDGES = 320000
IN_FEATS = 128
H_FEATS = 128


def setup_inputs(seed: int = 0) -> dict:
    key = jax.random.key(seed)
    k1, k2, k3, k4, k5, k6 = jax.random.split(key, 6)
    in_feat = jax.random.normal(k1, (N_NODES, IN_FEATS), dtype=jnp.float32)
    edge_index = jax.random.randint(k2, (2, N_EDGES), 0, N_NODES, dtype=jnp.int64)
    # Glorot-initialized weights like DGL GraphConv, zero biases
    s1 = (6.0 / (IN_FEATS + H_FEATS)) ** 0.5
    W1 = jax.random.uniform(k3, (IN_FEATS, H_FEATS), minval=-s1, maxval=s1, dtype=jnp.float32)
    b1 = jnp.zeros((H_FEATS,), dtype=jnp.float32)
    s2 = (6.0 / (H_FEATS + H_FEATS)) ** 0.5
    W2 = jax.random.uniform(k4, (H_FEATS, H_FEATS), minval=-s2, maxval=s2, dtype=jnp.float32)
    b2 = jnp.zeros((H_FEATS,), dtype=jnp.float32)
    return {"in_feat": in_feat, "edge_index": edge_index, "W1": W1, "b1": b1, "W2": W2, "b2": b2}


def _graph_conv(x, src, dst, norm_src, norm_dst, W, b):
    # DGL GraphConv, norm='both': D_out^{-1/2} A^T D_in^{-1/2} X W + b
    # in_feats == out_feats -> aggregate first, then matmul
    h = x * norm_src[:, None]
    msg = jnp.take(h, src, axis=0)
    agg = jax.ops.segment_sum(msg, dst, num_segments=N_NODES)
    agg = agg * norm_dst[:, None]
    return agg @ W + b


def reference(in_feat, edge_index, W1, b1, W2, b2):
    src = edge_index[0]
    dst = edge_index[1]
    deg_out = jnp.clip(jnp.bincount(src, length=N_NODES).astype(jnp.float32), 1.0, None)
    deg_in = jnp.clip(jnp.bincount(dst, length=N_NODES).astype(jnp.float32), 1.0, None)
    norm_src = deg_out ** -0.5
    norm_dst = deg_in ** -0.5
    h = _graph_conv(in_feat, src, dst, norm_src, norm_dst, W1, b1)
    h = jax.nn.relu(h)
    h = _graph_conv(h, src, dst, norm_src, norm_dst, W2, b2)
    return h

if __name__ == "__main__":
    import jax
    _d = setup_inputs()
    print(jax.jit(kernel)(*tuple(_d.values())))

</pallas_src>

<mosaic_0001>
#map = affine_map<(d0, d1) -> (0, 0)>
#map1 = affine_map<(d0, d1) -> (0, 0, 0)>
module attributes {stable_mosaic.version = 14 : i64} {
  func.func @agg_kernel(%arg0: i32, %arg1: i32, %arg2: memref<10112x128xf32, #tpu.memory_space<hbm>>, %arg3: memref<2x2560x128xi32, #tpu.memory_space<hbm>>, %arg4: memref<632x128xf32, #tpu.memory_space<hbm>>, %arg5: memref<2x10112x128xf32, #tpu.memory_space<hbm>>, %arg6: memref<64x128xi32, #tpu.memory_space<vmem>>, %arg7: memref<64x128xi32, #tpu.memory_space<vmem>>, %arg8: memref<2x128x128xf32, #tpu.memory_space<vmem>>, %arg9: memref<10112x128xf32, #tpu.memory_space<vmem_shared>>, %arg10: memref<!tpu.dma_semaphore, #tpu.memory_space<semaphore_mem>>, %arg11: memref<!tpu.dma_semaphore, #tpu.memory_space<semaphore_mem>>) attributes {dimension_semantics = [#tpu.dimension_semantics<core_parallel>, #tpu.dimension_semantics<subcore_parallel>], iteration_bounds = array<i64: 2, 16>, scalar_prefetch = 0 : i64, scratch_operands = 6 : i64, tpu.core_type = #tpu.core_type<sc_vector_subcore>, window_params = [{transform_indices = #map}, {transform_indices = #map1}, {transform_indices = #map}, {transform_indices = #map1}]} {
    %mul3A = arith.constant 16 : i32
    %mul3A_0 = arith.muli %arg0, %mul3A : i32
    %add3A = arith.addi %mul3A_0, %arg1 : i32
    %mul3A_1 = arith.constant 80 : i32
    %mul3A_2 = arith.muli %add3A, %mul3A_1 : i32
    %mul3A_3 = arith.constant 632 : i32
    %mul3A_4 = arith.muli %arg1, %mul3A_3 : i32
    "tpu.region"() ({
      %run_scoped3A_49 = tpu.sem_alloc : memref<!tpu.dma_semaphore, #tpu.memory_space<semaphore_mem>>
      %dma_start3A_50 = arith.constant 0 : i32
      %dma_start3A_51 = tpu.memref_slice %arg9[%mul3A_4, %dma_start3A_50] : memref<10112x128xf32, #tpu.memory_space<vmem_shared>> -> memref<632x128xf32, #tpu.memory_space<vmem_shared>>
      tpu.enqueue_dma source(%arg4 : memref<632x128xf32, #tpu.memory_space<hbm>>) target(%dma_start3A_51 : memref<632x128xf32, #tpu.memory_space<vmem_shared>>) target_semaphore(%run_scoped3A_49 : memref<!tpu.dma_semaphore, #tpu.memory_space<semaphore_mem>>)
      %dma_wait3A = arith.constant 0 : i32
      %dma_wait3A_52 = tpu.memref_slice %arg9[%mul3A_4, %dma_wait3A] : memref<10112x128xf32, #tpu.memory_space<vmem_shared>> -> memref<632x128xf32, #tpu.memory_space<vmem_shared>>
      tpu.wait_dma2 semaphore(%run_scoped3A_49 : memref<!tpu.dma_semaphore, #tpu.memory_space<semaphore_mem>>) src(%arg4 : memref<632x128xf32, #tpu.memory_space<hbm>>) dst(%dma_wait3A_52 : memref<632x128xf32, #tpu.memory_space<vmem_shared>>)
      tpu.yield
    }) : () -> ()
    %run_scoped3A = arith.constant 0 : i32
    "tpu.region"() ({
      %run_scoped3A_49 = tpu.sem_alloc : memref<!tpu.dma_semaphore, #tpu.memory_space<semaphore_mem>>
      %dma_start3A_50 = arith.constant 0 : i32
      %dma_start3A_51 = tpu.memref_slice %arg3[%run_scoped3A, %mul3A_2, %dma_start3A_50] : memref<2x2560x128xi32, #tpu.memory_space<hbm>> -> memref<1x64x128xi32, #tpu.memory_space<hbm>>
      %dma_start3A_52 = tpu.memref_squeeze %dma_start3A_51 : memref<1x64x128xi32, #tpu.memory_space<hbm>> -> memref<64x128xi32, #tpu.memory_space<hbm>>
      %dma_start3A_53 = arith.constant 0 : i32
      %dma_start3A_54 = tpu.memref_slice %arg3[%run_scoped3A, %mul3A_2, %dma_start3A_53] : memref<2x2560x128xi32, #tpu.memory_space<hbm>> -> memref<1x64x128xi32, #tpu.memory_space<hbm>>
      %dma_start3A_55 = tpu.memref_squeeze %dma_start3A_54 : memref<1x64x128xi32, #tpu.memory_space<hbm>> -> memref<64x128xi32, #tpu.memory_space<hbm>>
      tpu.enqueue_dma source(%dma_start3A_55 : memref<64x128xi32, #tpu.memory_space<hbm>>) target(%arg6 : memref<64x128xi32, #tpu.memory_space<vmem>>) target_semaphore(%run_scoped3A_49 : memref<!tpu.dma_semaphore, #tpu.memory_space<semaphore_mem>>)
      %dma_wait3A = arith.constant 0 : i32
      %dma_wait3A_56 = tpu.memref_slice %arg3[%run_scoped3A, %mul3A_2, %dma_wait3A] : memref<2x2560x128xi32, #tpu.memory_space<hbm>> -> memref<1x64x128xi32, #tpu.memory_space<hbm>>
      %dma_wait3A_57 = tpu.memref_squeeze %dma_wait3A_56 : memref<1x64x128xi32, #tpu.memory_space<hbm>> -> memref<64x128xi32, #tpu.memory_space<hbm>>
      %dma_wait3A_58 = arith.constant 0 : i32
      %dma_wait3A_59 = tpu.memref_slice %arg3[%run_scoped3A, %mul3A_2, %dma_wait3A_58] : memref<2x2560x128xi32, #tpu.memory_space<hbm>> -> memref<1x64x128xi32, #tpu.memory_space<hbm>>
      %dma_wait3A_60 = tpu.memref_squeeze %dma_wait3A_59 : memref<1x64x128xi32, #tpu.memory_space<hbm>> -> memref<64x128xi32, #tpu.memory_space<hbm>>
      tpu.wait_dma2 semaphore(%run_scoped3A_49 : memref<!tpu.dma_semaphore, #tpu.memory_space<semaphore_mem>>) src(%dma_wait3A_60 : memref<64x128xi32, #tpu.memory_space<hbm>>) dst(%arg6 : memref<64x128xi32, #tpu.memory_space<vmem>>)
      tpu.yield
    }) : () -> ()
    %run_scoped3A_5 = arith.constant 1 : i32
    "tpu.region"() ({
      %run_scoped3A_49 = tpu.sem_alloc : memref<!tpu.dma_semaphore, #tpu.memory_space<semaphore_mem>>
      %dma_start3A_50 = arith.constant 0 : i32
      %dma_start3A_51 = tpu.memref_slice %arg3[%run_scoped3A_5, %mul3A_2, %dma_start3A_50] : memref<2x2560x128xi32, #tpu.memory_space<hbm>> -> memref<1x64x128xi32, #tpu.memory_space<hbm>>
      %dma_start3A_52 = tpu.memref_squeeze %dma_start3A_51 : memref<1x64x128xi32, #tpu.memory_space<hbm>> -> memref<64x128xi32, #tpu.memory_space<hbm>>
      %dma_start3A_53 = arith.constant 0 : i32
      %dma_start3A_54 = tpu.memref_slice %arg3[%run_scoped3A_5, %mul3A_2, %dma_start3A_53] : memref<2x2560x128xi32, #tpu.memory_space<hbm>> -> memref<1x64x128xi32, #tpu.memory_space<hbm>>
      %dma_start3A_55 = tpu.memref_squeeze %dma_start3A_54 : memref<1x64x128xi32, #tpu.memory_space<hbm>> -> memref<64x128xi32, #tpu.memory_space<hbm>>
      tpu.enqueue_dma source(%dma_start3A_55 : memref<64x128xi32, #tpu.memory_space<hbm>>) target(%arg7 : memref<64x128xi32, #tpu.memory_space<vmem>>) target_semaphore(%run_scoped3A_49 : memref<!tpu.dma_semaphore, #tpu.memory_space<semaphore_mem>>)
      %dma_wait3A = arith.constant 0 : i32
      %dma_wait3A_56 = tpu.memref_slice %arg3[%run_scoped3A_5, %mul3A_2, %dma_wait3A] : memref<2x2560x128xi32, #tpu.memory_space<hbm>> -> memref<1x64x128xi32, #tpu.memory_space<hbm>>
      %dma_wait3A_57 = tpu.memref_squeeze %dma_wait3A_56 : memref<1x64x128xi32, #tpu.memory_space<hbm>> -> memref<64x128xi32, #tpu.memory_space<hbm>>
      %dma_wait3A_58 = arith.constant 0 : i32
      %dma_wait3A_59 = tpu.memref_slice %arg3[%run_scoped3A_5, %mul3A_2, %dma_wait3A_58] : memref<2x2560x128xi32, #tpu.memory_space<hbm>> -> memref<1x64x128xi32, #tpu.memory_space<hbm>>
      %dma_wait3A_60 = tpu.memref_squeeze %dma_wait3A_59 : memref<1x64x128xi32, #tpu.memory_space<hbm>> -> memref<64x128xi32, #tpu.memory_space<hbm>>
      tpu.wait_dma2 semaphore(%run_scoped3A_49 : memref<!tpu.dma_semaphore, #tpu.memory_space<semaphore_mem>>) src(%dma_wait3A_60 : memref<64x128xi32, #tpu.memory_space<hbm>>) dst(%arg7 : memref<64x128xi32, #tpu.memory_space<vmem>>)
      tpu.yield
    }) : () -> ()
    %barrier3A = arith.constant 0 : index
    tpu.barrier barrier_id(%barrier3A)
    %dma_start3A = arith.constant 0 : i32
    %dma_start3A_6 = arith.constant 0 : i32
    %dma_start3A_7 = arith.constant 0 : i32
    %dma_start3A_8 = arith.constant 0 : i32
    %dma_start3A_9 = tpu.memref_slice %arg8[%dma_start3A_6, %dma_start3A_7, %dma_start3A_8] : memref<2x128x128xf32, #tpu.memory_space<vmem>> -> memref<1x128x128xf32, #tpu.memory_space<vmem>>
    %dma_start3A_10 = tpu.memref_squeeze %dma_start3A_9 : memref<1x128x128xf32, #tpu.memory_space<vmem>> -> memref<128x128xf32, #tpu.memory_space<vmem>>
    %dma_start3A_11 = arith.constant 0 : i32
    %dma_start3A_12 = tpu.memref_slice %arg6[%dma_start3A, %dma_start3A_11] : memref<64x128xi32, #tpu.memory_space<vmem>> -> memref<1x128xi32, #tpu.memory_space<vmem>>
    %dma_start3A_13 = tpu.memref_squeeze %dma_start3A_12 : memref<1x128xi32, #tpu.memory_space<vmem>> -> memref<128xi32, #tpu.memory_space<vmem>>
    %dma_start3A_14 = arith.constant 0 : i32
    %dma_start3A_15 = arith.constant 0 : i32
    %dma_start3A_16 = tpu.memref_slice %arg2[%dma_start3A_14, %dma_start3A_15] : memref<10112x128xf32, #tpu.memory_space<hbm>> -> memref<10112x128xf32, #tpu.memory_space<hbm>>
    tpu.enqueue_indirect_dma source(%dma_start3A_16 : memref<10112x128xf32, #tpu.memory_space<hbm>>) target(%dma_start3A_10 : memref<128x128xf32, #tpu.memory_space<vmem>>) offsets(%dma_start3A_13 : memref<128xi32, #tpu.memory_space<vmem>>) semaphore(%arg10 : memref<!tpu.dma_semaphore, #tpu.memory_space<semaphore_mem>>)
    %scan3A = arith.constant 0 : i32
    %scan3A_17 = arith.constant 32 : i32
    %scan3A_18 = arith.addi %scan3A, %scan3A_17 : i32
    %scan3A_19 = arith.constant 1 : i32
    scf.for %scan3A_49 = %scan3A to %scan3A_18 step %scan3A_19  : i32 {
      %mul3A_50 = arith.constant 2 : i32
      %mul3A_51 = arith.muli %scan3A_49, %mul3A_50 : i32
      %add3A_52 = arith.constant 0 : i32
      %add3A_53 = arith.addi %add3A_52, %mul3A_51 : i32
      %add3A_54 = arith.constant 1 : i32
      %add3A_55 = arith.addi %add3A_53, %add3A_54 : i32
      %dma_start3A_56 = arith.constant 1 : i32
      %dma_start3A_57 = arith.constant 0 : i32
      %dma_start3A_58 = arith.constant 0 : i32
      %dma_start3A_59 = tpu.memref_slice %arg8[%dma_start3A_56, %dma_start3A_57, %dma_start3A_58] : memref<2x128x128xf32, #tpu.memory_space<vmem>> -> memref<1x128x128xf32, #tpu.memory_space<vmem>>
      %dma_start3A_60 = tpu.memref_squeeze %dma_start3A_59 : memref<1x128x128xf32, #tpu.memory_space<vmem>> -> memref<128x128xf32, #tpu.memory_space<vmem>>
      %dma_start3A_61 = arith.constant 0 : i32
      %dma_start3A_62 = tpu.memref_slice %arg6[%add3A_55, %dma_start3A_61] : memref<64x128xi32, #tpu.memory_space<vmem>> -> memref<1x128xi32, #tpu.memory_space<vmem>>
      %dma_start3A_63 = tpu.memref_squeeze %dma_start3A_62 : memref<1x128xi32, #tpu.memory_space<vmem>> -> memref<128xi32, #tpu.memory_space<vmem>>
      %dma_start3A_64 = arith.constant 0 : i32
      %dma_start3A_65 = arith.constant 0 : i32
      %dma_start3A_66 = tpu.memref_slice %arg2[%dma_start3A_64, %dma_start3A_65] : memref<10112x128xf32, #tpu.memory_space<hbm>> -> memref<10112x128xf32, #tpu.memory_space<hbm>>
      tpu.enqueue_indirect_dma source(%dma_start3A_66 : memref<10112x128xf32, #tpu.memory_space<hbm>>) target(%dma_start3A_60 : memref<128x128xf32, #tpu.memory_space<vmem>>) offsets(%dma_start3A_63 : memref<128xi32, #tpu.memory_space<vmem>>) semaphore(%arg11 : memref<!tpu.dma_semaphore, #tpu.memory_space<semaphore_mem>>)
      %dma_wait3A = arith.constant 0 : i32
      %dma_wait3A_67 = arith.constant 0 : i32
      %dma_wait3A_68 = arith.constant 0 : i32
      %dma_wait3A_69 = tpu.memref_slice %arg8[%dma_wait3A, %dma_wait3A_67, %dma_wait3A_68] : memref<2x128x128xf32, #tpu.memory_space<vmem>> -> memref<1x128x128xf32, #tpu.memory_space<vmem>>
      %dma_wait3A_70 = tpu.memref_squeeze %dma_wait3A_69 : memref<1x128x128xf32, #tpu.memory_space<vmem>> -> memref<128x128xf32, #tpu.memory_space<vmem>>
      %dma_wait3A_71 = arith.constant 0 : i32
      %dma_wait3A_72 = tpu.memref_slice %arg6[%add3A_53, %dma_wait3A_71] : memref<64x128xi32, #tpu.memory_space<vmem>> -> memref<1x128xi32, #tpu.memory_space<vmem>>
      %dma_wait3A_73 = tpu.memref_squeeze %dma_wait3A_72 : memref<1x128xi32, #tpu.memory_space<vmem>> -> memref<128xi32, #tpu.memory_space<vmem>>
      %dma_wait3A_74 = arith.constant 0 : i32
      %dma_wait3A_75 = arith.constant 0 : i32
      %dma_wait3A_76 = tpu.memref_slice %arg2[%dma_wait3A_74, %dma_wait3A_75] : memref<10112x128xf32, #tpu.memory_space<hbm>> -> memref<10112x128xf32, #tpu.memory_space<hbm>>
      tpu.wait_indirect_dma semaphore(%arg10 : memref<!tpu.dma_semaphore, #tpu.memory_space<semaphore_mem>>) src(%dma_wait3A_76 : memref<10112x128xf32, #tpu.memory_space<hbm>>) dst(%dma_wait3A_70 : memref<128x128xf32, #tpu.memory_space<vmem>>)
      %run_scoped3A_77 = arith.constant 0 : i32
      "tpu.region"() ({
        %run_scoped3A_98 = tpu.sem_alloc : memref<!tpu.dma_semaphore, #tpu.memory_space<semaphore_mem>>
        %dma_start3A_99 = arith.constant 0 : i32
        %dma_start3A_100 = arith.constant 0 : i32
        %dma_start3A_101 = tpu.memref_slice %arg8[%run_scoped3A_77, %dma_start3A_99, %dma_start3A_100] : memref<2x128x128xf32, #tpu.memory_space<vmem>> -> memref<1x128x128xf32, #tpu.memory_space<vmem>>
        %dma_start3A_102 = tpu.memref_squeeze %dma_start3A_101 : memref<1x128x128xf32, #tpu.memory_space<vmem>> -> memref<128x128xf32, #tpu.memory_space<vmem>>
        %dma_start3A_103 = arith.constant 0 : i32
        %dma_start3A_104 = tpu.memref_slice %arg7[%add3A_53, %dma_start3A_103] : memref<64x128xi32, #tpu.memory_space<vmem>> -> memref<1x128xi32, #tpu.memory_space<vmem>>
        %dma_start3A_105 = tpu.memref_squeeze %dma_start3A_104 : memref<1x128xi32, #tpu.memory_space<vmem>> -> memref<128xi32, #tpu.memory_space<vmem>>
        %dma_start3A_106 = arith.constant 0 : i32
        %dma_start3A_107 = arith.constant 0 : i32
        %dma_start3A_108 = tpu.memref_slice %arg9[%dma_start3A_106, %dma_start3A_107] : memref<10112x128xf32, #tpu.memory_space<vmem_shared>> -> memref<10112x128xf32, #tpu.memory_space<vmem_shared>>
        tpu.enqueue_indirect_dma source(%dma_start3A_102 : memref<128x128xf32, #tpu.memory_space<vmem>>) target(%dma_start3A_108 : memref<10112x128xf32, #tpu.memory_space<vmem_shared>>) offsets(%dma_start3A_105 : memref<128xi32, #tpu.memory_space<vmem>>) semaphore(%run_scoped3A_98 : memref<!tpu.dma_semaphore, #tpu.memory_space<semaphore_mem>>) {add = true}
        %dma_wait3A_109 = arith.constant 0 : i32
        %dma_wait3A_110 = arith.constant 0 : i32
        %dma_wait3A_111 = tpu.memref_slice %arg8[%run_scoped3A_77, %dma_wait3A_109, %dma_wait3A_110] : memref<2x128x128xf32, #tpu.memory_space<vmem>> -> memref<1x128x128xf32, #tpu.memory_space<vmem>>
        %dma_wait3A_112 = tpu.memref_squeeze %dma_wait3A_111 : memref<1x128x128xf32, #tpu.memory_space<vmem>> -> memref<128x128xf32, #tpu.memory_space<vmem>>
        %dma_wait3A_113 = arith.constant 0 : i32
        %dma_wait3A_114 = tpu.memref_slice %arg7[%add3A_53, %dma_wait3A_113] : memref<64x128xi32, #tpu.memory_space<vmem>> -> memref<1x128xi32, #tpu.memory_space<vmem>>
        %dma_wait3A_115 = tpu.memref_squeeze %dma_wait3A_114 : memref<1x128xi32, #tpu.memory_space<vmem>> -> memref<128xi32, #tpu.memory_space<vmem>>
        %dma_wait3A_116 = arith.constant 0 : i32
        %dma_wait3A_117 = arith.constant 0 : i32
        %dma_wait3A_118 = tpu.memref_slice %arg9[%dma_wait3A_116, %dma_wait3A_117] : memref<10112x128xf32, #tpu.memory_space<vmem_shared>> -> memref<10112x128xf32, #tpu.memory_space<vmem_shared>>
        tpu.wait_indirect_dma semaphore(%run_scoped3A_98 : memref<!tpu.dma_semaphore, #tpu.memory_space<semaphore_mem>>) src(%dma_wait3A_112 : memref<128x128xf32, #tpu.memory_space<vmem>>) dst(%dma_wait3A_118 : memref<10112x128xf32, #tpu.memory_space<vmem_shared>>)
        tpu.yield
      }) : () -> ()
      %add3A_78 = arith.constant 2 : i32
      %add3A_79 = arith.addi %add3A_53, %add3A_78 : i32
      %lt3A = arith.constant 64 : i32
      %lt3A_80 = arith.cmpi slt, %add3A_79, %lt3A : i32
      %convert_element_type3A = arith.extui %lt3A_80 : i1 to i32
      %cond3A = arith.constant 0 : i32
      %cond3A_81 = arith.cmpi ne, %convert_element_type3A, %cond3A : i32
      scf.if %cond3A_81 {
        %add3A_98 = arith.constant 2 : i32
        %add3A_99 = arith.addi %add3A_53, %add3A_98 : i32
        %dma_start3A_100 = arith.constant 0 : i32
        %dma_start3A_101 = arith.constant 0 : i32
        %dma_start3A_102 = arith.constant 0 : i32
        %dma_start3A_103 = tpu.memref_slice %arg8[%dma_start3A_100, %dma_start3A_101, %dma_start3A_102] : memref<2x128x128xf32, #tpu.memory_space<vmem>> -> memref<1x128x128xf32, #tpu.memory_space<vmem>>
        %dma_start3A_104 = tpu.memref_squeeze %dma_start3A_103 : memref<1x128x128xf32, #tpu.memory_space<vmem>> -> memref<128x128xf32, #tpu.memory_space<vmem>>
        %dma_start3A_105 = arith.constant 0 : i32
        %dma_start3A_106 = tpu.memref_slice %arg6[%add3A_99, %dma_start3A_105] : memref<64x128xi32, #tpu.memory_space<vmem>> -> memref<1x128xi32, #tpu.memory_space<vmem>>
        %dma_start3A_107 = tpu.memref_squeeze %dma_start3A_106 : memref<1x128xi32, #tpu.memory_space<vmem>> -> memref<128xi32, #tpu.memory_space<vmem>>
        %dma_start3A_108 = arith.constant 0 : i32
        %dma_start3A_109 = arith.constant 0 : i32
        %dma_start3A_110 = tpu.memref_slice %arg2[%dma_start3A_108, %dma_start3A_109] : memref<10112x128xf32, #tpu.memory_space<hbm>> -> memref<10112x128xf32, #tpu.memory_space<hbm>>
        tpu.enqueue_indirect_dma source(%dma_start3A_110 : memref<10112x128xf32, #tpu.memory_space<hbm>>) target(%dma_start3A_104 : memref<128x128xf32, #tpu.memory_space<vmem>>) offsets(%dma_start3A_107 : memref<128xi32, #tpu.memory_space<vmem>>) semaphore(%arg10 : memref<!tpu.dma_semaphore, #tpu.memory_space<semaphore_mem>>)
      } else {
      }
      %add3A_82 = arith.constant 1 : i32
      %add3A_83 = arith.addi %add3A_53, %add3A_82 : i32
      %dma_wait3A_84 = arith.constant 1 : i32
      %dma_wait3A_85 = arith.constant 0 : i32
      %dma_wait3A_86 = arith.constant 0 : i32
      %dma_wait3A_87 = tpu.memref_slice %arg8[%dma_wait3A_84, %dma_wait3A_85, %dma_wait3A_86] : memref<2x128x128xf32, #tpu.memory_space<vmem>> -> memref<1x128x128xf32, #tpu.memory_space<vmem>>
      %dma_wait3A_88 = tpu.memref_squeeze %dma_wait3A_87 : memref<1x128x128xf32, #tpu.memory_space<vmem>> -> memref<128x128xf32, #tpu.memory_space<vmem>>
      %dma_wait3A_89 = arith.constant 0 : i32
      %dma_wait3A_90 = tpu.memref_slice %arg6[%add3A_83, %dma_wait3A_89] : memref<64x128xi32, #tpu.memory_space<vmem>> -> memref<1x128xi32, #tpu.memory_space<vmem>>
      %dma_wait3A_91 = tpu.memref_squeeze %dma_wait3A_90 : memref<1x128xi32, #tpu.memory_space<vmem>> -> memref<128xi32, #tpu.memory_space<vmem>>
      %dma_wait3A_92 = arith.constant 0 : i32
      %dma_wait3A_93 = arith.constant 0 : i32
      %dma_wait3A_94 = tpu.memref_slice %arg2[%dma_wait3A_92, %dma_wait3A_93] : memref<10112x128xf32, #tpu.memory_space<hbm>> -> memref<10112x128xf32, #tpu.memory_space<hbm>>
      tpu.wait_indirect_dma semaphore(%arg11 : memref<!tpu.dma_semaphore, #tpu.memory_space<semaphore_mem>>) src(%dma_wait3A_94 : memref<10112x128xf32, #tpu.memory_space<hbm>>) dst(%dma_wait3A_88 : memref<128x128xf32, #tpu.memory_space<vmem>>)
      %add3A_95 = arith.constant 1 : i32
      %add3A_96 = arith.addi %add3A_53, %add3A_95 : i32
      %run_scoped3A_97 = arith.constant 1 : i32
      "tpu.region"() ({
        %run_scoped3A_98 = tpu.sem_alloc : memref<!tpu.dma_semaphore, #tpu.memory_space<semaphore_mem>>
        %dma_start3A_99 = arith.constant 0 : i32
        %dma_start3A_100 = arith.constant 0 : i32
        %dma_start3A_101 = tpu.memref_slice %arg8[%run_scoped3A_97, %dma_start3A_99, %dma_start3A_100] : memref<2x128x128xf32, #tpu.memory_space<vmem>> -> memref<1x128x128xf32, #tpu.memory_space<vmem>>
        %dma_start3A_102 = tpu.memref_squeeze %dma_start3A_101 : memref<1x128x128xf32, #tpu.memory_space<vmem>> -> memref<128x128xf32, #tpu.memory_space<vmem>>
        %dma_start3A_103 = arith.constant 0 : i32
        %dma_start3A_104 = tpu.memref_slice %arg7[%add3A_96, %dma_start3A_103] : memref<64x128xi32, #tpu.memory_space<vmem>> -> memref<1x128xi32, #tpu.memory_space<vmem>>
        %dma_start3A_105 = tpu.memref_squeeze %dma_start3A_104 : memref<1x128xi32, #tpu.memory_space<vmem>> -> memref<128xi32, #tpu.memory_space<vmem>>
        %dma_start3A_106 = arith.constant 0 : i32
        %dma_start3A_107 = arith.constant 0 : i32
        %dma_start3A_108 = tpu.memref_slice %arg9[%dma_start3A_106, %dma_start3A_107] : memref<10112x128xf32, #tpu.memory_space<vmem_shared>> -> memref<10112x128xf32, #tpu.memory_space<vmem_shared>>
        tpu.enqueue_indirect_dma source(%dma_start3A_102 : memref<128x128xf32, #tpu.memory_space<vmem>>) target(%dma_start3A_108 : memref<10112x128xf32, #tpu.memory_space<vmem_shared>>) offsets(%dma_start3A_105 : memref<128xi32, #tpu.memory_space<vmem>>) semaphore(%run_scoped3A_98 : memref<!tpu.dma_semaphore, #tpu.memory_space<semaphore_mem>>) {add = true}
        %dma_wait3A_109 = arith.constant 0 : i32
        %dma_wait3A_110 = arith.constant 0 : i32
        %dma_wait3A_111 = tpu.memref_slice %arg8[%run_scoped3A_97, %dma_wait3A_109, %dma_wait3A_110] : memref<2x128x128xf32, #tpu.memory_space<vmem>> -> memref<1x128x128xf32, #tpu.memory_space<vmem>>
        %dma_wait3A_112 = tpu.memref_squeeze %dma_wait3A_111 : memref<1x128x128xf32, #tpu.memory_space<vmem>> -> memref<128x128xf32, #tpu.memory_space<vmem>>
        %dma_wait3A_113 = arith.constant 0 : i32
        %dma_wait3A_114 = tpu.memref_slice %arg7[%add3A_96, %dma_wait3A_113] : memref<64x128xi32, #tpu.memory_space<vmem>> -> memref<1x128xi32, #tpu.memory_space<vmem>>
        %dma_wait3A_115 = tpu.memref_squeeze %dma_wait3A_114 : memref<1x128xi32, #tpu.memory_space<vmem>> -> memref<128xi32, #tpu.memory_space<vmem>>
        %dma_wait3A_116 = arith.constant 0 : i32
        %dma_wait3A_117 = arith.constant 0 : i32
        %dma_wait3A_118 = tpu.memref_slice %arg9[%dma_wait3A_116, %dma_wait3A_117] : memref<10112x128xf32, #tpu.memory_space<vmem_shared>> -> memref<10112x128xf32, #tpu.memory_space<vmem_shared>>
        tpu.wait_indirect_dma semaphore(%run_scoped3A_98 : memref<!tpu.dma_semaphore, #tpu.memory_space<semaphore_mem>>) src(%dma_wait3A_112 : memref<128x128xf32, #tpu.memory_space<vmem>>) dst(%dma_wait3A_118 : memref<10112x128xf32, #tpu.memory_space<vmem_shared>>)
        tpu.yield
      }) : () -> ()
    }
    %scan3A_20 = arith.constant 32 : i32
    %add3A_21 = arith.constant 64 : i32
    %add3A_22 = arith.addi %mul3A_2, %add3A_21 : i32
    %run_scoped3A_23 = arith.constant 0 : i32
    "tpu.region"() ({
      %run_scoped3A_49 = tpu.sem_alloc : memref<!tpu.dma_semaphore, #tpu.memory_space<semaphore_mem>>
      %dma_start3A_50 = arith.constant 0 : i32
      %dma_start3A_51 = arith.constant 0 : i32
      %dma_start3A_52 = tpu.memref_slice %arg6[%dma_start3A_50, %dma_start3A_51] : memref<64x128xi32, #tpu.memory_space<vmem>> -> memref<16x128xi32, #tpu.memory_space<vmem>>
      %dma_start3A_53 = arith.constant 0 : i32
      %dma_start3A_54 = tpu.memref_slice %arg3[%run_scoped3A_23, %add3A_22, %dma_start3A_53] : memref<2x2560x128xi32, #tpu.memory_space<hbm>> -> memref<1x16x128xi32, #tpu.memory_space<hbm>>
      %dma_start3A_55 = tpu.memref_squeeze %dma_start3A_54 : memref<1x16x128xi32, #tpu.memory_space<hbm>> -> memref<16x128xi32, #tpu.memory_space<hbm>>
      %dma_start3A_56 = arith.constant 0 : i32
      %dma_start3A_57 = arith.constant 0 : i32
      %dma_start3A_58 = tpu.memref_slice %arg6[%dma_start3A_56, %dma_start3A_57] : memref<64x128xi32, #tpu.memory_space<vmem>> -> memref<16x128xi32, #tpu.memory_space<vmem>>
      %dma_start3A_59 = arith.constant 0 : i32
      %dma_start3A_60 = tpu.memref_slice %arg3[%run_scoped3A_23, %add3A_22, %dma_start3A_59] : memref<2x2560x128xi32, #tpu.memory_space<hbm>> -> memref<1x16x128xi32, #tpu.memory_space<hbm>>
      %dma_start3A_61 = tpu.memref_squeeze %dma_start3A_60 : memref<1x16x128xi32, #tpu.memory_space<hbm>> -> memref<16x128xi32, #tpu.memory_space<hbm>>
      tpu.enqueue_dma source(%dma_start3A_61 : memref<16x128xi32, #tpu.memory_space<hbm>>) target(%dma_start3A_58 : memref<16x128xi32, #tpu.memory_space<vmem>>) target_semaphore(%run_scoped3A_49 : memref<!tpu.dma_semaphore, #tpu.memory_space<semaphore_mem>>)
      %dma_wait3A = arith.constant 0 : i32
      %dma_wait3A_62 = arith.constant 0 : i32
      %dma_wait3A_63 = tpu.memref_slice %arg6[%dma_wait3A, %dma_wait3A_62] : memref<64x128xi32, #tpu.memory_space<vmem>> -> memref<16x128xi32, #tpu.memory_space<vmem>>
      %dma_wait3A_64 = arith.constant 0 : i32
      %dma_wait3A_65 = tpu.memref_slice %arg3[%run_scoped3A_23, %add3A_22, %dma_wait3A_64] : memref<2x2560x128xi32, #tpu.memory_space<hbm>> -> memref<1x16x128xi32, #tpu.memory_space<hbm>>
      %dma_wait3A_66 = tpu.memref_squeeze %dma_wait3A_65 : memref<1x16x128xi32, #tpu.memory_space<hbm>> -> memref<16x128xi32, #tpu.memory_space<hbm>>
      %dma_wait3A_67 = arith.constant 0 : i32
      %dma_wait3A_68 = arith.constant 0 : i32
      %dma_wait3A_69 = tpu.memref_slice %arg6[%dma_wait3A_67, %dma_wait3A_68] : memref<64x128xi32, #tpu.memory_space<vmem>> -> memref<16x128xi32, #tpu.memory_space<vmem>>
      %dma_wait3A_70 = arith.constant 0 : i32
      %dma_wait3A_71 = tpu.memref_slice %arg3[%run_scoped3A_23, %add3A_22, %dma_wait3A_70] : memref<2x2560x128xi32, #tpu.memory_space<hbm>> -> memref<1x16x128xi32, #tpu.memory_space<hbm>>
      %dma_wait3A_72 = tpu.memref_squeeze %dma_wait3A_71 : memref<1x16x128xi32, #tpu.memory_space<hbm>> -> memref<16x128xi32, #tpu.memory_space<hbm>>
      tpu.wait_dma2 semaphore(%run_scoped3A_49 : memref<!tpu.dma_semaphore, #tpu.memory_space<semaphore_mem>>) src(%dma_wait3A_72 : memref<16x128xi32, #tpu.memory_space<hbm>>) dst(%dma_wait3A_69 : memref<16x128xi32, #tpu.memory_space<vmem>>)
      tpu.yield
    }) : () -> ()
    %add3A_24 = arith.constant 64 : i32
    %add3A_25 = arith.addi %mul3A_2, %add3A_24 : i32
    %run_scoped3A_26 = arith.constant 1 : i32
    "tpu.region"() ({
      %run_scoped3A_49 = tpu.sem_alloc : memref<!tpu.dma_semaphore, #tpu.memory_space<semaphore_mem>>
      %dma_start3A_50 = arith.constant 0 : i32
      %dma_start3A_51 = arith.constant 0 : i32
      %dma_start3A_52 = tpu.memref_slice %arg7[%dma_start3A_50, %dma_start3A_51] : memref<64x128xi32, #tpu.memory_space<vmem>> -> memref<16x128xi32, #tpu.memory_space<vmem>>
      %dma_start3A_53 = arith.constant 0 : i32
      %dma_start3A_54 = tpu.memref_slice %arg3[%run_scoped3A_26, %add3A_25, %dma_start3A_53] : memref<2x2560x128xi32, #tpu.memory_space<hbm>> -> memref<1x16x128xi32, #tpu.memory_space<hbm>>
      %dma_start3A_55 = tpu.memref_squeeze %dma_start3A_54 : memref<1x16x128xi32, #tpu.memory_space<hbm>> -> memref<16x128xi32, #tpu.memory_space<hbm>>
      %dma_start3A_56 = arith.constant 0 : i32
      %dma_start3A_57 = arith.constant 0 : i32
      %dma_start3A_58 = tpu.memref_slice %arg7[%dma_start3A_56, %dma_start3A_57] : memref<64x128xi32, #tpu.memory_space<vmem>> -> memref<16x128xi32, #tpu.memory_space<vmem>>
      %dma_start3A_59 = arith.constant 0 : i32
      %dma_start3A_60 = tpu.memref_slice %arg3[%run_scoped3A_26, %add3A_25, %dma_start3A_59] : memref<2x2560x128xi32, #tpu.memory_space<hbm>> -> memref<1x16x128xi32, #tpu.memory_space<hbm>>
      %dma_start3A_61 = tpu.memref_squeeze %dma_start3A_60 : memref<1x16x128xi32, #tpu.memory_space<hbm>> -> memref<16x128xi32, #tpu.memory_space<hbm>>
      tpu.enqueue_dma source(%dma_start3A_61 : memref<16x128xi32, #tpu.memory_space<hbm>>) target(%dma_start3A_58 : memref<16x128xi32, #tpu.memory_space<vmem>>) target_semaphore(%run_scoped3A_49 : memref<!tpu.dma_semaphore, #tpu.memory_space<semaphore_mem>>)
      %dma_wait3A = arith.constant 0 : i32
      %dma_wait3A_62 = arith.constant 0 : i32
      %dma_wait3A_63 = tpu.memref_slice %arg7[%dma_wait3A, %dma_wait3A_62] : memref<64x128xi32, #tpu.memory_space<vmem>> -> memref<16x128xi32, #tpu.memory_space<vmem>>
      %dma_wait3A_64 = arith.constant 0 : i32
      %dma_wait3A_65 = tpu.memref_slice %arg3[%run_scoped3A_26, %add3A_25, %dma_wait3A_64] : memref<2x2560x128xi32, #tpu.memory_space<hbm>> -> memref<1x16x128xi32, #tpu.memory_space<hbm>>
      %dma_wait3A_66 = tpu.memref_squeeze %dma_wait3A_65 : memref<1x16x128xi32, #tpu.memory_space<hbm>> -> memref<16x128xi32, #tpu.memory_space<hbm>>
      %dma_wait3A_67 = arith.constant 0 : i32
      %dma_wait3A_68 = arith.constant 0 : i32
      %dma_wait3A_69 = tpu.memref_slice %arg7[%dma_wait3A_67, %dma_wait3A_68] : memref<64x128xi32, #tpu.memory_space<vmem>> -> memref<16x128xi32, #tpu.memory_space<vmem>>
      %dma_wait3A_70 = arith.constant 0 : i32
      %dma_wait3A_71 = tpu.memref_slice %arg3[%run_scoped3A_26, %add3A_25, %dma_wait3A_70] : memref<2x2560x128xi32, #tpu.memory_space<hbm>> -> memref<1x16x128xi32, #tpu.memory_space<hbm>>
      %dma_wait3A_72 = tpu.memref_squeeze %dma_wait3A_71 : memref<1x16x128xi32, #tpu.memory_space<hbm>> -> memref<16x128xi32, #tpu.memory_space<hbm>>
      tpu.wait_dma2 semaphore(%run_scoped3A_49 : memref<!tpu.dma_semaphore, #tpu.memory_space<semaphore_mem>>) src(%dma_wait3A_72 : memref<16x128xi32, #tpu.memory_space<hbm>>) dst(%dma_wait3A_69 : memref<16x128xi32, #tpu.memory_space<vmem>>)
      tpu.yield
    }) : () -> ()
    %dma_start3A_27 = arith.constant 0 : i32
    %dma_start3A_28 = arith.constant 0 : i32
    %dma_start3A_29 = arith.constant 0 : i32
    %dma_start3A_30 = arith.constant 0 : i32
    %dma_start3A_31 = tpu.memref_slice %arg8[%dma_start3A_28, %dma_start3A_29, %dma_start3A_30] : memref<2x128x128xf32, #tpu.memory_space<vmem>> -> memref<1x128x128xf32, #tpu.memory_space<vmem>>
    %dma_start3A_32 = tpu.memref_squeeze %dma_start3A_31 : memref<1x128x128xf32, #tpu.memory_space<vmem>> -> memref<128x128xf32, #tpu.memory_space<vmem>>
    %dma_start3A_33 = arith.constant 0 : i32
    %dma_start3A_34 = tpu.memref_slice %arg6[%dma_start3A_27, %dma_start3A_33] : memref<64x128xi32, #tpu.memory_space<vmem>> -> memref<1x128xi32, #tpu.memory_space<vmem>>
    %dma_start3A_35 = tpu.memref_squeeze %dma_start3A_34 : memref<1x128xi32, #tpu.memory_space<vmem>> -> memref<128xi32, #tpu.memory_space<vmem>>
    %dma_start3A_36 = arith.constant 0 : i32
    %dma_start3A_37 = arith.constant 0 : i32
    %dma_start3A_38 = tpu.memref_slice %arg2[%dma_start3A_36, %dma_start3A_37] : memref<10112x128xf32, #tpu.memory_space<hbm>> -> memref<10112x128xf32, #tpu.memory_space<hbm>>
    tpu.enqueue_indirect_dma source(%dma_start3A_38 : memref<10112x128xf32, #tpu.memory_space<hbm>>) target(%dma_start3A_32 : memref<128x128xf32, #tpu.memory_space<vmem>>) offsets(%dma_start3A_35 : memref<128xi32, #tpu.memory_space<vmem>>) semaphore(%arg10 : memref<!tpu.dma_semaphore, #tpu.memory_space<semaphore_mem>>)
    %scan3A_39 = arith.constant 0 : i32
    %scan3A_40 = arith.constant 8 : i32
    %scan3A_41 = arith.addi %scan3A_39, %scan3A_40 : i32
    %scan3A_42 = arith.constant 1 : i32
    scf.for %scan3A_49 = %scan3A_39 to %scan3A_41 step %scan3A_42  : i32 {
      %mul3A_50 = arith.constant 2 : i32
      %mul3A_51 = arith.muli %scan3A_49, %mul3A_50 : i32
      %add3A_52 = arith.constant 0 : i32
      %add3A_53 = arith.addi %add3A_52, %mul3A_51 : i32
      %add3A_54 = arith.constant 1 : i32
      %add3A_55 = arith.addi %add3A_53, %add3A_54 : i32
      %dma_start3A_56 = arith.constant 1 : i32
      %dma_start3A_57 = arith.constant 0 : i32
      %dma_start3A_58 = arith.constant 0 : i32
      %dma_start3A_59 = tpu.memref_slice %arg8[%dma_start3A_56, %dma_start3A_57, %dma_start3A_58] : memref<2x128x128xf32, #tpu.memory_space<vmem>> -> memref<1x128x128xf32, #tpu.memory_space<vmem>>
      %dma_start3A_60 = tpu.memref_squeeze %dma_start3A_59 : memref<1x128x128xf32, #tpu.memory_space<vmem>> -> memref<128x128xf32, #tpu.memory_space<vmem>>
      %dma_start3A_61 = arith.constant 0 : i32
      %dma_start3A_62 = tpu.memref_slice %arg6[%add3A_55, %dma_start3A_61] : memref<64x128xi32, #tpu.memory_space<vmem>> -> memref<1x128xi32, #tpu.memory_space<vmem>>
      %dma_start3A_63 = tpu.memref_squeeze %dma_start3A_62 : memref<1x128xi32, #tpu.memory_space<vmem>> -> memref<128xi32, #tpu.memory_space<vmem>>
      %dma_start3A_64 = arith.constant 0 : i32
      %dma_start3A_65 = arith.constant 0 : i32
      %dma_start3A_66 = tpu.memref_slice %arg2[%dma_start3A_64, %dma_start3A_65] : memref<10112x128xf32, #tpu.memory_space<hbm>> -> memref<10112x128xf32, #tpu.memory_space<hbm>>
      tpu.enqueue_indirect_dma source(%dma_start3A_66 : memref<10112x128xf32, #tpu.memory_space<hbm>>) target(%dma_start3A_60 : memref<128x128xf32, #tpu.memory_space<vmem>>) offsets(%dma_start3A_63 : memref<128xi32, #tpu.memory_space<vmem>>) semaphore(%arg11 : memref<!tpu.dma_semaphore, #tpu.memory_space<semaphore_mem>>)
      %dma_wait3A = arith.constant 0 : i32
      %dma_wait3A_67 = arith.constant 0 : i32
      %dma_wait3A_68 = arith.constant 0 : i32
      %dma_wait3A_69 = tpu.memref_slice %arg8[%dma_wait3A, %dma_wait3A_67, %dma_wait3A_68] : memref<2x128x128xf32, #tpu.memory_space<vmem>> -> memref<1x128x128xf32, #tpu.memory_space<vmem>>
      %dma_wait3A_70 = tpu.memref_squeeze %dma_wait3A_69 : memref<1x128x128xf32, #tpu.memory_space<vmem>> -> memref<128x128xf32, #tpu.memory_space<vmem>>
      %dma_wait3A_71 = arith.constant 0 : i32
      %dma_wait3A_72 = tpu.memref_slice %arg6[%add3A_53, %dma_wait3A_71] : memref<64x128xi32, #tpu.memory_space<vmem>> -> memref<1x128xi32, #tpu.memory_space<vmem>>
      %dma_wait3A_73 = tpu.memref_squeeze %dma_wait3A_72 : memref<1x128xi32, #tpu.memory_space<vmem>> -> memref<128xi32, #tpu.memory_space<vmem>>
      %dma_wait3A_74 = arith.constant 0 : i32
      %dma_wait3A_75 = arith.constant 0 : i32
      %dma_wait3A_76 = tpu.memref_slice %arg2[%dma_wait3A_74, %dma_wait3A_75] : memref<10112x128xf32, #tpu.memory_space<hbm>> -> memref<10112x128xf32, #tpu.memory_space<hbm>>
      tpu.wait_indirect_dma semaphore(%arg10 : memref<!tpu.dma_semaphore, #tpu.memory_space<semaphore_mem>>) src(%dma_wait3A_76 : memref<10112x128xf32, #tpu.memory_space<hbm>>) dst(%dma_wait3A_70 : memref<128x128xf32, #tpu.memory_space<vmem>>)
      %run_scoped3A_77 = arith.constant 0 : i32
      "tpu.region"() ({
        %run_scoped3A_98 = tpu.sem_alloc : memref<!tpu.dma_semaphore, #tpu.memory_space<semaphore_mem>>
        %dma_start3A_99 = arith.constant 0 : i32
        %dma_start3A_100 = arith.constant 0 : i32
        %dma_start3A_101 = tpu.memref_slice %arg8[%run_scoped3A_77, %dma_start3A_99, %dma_start3A_100] : memref<2x128x128xf32, #tpu.memory_space<vmem>> -> memref<1x128x128xf32, #tpu.memory_space<vmem>>
        %dma_start3A_102 = tpu.memref_squeeze %dma_start3A_101 : memref<1x128x128xf32, #tpu.memory_space<vmem>> -> memref<128x128xf32, #tpu.memory_space<vmem>>
        %dma_start3A_103 = arith.constant 0 : i32
        %dma_start3A_104 = tpu.memref_slice %arg7[%add3A_53, %dma_start3A_103] : memref<64x128xi32, #tpu.memory_space<vmem>> -> memref<1x128xi32, #tpu.memory_space<vmem>>
        %dma_start3A_105 = tpu.memref_squeeze %dma_start3A_104 : memref<1x128xi32, #tpu.memory_space<vmem>> -> memref<128xi32, #tpu.memory_space<vmem>>
        %dma_start3A_106 = arith.constant 0 : i32
        %dma_start3A_107 = arith.constant 0 : i32
        %dma_start3A_108 = tpu.memref_slice %arg9[%dma_start3A_106, %dma_start3A_107] : memref<10112x128xf32, #tpu.memory_space<vmem_shared>> -> memref<10112x128xf32, #tpu.memory_space<vmem_shared>>
        tpu.enqueue_indirect_dma source(%dma_start3A_102 : memref<128x128xf32, #tpu.memory_space<vmem>>) target(%dma_start3A_108 : memref<10112x128xf32, #tpu.memory_space<vmem_shared>>) offsets(%dma_start3A_105 : memref<128xi32, #tpu.memory_space<vmem>>) semaphore(%run_scoped3A_98 : memref<!tpu.dma_semaphore, #tpu.memory_space<semaphore_mem>>) {add = true}
        %dma_wait3A_109 = arith.constant 0 : i32
        %dma_wait3A_110 = arith.constant 0 : i32
        %dma_wait3A_111 = tpu.memref_slice %arg8[%run_scoped3A_77, %dma_wait3A_109, %dma_wait3A_110] : memref<2x128x128xf32, #tpu.memory_space<vmem>> -> memref<1x128x128xf32, #tpu.memory_space<vmem>>
        %dma_wait3A_112 = tpu.memref_squeeze %dma_wait3A_111 : memref<1x128x128xf32, #tpu.memory_space<vmem>> -> memref<128x128xf32, #tpu.memory_space<vmem>>
        %dma_wait3A_113 = arith.constant 0 : i32
        %dma_wait3A_114 = tpu.memref_slice %arg7[%add3A_53, %dma_wait3A_113] : memref<64x128xi32, #tpu.memory_space<vmem>> -> memref<1x128xi32, #tpu.memory_space<vmem>>
        %dma_wait3A_115 = tpu.memref_squeeze %dma_wait3A_114 : memref<1x128xi32, #tpu.memory_space<vmem>> -> memref<128xi32, #tpu.memory_space<vmem>>
        %dma_wait3A_116 = arith.constant 0 : i32
        %dma_wait3A_117 = arith.constant 0 : i32
        %dma_wait3A_118 = tpu.memref_slice %arg9[%dma_wait3A_116, %dma_wait3A_117] : memref<10112x128xf32, #tpu.memory_space<vmem_shared>> -> memref<10112x128xf32, #tpu.memory_space<vmem_shared>>
        tpu.wait_indirect_dma semaphore(%run_scoped3A_98 : memref<!tpu.dma_semaphore, #tpu.memory_space<semaphore_mem>>) src(%dma_wait3A_112 : memref<128x128xf32, #tpu.memory_space<vmem>>) dst(%dma_wait3A_118 : memref<10112x128xf32, #tpu.memory_space<vmem_shared>>)
        tpu.yield
      }) : () -> ()
      %add3A_78 = arith.constant 2 : i32
      %add3A_79 = arith.addi %add3A_53, %add3A_78 : i32
      %lt3A = arith.constant 16 : i32
      %lt3A_80 = arith.cmpi slt, %add3A_79, %lt3A : i32
      %convert_element_type3A = arith.extui %lt3A_80 : i1 to i32
      %cond3A = arith.constant 0 : i32
      %cond3A_81 = arith.cmpi ne, %convert_element_type3A, %cond3A : i32
      scf.if %cond3A_81 {
        %add3A_98 = arith.constant 2 : i32
        %add3A_99 = arith.addi %add3A_53, %add3A_98 : i32
        %dma_start3A_100 = arith.constant 0 : i32
        %dma_start3A_101 = arith.constant 0 : i32
        %dma_start3A_102 = arith.constant 0 : i32
        %dma_start3A_103 = tpu.memref_slice %arg8[%dma_start3A_100, %dma_start3A_101, %dma_start3A_102] : memref<2x128x128xf32, #tpu.memory_space<vmem>> -> memref<1x128x128xf32, #tpu.memory_space<vmem>>
        %dma_start3A_104 = tpu.memref_squeeze %dma_start3A_103 : memref<1x128x128xf32, #tpu.memory_space<vmem>> -> memref<128x128xf32, #tpu.memory_space<vmem>>
        %dma_start3A_105 = arith.constant 0 : i32
        %dma_start3A_106 = tpu.memref_slice %arg6[%add3A_99, %dma_start3A_105] : memref<64x128xi32, #tpu.memory_space<vmem>> -> memref<1x128xi32, #tpu.memory_space<vmem>>
        %dma_start3A_107 = tpu.memref_squeeze %dma_start3A_106 : memref<1x128xi32, #tpu.memory_space<vmem>> -> memref<128xi32, #tpu.memory_space<vmem>>
        %dma_start3A_108 = arith.constant 0 : i32
        %dma_start3A_109 = arith.constant 0 : i32
        %dma_start3A_110 = tpu.memref_slice %arg2[%dma_start3A_108, %dma_start3A_109] : memref<10112x128xf32, #tpu.memory_space<hbm>> -> memref<10112x128xf32, #tpu.memory_space<hbm>>
        tpu.enqueue_indirect_dma source(%dma_start3A_110 : memref<10112x128xf32, #tpu.memory_space<hbm>>) target(%dma_start3A_104 : memref<128x128xf32, #tpu.memory_space<vmem>>) offsets(%dma_start3A_107 : memref<128xi32, #tpu.memory_space<vmem>>) semaphore(%arg10 : memref<!tpu.dma_semaphore, #tpu.memory_space<semaphore_mem>>)
      } else {
      }
      %add3A_82 = arith.constant 1 : i32
      %add3A_83 = arith.addi %add3A_53, %add3A_82 : i32
      %dma_wait3A_84 = arith.constant 1 : i32
      %dma_wait3A_85 = arith.constant 0 : i32
      %dma_wait3A_86 = arith.constant 0 : i32
      %dma_wait3A_87 = tpu.memref_slice %arg8[%dma_wait3A_84, %dma_wait3A_85, %dma_wait3A_86] : memref<2x128x128xf32, #tpu.memory_space<vmem>> -> memref<1x128x128xf32, #tpu.memory_space<vmem>>
      %dma_wait3A_88 = tpu.memref_squeeze %dma_wait3A_87 : memref<1x128x128xf32, #tpu.memory_space<vmem>> -> memref<128x128xf32, #tpu.memory_space<vmem>>
      %dma_wait3A_89 = arith.constant 0 : i32
      %dma_wait3A_90 = tpu.memref_slice %arg6[%add3A_83, %dma_wait3A_89] : memref<64x128xi32, #tpu.memory_space<vmem>> -> memref<1x128xi32, #tpu.memory_space<vmem>>
      %dma_wait3A_91 = tpu.memref_squeeze %dma_wait3A_90 : memref<1x128xi32, #tpu.memory_space<vmem>> -> memref<128xi32, #tpu.memory_space<vmem>>
      %dma_wait3A_92 = arith.constant 0 : i32
      %dma_wait3A_93 = arith.constant 0 : i32
      %dma_wait3A_94 = tpu.memref_slice %arg2[%dma_wait3A_92, %dma_wait3A_93] : memref<10112x128xf32, #tpu.memory_space<hbm>> -> memref<10112x128xf32, #tpu.memory_space<hbm>>
      tpu.wait_indirect_dma semaphore(%arg11 : memref<!tpu.dma_semaphore, #tpu.memory_space<semaphore_mem>>) src(%dma_wait3A_94 : memref<10112x128xf32, #tpu.memory_space<hbm>>) dst(%dma_wait3A_88 : memref<128x128xf32, #tpu.memory_space<vmem>>)
      %add3A_95 = arith.constant 1 : i32
      %add3A_96 = arith.addi %add3A_53, %add3A_95 : i32
      %run_scoped3A_97 = arith.constant 1 : i32
      "tpu.region"() ({
        %run_scoped3A_98 = tpu.sem_alloc : memref<!tpu.dma_semaphore, #tpu.memory_space<semaphore_mem>>
        %dma_start3A_99 = arith.constant 0 : i32
        %dma_start3A_100 = arith.constant 0 : i32
        %dma_start3A_101 = tpu.memref_slice %arg8[%run_scoped3A_97, %dma_start3A_99, %dma_start3A_100] : memref<2x128x128xf32, #tpu.memory_space<vmem>> -> memref<1x128x128xf32, #tpu.memory_space<vmem>>
        %dma_start3A_102 = tpu.memref_squeeze %dma_start3A_101 : memref<1x128x128xf32, #tpu.memory_space<vmem>> -> memref<128x128xf32, #tpu.memory_space<vmem>>
        %dma_start3A_103 = arith.constant 0 : i32
        %dma_start3A_104 = tpu.memref_slice %arg7[%add3A_96, %dma_start3A_103] : memref<64x128xi32, #tpu.memory_space<vmem>> -> memref<1x128xi32, #tpu.memory_space<vmem>>
        %dma_start3A_105 = tpu.memref_squeeze %dma_start3A_104 : memref<1x128xi32, #tpu.memory_space<vmem>> -> memref<128xi32, #tpu.memory_space<vmem>>
        %dma_start3A_106 = arith.constant 0 : i32
        %dma_start3A_107 = arith.constant 0 : i32
        %dma_start3A_108 = tpu.memref_slice %arg9[%dma_start3A_106, %dma_start3A_107] : memref<10112x128xf32, #tpu.memory_space<vmem_shared>> -> memref<10112x128xf32, #tpu.memory_space<vmem_shared>>
        tpu.enqueue_indirect_dma source(%dma_start3A_102 : memref<128x128xf32, #tpu.memory_space<vmem>>) target(%dma_start3A_108 : memref<10112x128xf32, #tpu.memory_space<vmem_shared>>) offsets(%dma_start3A_105 : memref<128xi32, #tpu.memory_space<vmem>>) semaphore(%run_scoped3A_98 : memref<!tpu.dma_semaphore, #tpu.memory_space<semaphore_mem>>) {add = true}
        %dma_wait3A_109 = arith.constant 0 : i32
        %dma_wait3A_110 = arith.constant 0 : i32
        %dma_wait3A_111 = tpu.memref_slice %arg8[%run_scoped3A_97, %dma_wait3A_109, %dma_wait3A_110] : memref<2x128x128xf32, #tpu.memory_space<vmem>> -> memref<1x128x128xf32, #tpu.memory_space<vmem>>
        %dma_wait3A_112 = tpu.memref_squeeze %dma_wait3A_111 : memref<1x128x128xf32, #tpu.memory_space<vmem>> -> memref<128x128xf32, #tpu.memory_space<vmem>>
        %dma_wait3A_113 = arith.constant 0 : i32
        %dma_wait3A_114 = tpu.memref_slice %arg7[%add3A_96, %dma_wait3A_113] : memref<64x128xi32, #tpu.memory_space<vmem>> -> memref<1x128xi32, #tpu.memory_space<vmem>>
        %dma_wait3A_115 = tpu.memref_squeeze %dma_wait3A_114 : memref<1x128xi32, #tpu.memory_space<vmem>> -> memref<128xi32, #tpu.memory_space<vmem>>
        %dma_wait3A_116 = arith.constant 0 : i32
        %dma_wait3A_117 = arith.constant 0 : i32
        %dma_wait3A_118 = tpu.memref_slice %arg9[%dma_wait3A_116, %dma_wait3A_117] : memref<10112x128xf32, #tpu.memory_space<vmem_shared>> -> memref<10112x128xf32, #tpu.memory_space<vmem_shared>>
        tpu.wait_indirect_dma semaphore(%run_scoped3A_98 : memref<!tpu.dma_semaphore, #tpu.memory_space<semaphore_mem>>) src(%dma_wait3A_112 : memref<128x128xf32, #tpu.memory_space<vmem>>) dst(%dma_wait3A_118 : memref<10112x128xf32, #tpu.memory_space<vmem_shared>>)
        tpu.yield
      }) : () -> ()
    }
    %scan3A_43 = arith.constant 8 : i32
    %barrier3A_44 = arith.constant 0 : index
    tpu.barrier barrier_id(%barrier3A_44)
    %mul3A_45 = arith.constant 632 : i32
    %mul3A_46 = arith.muli %arg1, %mul3A_45 : i32
    %mul3A_47 = arith.constant 632 : i32
    %mul3A_48 = arith.muli %arg1, %mul3A_47 : i32
    "tpu.region"() ({
      %run_scoped3A_49 = tpu.sem_alloc : memref<!tpu.dma_semaphore, #tpu.memory_space<semaphore_mem>>
      %dma_start3A_50 = arith.constant 0 : i32
      %dma_start3A_51 = tpu.memref_slice %arg5[%arg0, %mul3A_48, %dma_start3A_50] : memref<2x10112x128xf32, #tpu.memory_space<hbm>> -> memref<1x632x128xf32, #tpu.memory_space<hbm>>
      %dma_start3A_52 = tpu.memref_squeeze %dma_start3A_51 : memref<1x632x128xf32, #tpu.memory_space<hbm>> -> memref<632x128xf32, #tpu.memory_space<hbm>>
      %dma_start3A_53 = arith.constant 0 : i32
      %dma_start3A_54 = tpu.memref_slice %arg9[%mul3A_46, %dma_start3A_53] : memref<10112x128xf32, #tpu.memory_space<vmem_shared>> -> memref<632x128xf32, #tpu.memory_space<vmem_shared>>
      tpu.enqueue_dma source(%dma_start3A_54 : memref<632x128xf32, #tpu.memory_space<vmem_shared>>) target(%dma_start3A_52 : memref<632x128xf32, #tpu.memory_space<hbm>>) target_semaphore(%run_scoped3A_49 : memref<!tpu.dma_semaphore, #tpu.memory_space<semaphore_mem>>)
      %dma_wait3A = arith.constant 0 : i32
      %dma_wait3A_55 = tpu.memref_slice %arg5[%arg0, %mul3A_48, %dma_wait3A] : memref<2x10112x128xf32, #tpu.memory_space<hbm>> -> memref<1x632x128xf32, #tpu.memory_space<hbm>>
      %dma_wait3A_56 = tpu.memref_squeeze %dma_wait3A_55 : memref<1x632x128xf32, #tpu.memory_space<hbm>> -> memref<632x128xf32, #tpu.memory_space<hbm>>
      %dma_wait3A_57 = arith.constant 0 : i32
      %dma_wait3A_58 = tpu.memref_slice %arg9[%mul3A_46, %dma_wait3A_57] : memref<10112x128xf32, #tpu.memory_space<vmem_shared>> -> memref<632x128xf32, #tpu.memory_space<vmem_shared>>
      tpu.wait_dma2 semaphore(%run_scoped3A_49 : memref<!tpu.dma_semaphore, #tpu.memory_space<semaphore_mem>>) src(%dma_wait3A_58 : memref<632x128xf32, #tpu.memory_space<vmem_shared>>) dst(%dma_wait3A_56 : memref<632x128xf32, #tpu.memory_space<hbm>>)
      tpu.yield
    }) : () -> ()
    return
  }
}

#map = affine_map<(d0, d1) -> (0, 0)>
#map1 = affine_map<(d0, d1) -> (0, 0, 0)>
module attributes {stable_mosaic.version = 14 : i64} {
  func.func @agg_kernel(%arg0: i32, %arg1: i32, %arg2: memref<10112x128xf32, #tpu.memory_space<hbm>>, %arg3: memref<2x2560x128xi32, #tpu.memory_space<hbm>>, %arg4: memref<632x128xf32, #tpu.memory_space<hbm>>, %arg5: memref<2x10112x128xf32, #tpu.memory_space<hbm>>, %arg6: memref<64x128xi32, #tpu.memory_space<vmem>>, %arg7: memref<64x128xi32, #tpu.memory_space<vmem>>, %arg8: memref<2x128x128xf32, #tpu.memory_space<vmem>>, %arg9: memref<10112x128xf32, #tpu.memory_space<vmem_shared>>, %arg10: memref<!tpu.dma_semaphore, #tpu.memory_space<semaphore_mem>>, %arg11: memref<!tpu.dma_semaphore, #tpu.memory_space<semaphore_mem>>) attributes {dimension_semantics = [#tpu.dimension_semantics<core_parallel>, #tpu.dimension_semantics<subcore_parallel>], iteration_bounds = array<i64: 2, 16>, scalar_prefetch = 0 : i64, scratch_operands = 6 : i64, tpu.core_type = #tpu.core_type<sc_vector_subcore>, window_params = [{transform_indices = #map}, {transform_indices = #map1}, {transform_indices = #map}, {transform_indices = #map1}]} {
    %mul3A = arith.constant 16 : i32
    %mul3A_0 = arith.muli %arg0, %mul3A : i32
    %add3A = arith.addi %mul3A_0, %arg1 : i32
    %mul3A_1 = arith.constant 80 : i32
    %mul3A_2 = arith.muli %add3A, %mul3A_1 : i32
    %mul3A_3 = arith.constant 632 : i32
    %mul3A_4 = arith.muli %arg1, %mul3A_3 : i32
    "tpu.region"() ({
      %run_scoped3A_49 = tpu.sem_alloc : memref<!tpu.dma_semaphore, #tpu.memory_space<semaphore_mem>>
      %dma_start3A_50 = arith.constant 0 : i32
      %dma_start3A_51 = tpu.memref_slice %arg9[%mul3A_4, %dma_start3A_50] : memref<10112x128xf32, #tpu.memory_space<vmem_shared>> -> memref<632x128xf32, #tpu.memory_space<vmem_shared>>
      tpu.enqueue_dma source(%arg4 : memref<632x128xf32, #tpu.memory_space<hbm>>) target(%dma_start3A_51 : memref<632x128xf32, #tpu.memory_space<vmem_shared>>) target_semaphore(%run_scoped3A_49 : memref<!tpu.dma_semaphore, #tpu.memory_space<semaphore_mem>>)
      %dma_wait3A = arith.constant 0 : i32
      %dma_wait3A_52 = tpu.memref_slice %arg9[%mul3A_4, %dma_wait3A] : memref<10112x128xf32, #tpu.memory_space<vmem_shared>> -> memref<632x128xf32, #tpu.memory_space<vmem_shared>>
      tpu.wait_dma2 semaphore(%run_scoped3A_49 : memref<!tpu.dma_semaphore, #tpu.memory_space<semaphore_mem>>) src(%arg4 : memref<632x128xf32, #tpu.memory_space<hbm>>) dst(%dma_wait3A_52 : memref<632x128xf32, #tpu.memory_space<vmem_shared>>)
      tpu.yield
    }) : () -> ()
    %run_scoped3A = arith.constant 0 : i32
    "tpu.region"() ({
      %run_scoped3A_49 = tpu.sem_alloc : memref<!tpu.dma_semaphore, #tpu.memory_space<semaphore_mem>>
      %dma_start3A_50 = arith.constant 0 : i32
      %dma_start3A_51 = tpu.memref_slice %arg3[%run_scoped3A, %mul3A_2, %dma_start3A_50] : memref<2x2560x128xi32, #tpu.memory_space<hbm>> -> memref<1x64x128xi32, #tpu.memory_space<hbm>>
      %dma_start3A_52 = tpu.memref_squeeze %dma_start3A_51 : memref<1x64x128xi32, #tpu.memory_space<hbm>> -> memref<64x128xi32, #tpu.memory_space<hbm>>
      %dma_start3A_53 = arith.constant 0 : i32
      %dma_start3A_54 = tpu.memref_slice %arg3[%run_scoped3A, %mul3A_2, %dma_start3A_53] : memref<2x2560x128xi32, #tpu.memory_space<hbm>> -> memref<1x64x128xi32, #tpu.memory_space<hbm>>
      %dma_start3A_55 = tpu.memref_squeeze %dma_start3A_54 : memref<1x64x128xi32, #tpu.memory_space<hbm>> -> memref<64x128xi32, #tpu.memory_space<hbm>>
      tpu.enqueue_dma source(%dma_start3A_55 : memref<64x128xi32, #tpu.memory_space<hbm>>) target(%arg6 : memref<64x128xi32, #tpu.memory_space<vmem>>) target_semaphore(%run_scoped3A_49 : memref<!tpu.dma_semaphore, #tpu.memory_space<semaphore_mem>>)
      %dma_wait3A = arith.constant 0 : i32
      %dma_wait3A_56 = tpu.memref_slice %arg3[%run_scoped3A, %mul3A_2, %dma_wait3A] : memref<2x2560x128xi32, #tpu.memory_space<hbm>> -> memref<1x64x128xi32, #tpu.memory_space<hbm>>
      %dma_wait3A_57 = tpu.memref_squeeze %dma_wait3A_56 : memref<1x64x128xi32, #tpu.memory_space<hbm>> -> memref<64x128xi32, #tpu.memory_space<hbm>>
      %dma_wait3A_58 = arith.constant 0 : i32
      %dma_wait3A_59 = tpu.memref_slice %arg3[%run_scoped3A, %mul3A_2, %dma_wait3A_58] : memref<2x2560x128xi32, #tpu.memory_space<hbm>> -> memref<1x64x128xi32, #tpu.memory_space<hbm>>
      %dma_wait3A_60 = tpu.memref_squeeze %dma_wait3A_59 : memref<1x64x128xi32, #tpu.memory_space<hbm>> -> memref<64x128xi32, #tpu.memory_space<hbm>>
      tpu.wait_dma2 semaphore(%run_scoped3A_49 : memref<!tpu.dma_semaphore, #tpu.memory_space<semaphore_mem>>) src(%dma_wait3A_60 : memref<64x128xi32, #tpu.memory_space<hbm>>) dst(%arg6 : memref<64x128xi32, #tpu.memory_space<vmem>>)
      tpu.yield
    }) : () -> ()
    %run_scoped3A_5 = arith.constant 1 : i32
    "tpu.region"() ({
      %run_scoped3A_49 = tpu.sem_alloc : memref<!tpu.dma_semaphore, #tpu.memory_space<semaphore_mem>>
      %dma_start3A_50 = arith.constant 0 : i32
      %dma_start3A_51 = tpu.memref_slice %arg3[%run_scoped3A_5, %mul3A_2, %dma_start3A_50] : memref<2x2560x128xi32, #tpu.memory_space<hbm>> -> memref<1x64x128xi32, #tpu.memory_space<hbm>>
      %dma_start3A_52 = tpu.memref_squeeze %dma_start3A_51 : memref<1x64x128xi32, #tpu.memory_space<hbm>> -> memref<64x128xi32, #tpu.memory_space<hbm>>
      %dma_start3A_53 = arith.constant 0 : i32
      %dma_start3A_54 = tpu.memref_slice %arg3[%run_scoped3A_5, %mul3A_2, %dma_start3A_53] : memref<2x2560x128xi32, #tpu.memory_space<hbm>> -> memref<1x64x128xi32, #tpu.memory_space<hbm>>
      %dma_start3A_55 = tpu.memref_squeeze %dma_start3A_54 : memref<1x64x128xi32, #tpu.memory_space<hbm>> -> memref<64x128xi32, #tpu.memory_space<hbm>>
      tpu.enqueue_dma source(%dma_start3A_55 : memref<64x128xi32, #tpu.memory_space<hbm>>) target(%arg7 : memref<64x128xi32, #tpu.memory_space<vmem>>) target_semaphore(%run_scoped3A_49 : memref<!tpu.dma_semaphore, #tpu.memory_space<semaphore_mem>>)
      %dma_wait3A = arith.constant 0 : i32
      %dma_wait3A_56 = tpu.memref_slice %arg3[%run_scoped3A_5, %mul3A_2, %dma_wait3A] : memref<2x2560x128xi32, #tpu.memory_space<hbm>> -> memref<1x64x128xi32, #tpu.memory_space<hbm>>
      %dma_wait3A_57 = tpu.memref_squeeze %dma_wait3A_56 : memref<1x64x128xi32, #tpu.memory_space<hbm>> -> memref<64x128xi32, #tpu.memory_space<hbm>>
      %dma_wait3A_58 = arith.constant 0 : i32
      %dma_wait3A_59 = tpu.memref_slice %arg3[%run_scoped3A_5, %mul3A_2, %dma_wait3A_58] : memref<2x2560x128xi32, #tpu.memory_space<hbm>> -> memref<1x64x128xi32, #tpu.memory_space<hbm>>
      %dma_wait3A_60 = tpu.memref_squeeze %dma_wait3A_59 : memref<1x64x128xi32, #tpu.memory_space<hbm>> -> memref<64x128xi32, #tpu.memory_space<hbm>>
      tpu.wait_dma2 semaphore(%run_scoped3A_49 : memref<!tpu.dma_semaphore, #tpu.memory_space<semaphore_mem>>) src(%dma_wait3A_60 : memref<64x128xi32, #tpu.memory_space<hbm>>) dst(%arg7 : memref<64x128xi32, #tpu.memory_space<vmem>>)
      tpu.yield
    }) : () -> ()
    %barrier3A = arith.constant 0 : index
    tpu.barrier barrier_id(%barrier3A)
    %dma_start3A = arith.constant 0 : i32
    %dma_start3A_6 = arith.constant 0 : i32
    %dma_start3A_7 = arith.constant 0 : i32
    %dma_start3A_8 = arith.constant 0 : i32
    %dma_start3A_9 = tpu.memref_slice %arg8[%dma_start3A_6, %dma_start3A_7, %dma_start3A_8] : memref<2x128x128xf32, #tpu.memory_space<vmem>> -> memref<1x128x128xf32, #tpu.memory_space<vmem>>
    %dma_start3A_10 = tpu.memref_squeeze %dma_start3A_9 : memref<1x128x128xf32, #tpu.memory_space<vmem>> -> memref<128x128xf32, #tpu.memory_space<vmem>>
    %dma_start3A_11 = arith.constant 0 : i32
    %dma_start3A_12 = tpu.memref_slice %arg6[%dma_start3A, %dma_start3A_11] : memref<64x128xi32, #tpu.memory_space<vmem>> -> memref<1x128xi32, #tpu.memory_space<vmem>>
    %dma_start3A_13 = tpu.memref_squeeze %dma_start3A_12 : memref<1x128xi32, #tpu.memory_space<vmem>> -> memref<128xi32, #tpu.memory_space<vmem>>
    %dma_start3A_14 = arith.constant 0 : i32
    %dma_start3A_15 = arith.constant 0 : i32
    %dma_start3A_16 = tpu.memref_slice %arg2[%dma_start3A_14, %dma_start3A_15] : memref<10112x128xf32, #tpu.memory_space<hbm>> -> memref<10112x128xf32, #tpu.memory_space<hbm>>
    tpu.enqueue_indirect_dma source(%dma_start3A_16 : memref<10112x128xf32, #tpu.memory_space<hbm>>) target(%dma_start3A_10 : memref<128x128xf32, #tpu.memory_space<vmem>>) offsets(%dma_start3A_13 : memref<128xi32, #tpu.memory_space<vmem>>) semaphore(%arg10 : memref<!tpu.dma_semaphore, #tpu.memory_space<semaphore_mem>>)
    %scan3A = arith.constant 0 : i32
    %scan3A_17 = arith.constant 32 : i32
    %scan3A_18 = arith.addi %scan3A, %scan3A_17 : i32
    %scan3A_19 = arith.constant 1 : i32
    scf.for %scan3A_49 = %scan3A to %scan3A_18 step %scan3A_19  : i32 {
      %mul3A_50 = arith.constant 2 : i32
      %mul3A_51 = arith.muli %scan3A_49, %mul3A_50 : i32
      %add3A_52 = arith.constant 0 : i32
      %add3A_53 = arith.addi %add3A_52, %mul3A_51 : i32
      %add3A_54 = arith.constant 1 : i32
      %add3A_55 = arith.addi %add3A_53, %add3A_54 : i32
      %dma_start3A_56 = arith.constant 1 : i32
      %dma_start3A_57 = arith.constant 0 : i32
      %dma_start3A_58 = arith.constant 0 : i32
      %dma_start3A_59 = tpu.memref_slice %arg8[%dma_start3A_56, %dma_start3A_57, %dma_start3A_58] : memref<2x128x128xf32, #tpu.memory_space<vmem>> -> memref<1x128x128xf32, #tpu.memory_space<vmem>>
      %dma_start3A_60 = tpu.memref_squeeze %dma_start3A_59 : memref<1x128x128xf32, #tpu.memory_space<vmem>> -> memref<128x128xf32, #tpu.memory_space<vmem>>
      %dma_start3A_61 = arith.constant 0 : i32
      %dma_start3A_62 = tpu.memref_slice %arg6[%add3A_55, %dma_start3A_61] : memref<64x128xi32, #tpu.memory_space<vmem>> -> memref<1x128xi32, #tpu.memory_space<vmem>>
      %dma_start3A_63 = tpu.memref_squeeze %dma_start3A_62 : memref<1x128xi32, #tpu.memory_space<vmem>> -> memref<128xi32, #tpu.memory_space<vmem>>
      %dma_start3A_64 = arith.constant 0 : i32
      %dma_start3A_65 = arith.constant 0 : i32
      %dma_start3A_66 = tpu.memref_slice %arg2[%dma_start3A_64, %dma_start3A_65] : memref<10112x128xf32, #tpu.memory_space<hbm>> -> memref<10112x128xf32, #tpu.memory_space<hbm>>
      tpu.enqueue_indirect_dma source(%dma_start3A_66 : memref<10112x128xf32, #tpu.memory_space<hbm>>) target(%dma_start3A_60 : memref<128x128xf32, #tpu.memory_space<vmem>>) offsets(%dma_start3A_63 : memref<128xi32, #tpu.memory_space<vmem>>) semaphore(%arg11 : memref<!tpu.dma_semaphore, #tpu.memory_space<semaphore_mem>>)
      %dma_wait3A = arith.constant 0 : i32
      %dma_wait3A_67 = arith.constant 0 : i32
      %dma_wait3A_68 = arith.constant 0 : i32
      %dma_wait3A_69 = tpu.memref_slice %arg8[%dma_wait3A, %dma_wait3A_67, %dma_wait3A_68] : memref<2x128x128xf32, #tpu.memory_space<vmem>> -> memref<1x128x128xf32, #tpu.memory_space<vmem>>
      %dma_wait3A_70 = tpu.memref_squeeze %dma_wait3A_69 : memref<1x128x128xf32, #tpu.memory_space<vmem>> -> memref<128x128xf32, #tpu.memory_space<vmem>>
      %dma_wait3A_71 = arith.constant 0 : i32
      %dma_wait3A_72 = tpu.memref_slice %arg6[%add3A_53, %dma_wait3A_71] : memref<64x128xi32, #tpu.memory_space<vmem>> -> memref<1x128xi32, #tpu.memory_space<vmem>>
      %dma_wait3A_73 = tpu.memref_squeeze %dma_wait3A_72 : memref<1x128xi32, #tpu.memory_space<vmem>> -> memref<128xi32, #tpu.memory_space<vmem>>
      %dma_wait3A_74 = arith.constant 0 : i32
      %dma_wait3A_75 = arith.constant 0 : i32
      %dma_wait3A_76 = tpu.memref_slice %arg2[%dma_wait3A_74, %dma_wait3A_75] : memref<10112x128xf32, #tpu.memory_space<hbm>> -> memref<10112x128xf32, #tpu.memory_space<hbm>>
      tpu.wait_indirect_dma semaphore(%arg10 : memref<!tpu.dma_semaphore, #tpu.memory_space<semaphore_mem>>) src(%dma_wait3A_76 : memref<10112x128xf32, #tpu.memory_space<hbm>>) dst(%dma_wait3A_70 : memref<128x128xf32, #tpu.memory_space<vmem>>)
      %run_scoped3A_77 = arith.constant 0 : i32
      "tpu.region"() ({
        %run_scoped3A_98 = tpu.sem_alloc : memref<!tpu.dma_semaphore, #tpu.memory_space<semaphore_mem>>
        %dma_start3A_99 = arith.constant 0 : i32
        %dma_start3A_100 = arith.constant 0 : i32
        %dma_start3A_101 = tpu.memref_slice %arg8[%run_scoped3A_77, %dma_start3A_99, %dma_start3A_100] : memref<2x128x128xf32, #tpu.memory_space<vmem>> -> memref<1x128x128xf32, #tpu.memory_space<vmem>>
        %dma_start3A_102 = tpu.memref_squeeze %dma_start3A_101 : memref<1x128x128xf32, #tpu.memory_space<vmem>> -> memref<128x128xf32, #tpu.memory_space<vmem>>
        %dma_start3A_103 = arith.constant 0 : i32
        %dma_start3A_104 = tpu.memref_slice %arg7[%add3A_53, %dma_start3A_103] : memref<64x128xi32, #tpu.memory_space<vmem>> -> memref<1x128xi32, #tpu.memory_space<vmem>>
        %dma_start3A_105 = tpu.memref_squeeze %dma_start3A_104 : memref<1x128xi32, #tpu.memory_space<vmem>> -> memref<128xi32, #tpu.memory_space<vmem>>
        %dma_start3A_106 = arith.constant 0 : i32
        %dma_start3A_107 = arith.constant 0 : i32
        %dma_start3A_108 = tpu.memref_slice %arg9[%dma_start3A_106, %dma_start3A_107] : memref<10112x128xf32, #tpu.memory_space<vmem_shared>> -> memref<10112x128xf32, #tpu.memory_space<vmem_shared>>
        tpu.enqueue_indirect_dma source(%dma_start3A_102 : memref<128x128xf32, #tpu.memory_space<vmem>>) target(%dma_start3A_108 : memref<10112x128xf32, #tpu.memory_space<vmem_shared>>) offsets(%dma_start3A_105 : memref<128xi32, #tpu.memory_space<vmem>>) semaphore(%run_scoped3A_98 : memref<!tpu.dma_semaphore, #tpu.memory_space<semaphore_mem>>) {add = true}
        %dma_wait3A_109 = arith.constant 0 : i32
        %dma_wait3A_110 = arith.constant 0 : i32
        %dma_wait3A_111 = tpu.memref_slice %arg8[%run_scoped3A_77, %dma_wait3A_109, %dma_wait3A_110] : memref<2x128x128xf32, #tpu.memory_space<vmem>> -> memref<1x128x128xf32, #tpu.memory_space<vmem>>
        %dma_wait3A_112 = tpu.memref_squeeze %dma_wait3A_111 : memref<1x128x128xf32, #tpu.memory_space<vmem>> -> memref<128x128xf32, #tpu.memory_space<vmem>>
        %dma_wait3A_113 = arith.constant 0 : i32
        %dma_wait3A_114 = tpu.memref_slice %arg7[%add3A_53, %dma_wait3A_113] : memref<64x128xi32, #tpu.memory_space<vmem>> -> memref<1x128xi32, #tpu.memory_space<vmem>>
        %dma_wait3A_115 = tpu.memref_squeeze %dma_wait3A_114 : memref<1x128xi32, #tpu.memory_space<vmem>> -> memref<128xi32, #tpu.memory_space<vmem>>
        %dma_wait3A_116 = arith.constant 0 : i32
        %dma_wait3A_117 = arith.constant 0 : i32
        %dma_wait3A_118 = tpu.memref_slice %arg9[%dma_wait3A_116, %dma_wait3A_117] : memref<10112x128xf32, #tpu.memory_space<vmem_shared>> -> memref<10112x128xf32, #tpu.memory_space<vmem_shared>>
        tpu.wait_indirect_dma semaphore(%run_scoped3A_98 : memref<!tpu.dma_semaphore, #tpu.memory_space<semaphore_mem>>) src(%dma_wait3A_112 : memref<128x128xf32, #tpu.memory_space<vmem>>) dst(%dma_wait3A_118 : memref<10112x128xf32, #tpu.memory_space<vmem_shared>>)
        tpu.yield
      }) : () -> ()
      %add3A_78 = arith.constant 2 : i32
      %add3A_79 = arith.addi %add3A_53, %add3A_78 : i32
      %lt3A = arith.constant 64 : i32
      %lt3A_80 = arith.cmpi slt, %add3A_79, %lt3A : i32
      %convert_element_type3A = arith.extui %lt3A_80 : i1 to i32
      %cond3A = arith.constant 0 : i32
      %cond3A_81 = arith.cmpi ne, %convert_element_type3A, %cond3A : i32
      scf.if %cond3A_81 {
        %add3A_98 = arith.constant 2 : i32
        %add3A_99 = arith.addi %add3A_53, %add3A_98 : i32
        %dma_start3A_100 = arith.constant 0 : i32
        %dma_start3A_101 = arith.constant 0 : i32
        %dma_start3A_102 = arith.constant 0 : i32
        %dma_start3A_103 = tpu.memref_slice %arg8[%dma_start3A_100, %dma_start3A_101, %dma_start3A_102] : memref<2x128x128xf32, #tpu.memory_space<vmem>> -> memref<1x128x128xf32, #tpu.memory_space<vmem>>
        %dma_start3A_104 = tpu.memref_squeeze %dma_start3A_103 : memref<1x128x128xf32, #tpu.memory_space<vmem>> -> memref<128x128xf32, #tpu.memory_space<vmem>>
        %dma_start3A_105 = arith.constant 0 : i32
        %dma_start3A_106 = tpu.memref_slice %arg6[%add3A_99, %dma_start3A_105] : memref<64x128xi32, #tpu.memory_space<vmem>> -> memref<1x128xi32, #tpu.memory_space<vmem>>
        %dma_start3A_107 = tpu.memref_squeeze %dma_start3A_106 : memref<1x128xi32, #tpu.memory_space<vmem>> -> memref<128xi32, #tpu.memory_space<vmem>>
        %dma_start3A_108 = arith.constant 0 : i32
        %dma_start3A_109 = arith.constant 0 : i32
        %dma_start3A_110 = tpu.memref_slice %arg2[%dma_start3A_108, %dma_start3A_109] : memref<10112x128xf32, #tpu.memory_space<hbm>> -> memref<10112x128xf32, #tpu.memory_space<hbm>>
        tpu.enqueue_indirect_dma source(%dma_start3A_110 : memref<10112x128xf32, #tpu.memory_space<hbm>>) target(%dma_start3A_104 : memref<128x128xf32, #tpu.memory_space<vmem>>) offsets(%dma_start3A_107 : memref<128xi32, #tpu.memory_space<vmem>>) semaphore(%arg10 : memref<!tpu.dma_semaphore, #tpu.memory_space<semaphore_mem>>)
      } else {
      }
      %add3A_82 = arith.constant 1 : i32
      %add3A_83 = arith.addi %add3A_53, %add3A_82 : i32
      %dma_wait3A_84 = arith.constant 1 : i32
      %dma_wait3A_85 = arith.constant 0 : i32
      %dma_wait3A_86 = arith.constant 0 : i32
      %dma_wait3A_87 = tpu.memref_slice %arg8[%dma_wait3A_84, %dma_wait3A_85, %dma_wait3A_86] : memref<2x128x128xf32, #tpu.memory_space<vmem>> -> memref<1x128x128xf32, #tpu.memory_space<vmem>>
      %dma_wait3A_88 = tpu.memref_squeeze %dma_wait3A_87 : memref<1x128x128xf32, #tpu.memory_space<vmem>> -> memref<128x128xf32, #tpu.memory_space<vmem>>
      %dma_wait3A_89 = arith.constant 0 : i32
      %dma_wait3A_90 = tpu.memref_slice %arg6[%add3A_83, %dma_wait3A_89] : memref<64x128xi32, #tpu.memory_space<vmem>> -> memref<1x128xi32, #tpu.memory_space<vmem>>
      %dma_wait3A_91 = tpu.memref_squeeze %dma_wait3A_90 : memref<1x128xi32, #tpu.memory_space<vmem>> -> memref<128xi32, #tpu.memory_space<vmem>>
      %dma_wait3A_92 = arith.constant 0 : i32
      %dma_wait3A_93 = arith.constant 0 : i32
      %dma_wait3A_94 = tpu.memref_slice %arg2[%dma_wait3A_92, %dma_wait3A_93] : memref<10112x128xf32, #tpu.memory_space<hbm>> -> memref<10112x128xf32, #tpu.memory_space<hbm>>
      tpu.wait_indirect_dma semaphore(%arg11 : memref<!tpu.dma_semaphore, #tpu.memory_space<semaphore_mem>>) src(%dma_wait3A_94 : memref<10112x128xf32, #tpu.memory_space<hbm>>) dst(%dma_wait3A_88 : memref<128x128xf32, #tpu.memory_space<vmem>>)
      %add3A_95 = arith.constant 1 : i32
      %add3A_96 = arith.addi %add3A_53, %add3A_95 : i32
      %run_scoped3A_97 = arith.constant 1 : i32
      "tpu.region"() ({
        %run_scoped3A_98 = tpu.sem_alloc : memref<!tpu.dma_semaphore, #tpu.memory_space<semaphore_mem>>
        %dma_start3A_99 = arith.constant 0 : i32
        %dma_start3A_100 = arith.constant 0 : i32
        %dma_start3A_101 = tpu.memref_slice %arg8[%run_scoped3A_97, %dma_start3A_99, %dma_start3A_100] : memref<2x128x128xf32, #tpu.memory_space<vmem>> -> memref<1x128x128xf32, #tpu.memory_space<vmem>>
        %dma_start3A_102 = tpu.memref_squeeze %dma_start3A_101 : memref<1x128x128xf32, #tpu.memory_space<vmem>> -> memref<128x128xf32, #tpu.memory_space<vmem>>
        %dma_start3A_103 = arith.constant 0 : i32
        %dma_start3A_104 = tpu.memref_slice %arg7[%add3A_96, %dma_start3A_103] : memref<64x128xi32, #tpu.memory_space<vmem>> -> memref<1x128xi32, #tpu.memory_space<vmem>>
        %dma_start3A_105 = tpu.memref_squeeze %dma_start3A_104 : memref<1x128xi32, #tpu.memory_space<vmem>> -> memref<128xi32, #tpu.memory_space<vmem>>
        %dma_start3A_106 = arith.constant 0 : i32
        %dma_start3A_107 = arith.constant 0 : i32
        %dma_start3A_108 = tpu.memref_slice %arg9[%dma_start3A_106, %dma_start3A_107] : memref<10112x128xf32, #tpu.memory_space<vmem_shared>> -> memref<10112x128xf32, #tpu.memory_space<vmem_shared>>
        tpu.enqueue_indirect_dma source(%dma_start3A_102 : memref<128x128xf32, #tpu.memory_space<vmem>>) target(%dma_start3A_108 : memref<10112x128xf32, #tpu.memory_space<vmem_shared>>) offsets(%dma_start3A_105 : memref<128xi32, #tpu.memory_space<vmem>>) semaphore(%run_scoped3A_98 : memref<!tpu.dma_semaphore, #tpu.memory_space<semaphore_mem>>) {add = true}
        %dma_wait3A_109 = arith.constant 0 : i32
        %dma_wait3A_110 = arith.constant 0 : i32
        %dma_wait3A_111 = tpu.memref_slice %arg8[%run_scoped3A_97, %dma_wait3A_109, %dma_wait3A_110] : memref<2x128x128xf32, #tpu.memory_space<vmem>> -> memref<1x128x128xf32, #tpu.memory_space<vmem>>
        %dma_wait3A_112 = tpu.memref_squeeze %dma_wait3A_111 : memref<1x128x128xf32, #tpu.memory_space<vmem>> -> memref<128x128xf32, #tpu.memory_space<vmem>>
        %dma_wait3A_113 = arith.constant 0 : i32
        %dma_wait3A_114 = tpu.memref_slice %arg7[%add3A_96, %dma_wait3A_113] : memref<64x128xi32, #tpu.memory_space<vmem>> -> memref<1x128xi32, #tpu.memory_space<vmem>>
        %dma_wait3A_115 = tpu.memref_squeeze %dma_wait3A_114 : memref<1x128xi32, #tpu.memory_space<vmem>> -> memref<128xi32, #tpu.memory_space<vmem>>
        %dma_wait3A_116 = arith.constant 0 : i32
        %dma_wait3A_117 = arith.constant 0 : i32
        %dma_wait3A_118 = tpu.memref_slice %arg9[%dma_wait3A_116, %dma_wait3A_117] : memref<10112x128xf32, #tpu.memory_space<vmem_shared>> -> memref<10112x128xf32, #tpu.memory_space<vmem_shared>>
        tpu.wait_indirect_dma semaphore(%run_scoped3A_98 : memref<!tpu.dma_semaphore, #tpu.memory_space<semaphore_mem>>) src(%dma_wait3A_112 : memref<128x128xf32, #tpu.memory_space<vmem>>) dst(%dma_wait3A_118 : memref<10112x128xf32, #tpu.memory_space<vmem_shared>>)
        tpu.yield
      }) : () -> ()
    }
    %scan3A_20 = arith.constant 32 : i32
    %add3A_21 = arith.constant 64 : i32
    %add3A_22 = arith.addi %mul3A_2, %add3A_21 : i32
    %run_scoped3A_23 = arith.constant 0 : i32
    "tpu.region"() ({
      %run_scoped3A_49 = tpu.sem_alloc : memref<!tpu.dma_semaphore, #tpu.memory_space<semaphore_mem>>
      %dma_start3A_50 = arith.constant 0 : i32
      %dma_start3A_51 = arith.constant 0 : i32
      %dma_start3A_52 = tpu.memref_slice %arg6[%dma_start3A_50, %dma_start3A_51] : memref<64x128xi32, #tpu.memory_space<vmem>> -> memref<16x128xi32, #tpu.memory_space<vmem>>
      %dma_start3A_53 = arith.constant 0 : i32
      %dma_start3A_54 = tpu.memref_slice %arg3[%run_scoped3A_23, %add3A_22, %dma_start3A_53] : memref<2x2560x128xi32, #tpu.memory_space<hbm>> -> memref<1x16x128xi32, #tpu.memory_space<hbm>>
      %dma_start3A_55 = tpu.memref_squeeze %dma_start3A_54 : memref<1x16x128xi32, #tpu.memory_space<hbm>> -> memref<16x128xi32, #tpu.memory_space<hbm>>
      %dma_start3A_56 = arith.constant 0 : i32
      %dma_start3A_57 = arith.constant 0 : i32
      %dma_start3A_58 = tpu.memref_slice %arg6[%dma_start3A_56, %dma_start3A_57] : memref<64x128xi32, #tpu.memory_space<vmem>> -> memref<16x128xi32, #tpu.memory_space<vmem>>
      %dma_start3A_59 = arith.constant 0 : i32
      %dma_start3A_60 = tpu.memref_slice %arg3[%run_scoped3A_23, %add3A_22, %dma_start3A_59] : memref<2x2560x128xi32, #tpu.memory_space<hbm>> -> memref<1x16x128xi32, #tpu.memory_space<hbm>>
      %dma_start3A_61 = tpu.memref_squeeze %dma_start3A_60 : memref<1x16x128xi32, #tpu.memory_space<hbm>> -> memref<16x128xi32, #tpu.memory_space<hbm>>
      tpu.enqueue_dma source(%dma_start3A_61 : memref<16x128xi32, #tpu.memory_space<hbm>>) target(%dma_start3A_58 : memref<16x128xi32, #tpu.memory_space<vmem>>) target_semaphore(%run_scoped3A_49 : memref<!tpu.dma_semaphore, #tpu.memory_space<semaphore_mem>>)
      %dma_wait3A = arith.constant 0 : i32
      %dma_wait3A_62 = arith.constant 0 : i32
      %dma_wait3A_63 = tpu.memref_slice %arg6[%dma_wait3A, %dma_wait3A_62] : memref<64x128xi32, #tpu.memory_space<vmem>> -> memref<16x128xi32, #tpu.memory_space<vmem>>
      %dma_wait3A_64 = arith.constant 0 : i32
      %dma_wait3A_65 = tpu.memref_slice %arg3[%run_scoped3A_23, %add3A_22, %dma_wait3A_64] : memref<2x2560x128xi32, #tpu.memory_space<hbm>> -> memref<1x16x128xi32, #tpu.memory_space<hbm>>
      %dma_wait3A_66 = tpu.memref_squeeze %dma_wait3A_65 : memref<1x16x128xi32, #tpu.memory_space<hbm>> -> memref<16x128xi32, #tpu.memory_space<hbm>>
      %dma_wait3A_67 = arith.constant 0 : i32
      %dma_wait3A_68 = arith.constant 0 : i32
      %dma_wait3A_69 = tpu.memref_slice %arg6[%dma_wait3A_67, %dma_wait3A_68] : memref<64x128xi32, #tpu.memory_space<vmem>> -> memref<16x128xi32, #tpu.memory_space<vmem>>
      %dma_wait3A_70 = arith.constant 0 : i32
      %dma_wait3A_71 = tpu.memref_slice %arg3[%run_scoped3A_23, %add3A_22, %dma_wait3A_70] : memref<2x2560x128xi32, #tpu.memory_space<hbm>> -> memref<1x16x128xi32, #tpu.memory_space<hbm>>
      %dma_wait3A_72 = tpu.memref_squeeze %dma_wait3A_71 : memref<1x16x128xi32, #tpu.memory_space<hbm>> -> memref<16x128xi32, #tpu.memory_space<hbm>>
      tpu.wait_dma2 semaphore(%run_scoped3A_49 : memref<!tpu.dma_semaphore, #tpu.memory_space<semaphore_mem>>) src(%dma_wait3A_72 : memref<16x128xi32, #tpu.memory_space<hbm>>) dst(%dma_wait3A_69 : memref<16x128xi32, #tpu.memory_space<vmem>>)
      tpu.yield
    }) : () -> ()
    %add3A_24 = arith.constant 64 : i32
    %add3A_25 = arith.addi %mul3A_2, %add3A_24 : i32
    %run_scoped3A_26 = arith.constant 1 : i32
    "tpu.region"() ({
      %run_scoped3A_49 = tpu.sem_alloc : memref<!tpu.dma_semaphore, #tpu.memory_space<semaphore_mem>>
      %dma_start3A_50 = arith.constant 0 : i32
      %dma_start3A_51 = arith.constant 0 : i32
      %dma_start3A_52 = tpu.memref_slice %arg7[%dma_start3A_50, %dma_start3A_51] : memref<64x128xi32, #tpu.memory_space<vmem>> -> memref<16x128xi32, #tpu.memory_space<vmem>>
      %dma_start3A_53 = arith.constant 0 : i32
      %dma_start3A_54 = tpu.memref_slice %arg3[%run_scoped3A_26, %add3A_25, %dma_start3A_53] : memref<2x2560x128xi32, #tpu.memory_space<hbm>> -> memref<1x16x128xi32, #tpu.memory_space<hbm>>
      %dma_start3A_55 = tpu.memref_squeeze %dma_start3A_54 : memref<1x16x128xi32, #tpu.memory_space<hbm>> -> memref<16x128xi32, #tpu.memory_space<hbm>>
      %dma_start3A_56 = arith.constant 0 : i32
      %dma_start3A_57 = arith.constant 0 : i32
      %dma_start3A_58 = tpu.memref_slice %arg7[%dma_start3A_56, %dma_start3A_57] : memref<64x128xi32, #tpu.memory_space<vmem>> -> memref<16x128xi32, #tpu.memory_space<vmem>>
      %dma_start3A_59 = arith.constant 0 : i32
      %dma_start3A_60 = tpu.memref_slice %arg3[%run_scoped3A_26, %add3A_25, %dma_start3A_59] : memref<2x2560x128xi32, #tpu.memory_space<hbm>> -> memref<1x16x128xi32, #tpu.memory_space<hbm>>
      %dma_start3A_61 = tpu.memref_squeeze %dma_start3A_60 : memref<1x16x128xi32, #tpu.memory_space<hbm>> -> memref<16x128xi32, #tpu.memory_space<hbm>>
      tpu.enqueue_dma source(%dma_start3A_61 : memref<16x128xi32, #tpu.memory_space<hbm>>) target(%dma_start3A_58 : memref<16x128xi32, #tpu.memory_space<vmem>>) target_semaphore(%run_scoped3A_49 : memref<!tpu.dma_semaphore, #tpu.memory_space<semaphore_mem>>)
      %dma_wait3A = arith.constant 0 : i32
      %dma_wait3A_62 = arith.constant 0 : i32
      %dma_wait3A_63 = tpu.memref_slice %arg7[%dma_wait3A, %dma_wait3A_62] : memref<64x128xi32, #tpu.memory_space<vmem>> -> memref<16x128xi32, #tpu.memory_space<vmem>>
      %dma_wait3A_64 = arith.constant 0 : i32
      %dma_wait3A_65 = tpu.memref_slice %arg3[%run_scoped3A_26, %add3A_25, %dma_wait3A_64] : memref<2x2560x128xi32, #tpu.memory_space<hbm>> -> memref<1x16x128xi32, #tpu.memory_space<hbm>>
      %dma_wait3A_66 = tpu.memref_squeeze %dma_wait3A_65 : memref<1x16x128xi32, #tpu.memory_space<hbm>> -> memref<16x128xi32, #tpu.memory_space<hbm>>
      %dma_wait3A_67 = arith.constant 0 : i32
      %dma_wait3A_68 = arith.constant 0 : i32
      %dma_wait3A_69 = tpu.memref_slice %arg7[%dma_wait3A_67, %dma_wait3A_68] : memref<64x128xi32, #tpu.memory_space<vmem>> -> memref<16x128xi32, #tpu.memory_space<vmem>>
      %dma_wait3A_70 = arith.constant 0 : i32
      %dma_wait3A_71 = tpu.memref_slice %arg3[%run_scoped3A_26, %add3A_25, %dma_wait3A_70] : memref<2x2560x128xi32, #tpu.memory_space<hbm>> -> memref<1x16x128xi32, #tpu.memory_space<hbm>>
      %dma_wait3A_72 = tpu.memref_squeeze %dma_wait3A_71 : memref<1x16x128xi32, #tpu.memory_space<hbm>> -> memref<16x128xi32, #tpu.memory_space<hbm>>
      tpu.wait_dma2 semaphore(%run_scoped3A_49 : memref<!tpu.dma_semaphore, #tpu.memory_space<semaphore_mem>>) src(%dma_wait3A_72 : memref<16x128xi32, #tpu.memory_space<hbm>>) dst(%dma_wait3A_69 : memref<16x128xi32, #tpu.memory_space<vmem>>)
      tpu.yield
    }) : () -> ()
    %dma_start3A_27 = arith.constant 0 : i32
    %dma_start3A_28 = arith.constant 0 : i32
    %dma_start3A_29 = arith.constant 0 : i32
    %dma_start3A_30 = arith.constant 0 : i32
    %dma_start3A_31 = tpu.memref_slice %arg8[%dma_start3A_28, %dma_start3A_29, %dma_start3A_30] : memref<2x128x128xf32, #tpu.memory_space<vmem>> -> memref<1x128x128xf32, #tpu.memory_space<vmem>>
    %dma_start3A_32 = tpu.memref_squeeze %dma_start3A_31 : memref<1x128x128xf32, #tpu.memory_space<vmem>> -> memref<128x128xf32, #tpu.memory_space<vmem>>
    %dma_start3A_33 = arith.constant 0 : i32
    %dma_start3A_34 = tpu.memref_slice %arg6[%dma_start3A_27, %dma_start3A_33] : memref<64x128xi32, #tpu.memory_space<vmem>> -> memref<1x128xi32, #tpu.memory_space<vmem>>
    %dma_start3A_35 = tpu.memref_squeeze %dma_start3A_34 : memref<1x128xi32, #tpu.memory_space<vmem>> -> memref<128xi32, #tpu.memory_space<vmem>>
    %dma_start3A_36 = arith.constant 0 : i32
    %dma_start3A_37 = arith.constant 0 : i32
    %dma_start3A_38 = tpu.memref_slice %arg2[%dma_start3A_36, %dma_start3A_37] : memref<10112x128xf32, #tpu.memory_space<hbm>> -> memref<10112x128xf32, #tpu.memory_space<hbm>>
    tpu.enqueue_indirect_dma source(%dma_start3A_38 : memref<10112x128xf32, #tpu.memory_space<hbm>>) target(%dma_start3A_32 : memref<128x128xf32, #tpu.memory_space<vmem>>) offsets(%dma_start3A_35 : memref<128xi32, #tpu.memory_space<vmem>>) semaphore(%arg10 : memref<!tpu.dma_semaphore, #tpu.memory_space<semaphore_mem>>)
    %scan3A_39 = arith.constant 0 : i32
    %scan3A_40 = arith.constant 8 : i32
    %scan3A_41 = arith.addi %scan3A_39, %scan3A_40 : i32
    %scan3A_42 = arith.constant 1 : i32
    scf.for %scan3A_49 = %scan3A_39 to %scan3A_41 step %scan3A_42  : i32 {
      %mul3A_50 = arith.constant 2 : i32
      %mul3A_51 = arith.muli %scan3A_49, %mul3A_50 : i32
      %add3A_52 = arith.constant 0 : i32
      %add3A_53 = arith.addi %add3A_52, %mul3A_51 : i32
      %add3A_54 = arith.constant 1 : i32
      %add3A_55 = arith.addi %add3A_53, %add3A_54 : i32
      %dma_start3A_56 = arith.constant 1 : i32
      %dma_start3A_57 = arith.constant 0 : i32
      %dma_start3A_58 = arith.constant 0 : i32
      %dma_start3A_59 = tpu.memref_slice %arg8[%dma_start3A_56, %dma_start3A_57, %dma_start3A_58] : memref<2x128x128xf32, #tpu.memory_space<vmem>> -> memref<1x128x128xf32, #tpu.memory_space<vmem>>
      %dma_start3A_60 = tpu.memref_squeeze %dma_start3A_59 : memref<1x128x128xf32, #tpu.memory_space<vmem>> -> memref<128x128xf32, #tpu.memory_space<vmem>>
      %dma_start3A_61 = arith.constant 0 : i32
      %dma_start3A_62 = tpu.memref_slice %arg6[%add3A_55, %dma_start3A_61] : memref<64x128xi32, #tpu.memory_space<vmem>> -> memref<1x128xi32, #tpu.memory_space<vmem>>
      %dma_start3A_63 = tpu.memref_squeeze %dma_start3A_62 : memref<1x128xi32, #tpu.memory_space<vmem>> -> memref<128xi32, #tpu.memory_space<vmem>>
      %dma_start3A_64 = arith.constant 0 : i32
      %dma_start3A_65 = arith.constant 0 : i32
      %dma_start3A_66 = tpu.memref_slice %arg2[%dma_start3A_64, %dma_start3A_65] : memref<10112x128xf32, #tpu.memory_space<hbm>> -> memref<10112x128xf32, #tpu.memory_space<hbm>>
      tpu.enqueue_indirect_dma source(%dma_start3A_66 : memref<10112x128xf32, #tpu.memory_space<hbm>>) target(%dma_start3A_60 : memref<128x128xf32, #tpu.memory_space<vmem>>) offsets(%dma_start3A_63 : memref<128xi32, #tpu.memory_space<vmem>>) semaphore(%arg11 : memref<!tpu.dma_semaphore, #tpu.memory_space<semaphore_mem>>)
      %dma_wait3A = arith.constant 0 : i32
      %dma_wait3A_67 = arith.constant 0 : i32
      %dma_wait3A_68 = arith.constant 0 : i32
      %dma_wait3A_69 = tpu.memref_slice %arg8[%dma_wait3A, %dma_wait3A_67, %dma_wait3A_68] : memref<2x128x128xf32, #tpu.memory_space<vmem>> -> memref<1x128x128xf32, #tpu.memory_space<vmem>>
      %dma_wait3A_70 = tpu.memref_squeeze %dma_wait3A_69 : memref<1x128x128xf32, #tpu.memory_space<vmem>> -> memref<128x128xf32, #tpu.memory_space<vmem>>
      %dma_wait3A_71 = arith.constant 0 : i32
      %dma_wait3A_72 = tpu.memref_slice %arg6[%add3A_53, %dma_wait3A_71] : memref<64x128xi32, #tpu.memory_space<vmem>> -> memref<1x128xi32, #tpu.memory_space<vmem>>
      %dma_wait3A_73 = tpu.memref_squeeze %dma_wait3A_72 : memref<1x128xi32, #tpu.memory_space<vmem>> -> memref<128xi32, #tpu.memory_space<vmem>>
      %dma_wait3A_74 = arith.constant 0 : i32
      %dma_wait3A_75 = arith.constant 0 : i32
      %dma_wait3A_76 = tpu.memref_slice %arg2[%dma_wait3A_74, %dma_wait3A_75] : memref<10112x128xf32, #tpu.memory_space<hbm>> -> memref<10112x128xf32, #tpu.memory_space<hbm>>
      tpu.wait_indirect_dma semaphore(%arg10 : memref<!tpu.dma_semaphore, #tpu.memory_space<semaphore_mem>>) src(%dma_wait3A_76 : memref<10112x128xf32, #tpu.memory_space<hbm>>) dst(%dma_wait3A_70 : memref<128x128xf32, #tpu.memory_space<vmem>>)
      %run_scoped3A_77 = arith.constant 0 : i32
      "tpu.region"() ({
        %run_scoped3A_98 = tpu.sem_alloc : memref<!tpu.dma_semaphore, #tpu.memory_space<semaphore_mem>>
        %dma_start3A_99 = arith.constant 0 : i32
        %dma_start3A_100 = arith.constant 0 : i32
        %dma_start3A_101 = tpu.memref_slice %arg8[%run_scoped3A_77, %dma_start3A_99, %dma_start3A_100] : memref<2x128x128xf32, #tpu.memory_space<vmem>> -> memref<1x128x128xf32, #tpu.memory_space<vmem>>
        %dma_start3A_102 = tpu.memref_squeeze %dma_start3A_101 : memref<1x128x128xf32, #tpu.memory_space<vmem>> -> memref<128x128xf32, #tpu.memory_space<vmem>>
        %dma_start3A_103 = arith.constant 0 : i32
        %dma_start3A_104 = tpu.memref_slice %arg7[%add3A_53, %dma_start3A_103] : memref<64x128xi32, #tpu.memory_space<vmem>> -> memref<1x128xi32, #tpu.memory_space<vmem>>
        %dma_start3A_105 = tpu.memref_squeeze %dma_start3A_104 : memref<1x128xi32, #tpu.memory_space<vmem>> -> memref<128xi32, #tpu.memory_space<vmem>>
        %dma_start3A_106 = arith.constant 0 : i32
        %dma_start3A_107 = arith.constant 0 : i32
        %dma_start3A_108 = tpu.memref_slice %arg9[%dma_start3A_106, %dma_start3A_107] : memref<10112x128xf32, #tpu.memory_space<vmem_shared>> -> memref<10112x128xf32, #tpu.memory_space<vmem_shared>>
        tpu.enqueue_indirect_dma source(%dma_start3A_102 : memref<128x128xf32, #tpu.memory_space<vmem>>) target(%dma_start3A_108 : memref<10112x128xf32, #tpu.memory_space<vmem_shared>>) offsets(%dma_start3A_105 : memref<128xi32, #tpu.memory_space<vmem>>) semaphore(%run_scoped3A_98 : memref<!tpu.dma_semaphore, #tpu.memory_space<semaphore_mem>>) {add = true}
        %dma_wait3A_109 = arith.constant 0 : i32
        %dma_wait3A_110 = arith.constant 0 : i32
        %dma_wait3A_111 = tpu.memref_slice %arg8[%run_scoped3A_77, %dma_wait3A_109, %dma_wait3A_110] : memref<2x128x128xf32, #tpu.memory_space<vmem>> -> memref<1x128x128xf32, #tpu.memory_space<vmem>>
        %dma_wait3A_112 = tpu.memref_squeeze %dma_wait3A_111 : memref<1x128x128xf32, #tpu.memory_space<vmem>> -> memref<128x128xf32, #tpu.memory_space<vmem>>
        %dma_wait3A_113 = arith.constant 0 : i32
        %dma_wait3A_114 = tpu.memref_slice %arg7[%add3A_53, %dma_wait3A_113] : memref<64x128xi32, #tpu.memory_space<vmem>> -> memref<1x128xi32, #tpu.memory_space<vmem>>
        %dma_wait3A_115 = tpu.memref_squeeze %dma_wait3A_114 : memref<1x128xi32, #tpu.memory_space<vmem>> -> memref<128xi32, #tpu.memory_space<vmem>>
        %dma_wait3A_116 = arith.constant 0 : i32
        %dma_wait3A_117 = arith.constant 0 : i32
        %dma_wait3A_118 = tpu.memref_slice %arg9[%dma_wait3A_116, %dma_wait3A_117] : memref<10112x128xf32, #tpu.memory_space<vmem_shared>> -> memref<10112x128xf32, #tpu.memory_space<vmem_shared>>
        tpu.wait_indirect_dma semaphore(%run_scoped3A_98 : memref<!tpu.dma_semaphore, #tpu.memory_space<semaphore_mem>>) src(%dma_wait3A_112 : memref<128x128xf32, #tpu.memory_space<vmem>>) dst(%dma_wait3A_118 : memref<10112x128xf32, #tpu.memory_space<vmem_shared>>)
        tpu.yield
      }) : () -> ()
      %add3A_78 = arith.constant 2 : i32
      %add3A_79 = arith.addi %add3A_53, %add3A_78 : i32
      %lt3A = arith.constant 16 : i32
      %lt3A_80 = arith.cmpi slt, %add3A_79, %lt3A : i32
      %convert_element_type3A = arith.extui %lt3A_80 : i1 to i32
      %cond3A = arith.constant 0 : i32
      %cond3A_81 = arith.cmpi ne, %convert_element_type3A, %cond3A : i32
      scf.if %cond3A_81 {
        %add3A_98 = arith.constant 2 : i32
        %add3A_99 = arith.addi %add3A_53, %add3A_98 : i32
        %dma_start3A_100 = arith.constant 0 : i32
        %dma_start3A_101 = arith.constant 0 : i32
        %dma_start3A_102 = arith.constant 0 : i32
        %dma_start3A_103 = tpu.memref_slice %arg8[%dma_start3A_100, %dma_start3A_101, %dma_start3A_102] : memref<2x128x128xf32, #tpu.memory_space<vmem>> -> memref<1x128x128xf32, #tpu.memory_space<vmem>>
        %dma_start3A_104 = tpu.memref_squeeze %dma_start3A_103 : memref<1x128x128xf32, #tpu.memory_space<vmem>> -> memref<128x128xf32, #tpu.memory_space<vmem>>
        %dma_start3A_105 = arith.constant 0 : i32
        %dma_start3A_106 = tpu.memref_slice %arg6[%add3A_99, %dma_start3A_105] : memref<64x128xi32, #tpu.memory_space<vmem>> -> memref<1x128xi32, #tpu.memory_space<vmem>>
        %dma_start3A_107 = tpu.memref_squeeze %dma_start3A_106 : memref<1x128xi32, #tpu.memory_space<vmem>> -> memref<128xi32, #tpu.memory_space<vmem>>
        %dma_start3A_108 = arith.constant 0 : i32
        %dma_start3A_109 = arith.constant 0 : i32
        %dma_start3A_110 = tpu.memref_slice %arg2[%dma_start3A_108, %dma_start3A_109] : memref<10112x128xf32, #tpu.memory_space<hbm>> -> memref<10112x128xf32, #tpu.memory_space<hbm>>
        tpu.enqueue_indirect_dma source(%dma_start3A_110 : memref<10112x128xf32, #tpu.memory_space<hbm>>) target(%dma_start3A_104 : memref<128x128xf32, #tpu.memory_space<vmem>>) offsets(%dma_start3A_107 : memref<128xi32, #tpu.memory_space<vmem>>) semaphore(%arg10 : memref<!tpu.dma_semaphore, #tpu.memory_space<semaphore_mem>>)
      } else {
      }
      %add3A_82 = arith.constant 1 : i32
      %add3A_83 = arith.addi %add3A_53, %add3A_82 : i32
      %dma_wait3A_84 = arith.constant 1 : i32
      %dma_wait3A_85 = arith.constant 0 : i32
      %dma_wait3A_86 = arith.constant 0 : i32
      %dma_wait3A_87 = tpu.memref_slice %arg8[%dma_wait3A_84, %dma_wait3A_85, %dma_wait3A_86] : memref<2x128x128xf32, #tpu.memory_space<vmem>> -> memref<1x128x128xf32, #tpu.memory_space<vmem>>
      %dma_wait3A_88 = tpu.memref_squeeze %dma_wait3A_87 : memref<1x128x128xf32, #tpu.memory_space<vmem>> -> memref<128x128xf32, #tpu.memory_space<vmem>>
      %dma_wait3A_89 = arith.constant 0 : i32
      %dma_wait3A_90 = tpu.memref_slice %arg6[%add3A_83, %dma_wait3A_89] : memref<64x128xi32, #tpu.memory_space<vmem>> -> memref<1x128xi32, #tpu.memory_space<vmem>>
      %dma_wait3A_91 = tpu.memref_squeeze %dma_wait3A_90 : memref<1x128xi32, #tpu.memory_space<vmem>> -> memref<128xi32, #tpu.memory_space<vmem>>
      %dma_wait3A_92 = arith.constant 0 : i32
      %dma_wait3A_93 = arith.constant 0 : i32
      %dma_wait3A_94 = tpu.memref_slice %arg2[%dma_wait3A_92, %dma_wait3A_93] : memref<10112x128xf32, #tpu.memory_space<hbm>> -> memref<10112x128xf32, #tpu.memory_space<hbm>>
      tpu.wait_indirect_dma semaphore(%arg11 : memref<!tpu.dma_semaphore, #tpu.memory_space<semaphore_mem>>) src(%dma_wait3A_94 : memref<10112x128xf32, #tpu.memory_space<hbm>>) dst(%dma_wait3A_88 : memref<128x128xf32, #tpu.memory_space<vmem>>)
      %add3A_95 = arith.constant 1 : i32
      %add3A_96 = arith.addi %add3A_53, %add3A_95 : i32
      %run_scoped3A_97 = arith.constant 1 : i32
      "tpu.region"() ({
        %run_scoped3A_98 = tpu.sem_alloc : memref<!tpu.dma_semaphore, #tpu.memory_space<semaphore_mem>>
        %dma_start3A_99 = arith.constant 0 : i32
        %dma_start3A_100 = arith.constant 0 : i32
        %dma_start3A_101 = tpu.memref_slice %arg8[%run_scoped3A_97, %dma_start3A_99, %dma_start3A_100] : memref<2x128x128xf32, #tpu.memory_space<vmem>> -> memref<1x128x128xf32, #tpu.memory_space<vmem>>
        %dma_start3A_102 = tpu.memref_squeeze %dma_start3A_101 : memref<1x128x128xf32, #tpu.memory_space<vmem>> -> memref<128x128xf32, #tpu.memory_space<vmem>>
        %dma_start3A_103 = arith.constant 0 : i32
        %dma_start3A_104 = tpu.memref_slice %arg7[%add3A_96, %dma_start3A_103] : memref<64x128xi32, #tpu.memory_space<vmem>> -> memref<1x128xi32, #tpu.memory_space<vmem>>
        %dma_start3A_105 = tpu.memref_squeeze %dma_start3A_104 : memref<1x128xi32, #tpu.memory_space<vmem>> -> memref<128xi32, #tpu.memory_space<vmem>>
        %dma_start3A_106 = arith.constant 0 : i32
        %dma_start3A_107 = arith.constant 0 : i32
        %dma_start3A_108 = tpu.memref_slice %arg9[%dma_start3A_106, %dma_start3A_107] : memref<10112x128xf32, #tpu.memory_space<vmem_shared>> -> memref<10112x128xf32, #tpu.memory_space<vmem_shared>>
        tpu.enqueue_indirect_dma source(%dma_start3A_102 : memref<128x128xf32, #tpu.memory_space<vmem>>) target(%dma_start3A_108 : memref<10112x128xf32, #tpu.memory_space<vmem_shared>>) offsets(%dma_start3A_105 : memref<128xi32, #tpu.memory_space<vmem>>) semaphore(%run_scoped3A_98 : memref<!tpu.dma_semaphore, #tpu.memory_space<semaphore_mem>>) {add = true}
        %dma_wait3A_109 = arith.constant 0 : i32
        %dma_wait3A_110 = arith.constant 0 : i32
        %dma_wait3A_111 = tpu.memref_slice %arg8[%run_scoped3A_97, %dma_wait3A_109, %dma_wait3A_110] : memref<2x128x128xf32, #tpu.memory_space<vmem>> -> memref<1x128x128xf32, #tpu.memory_space<vmem>>
        %dma_wait3A_112 = tpu.memref_squeeze %dma_wait3A_111 : memref<1x128x128xf32, #tpu.memory_space<vmem>> -> memref<128x128xf32, #tpu.memory_space<vmem>>
        %dma_wait3A_113 = arith.constant 0 : i32
        %dma_wait3A_114 = tpu.memref_slice %arg7[%add3A_96, %dma_wait3A_113] : memref<64x128xi32, #tpu.memory_space<vmem>> -> memref<1x128xi32, #tpu.memory_space<vmem>>
        %dma_wait3A_115 = tpu.memref_squeeze %dma_wait3A_114 : memref<1x128xi32, #tpu.memory_space<vmem>> -> memref<128xi32, #tpu.memory_space<vmem>>
        %dma_wait3A_116 = arith.constant 0 : i32
        %dma_wait3A_117 = arith.constant 0 : i32
        %dma_wait3A_118 = tpu.memref_slice %arg9[%dma_wait3A_116, %dma_wait3A_117] : memref<10112x128xf32, #tpu.memory_space<vmem_shared>> -> memref<10112x128xf32, #tpu.memory_space<vmem_shared>>
        tpu.wait_indirect_dma semaphore(%run_scoped3A_98 : memref<!tpu.dma_semaphore, #tpu.memory_space<semaphore_mem>>) src(%dma_wait3A_112 : memref<128x128xf32, #tpu.memory_space<vmem>>) dst(%dma_wait3A_118 : memref<10112x128xf32, #tpu.memory_space<vmem_shared>>)
        tpu.yield
      }) : () -> ()
    }
    %scan3A_43 = arith.constant 8 : i32
    %barrier3A_44 = arith.constant 0 : index
    tpu.barrier barrier_id(%barrier3A_44)
    %mul3A_45 = arith.constant 632 : i32
    %mul3A_46 = arith.muli %arg1, %mul3A_45 : i32
    %mul3A_47 = arith.constant 632 : i32
    %mul3A_48 = arith.muli %arg1, %mul3A_47 : i32
    "tpu.region"() ({
      %run_scoped3A_49 = tpu.sem_alloc : memref<!tpu.dma_semaphore, #tpu.memory_space<semaphore_mem>>
      %dma_start3A_50 = arith.constant 0 : i32
      %dma_start3A_51 = tpu.memref_slice %arg5[%arg0, %mul3A_48, %dma_start3A_50] : memref<2x10112x128xf32, #tpu.memory_space<hbm>> -> memref<1x632x128xf32, #tpu.memory_space<hbm>>
      %dma_start3A_52 = tpu.memref_squeeze %dma_start3A_51 : memref<1x632x128xf32, #tpu.memory_space<hbm>> -> memref<632x128xf32, #tpu.memory_space<hbm>>
      %dma_start3A_53 = arith.constant 0 : i32
      %dma_start3A_54 = tpu.memref_slice %arg9[%mul3A_46, %dma_start3A_53] : memref<10112x128xf32, #tpu.memory_space<vmem_shared>> -> memref<632x128xf32, #tpu.memory_space<vmem_shared>>
      tpu.enqueue_dma source(%dma_start3A_54 : memref<632x128xf32, #tpu.memory_space<vmem_shared>>) target(%dma_start3A_52 : memref<632x128xf32, #tpu.memory_space<hbm>>) target_semaphore(%run_scoped3A_49 : memref<!tpu.dma_semaphore, #tpu.memory_space<semaphore_mem>>)
      %dma_wait3A = arith.constant 0 : i32
      %dma_wait3A_55 = tpu.memref_slice %arg5[%arg0, %mul3A_48, %dma_wait3A] : memref<2x10112x128xf32, #tpu.memory_space<hbm>> -> memref<1x632x128xf32, #tpu.memory_space<hbm>>
      %dma_wait3A_56 = tpu.memref_squeeze %dma_wait3A_55 : memref<1x632x128xf32, #tpu.memory_space<hbm>> -> memref<632x128xf32, #tpu.memory_space<hbm>>
      %dma_wait3A_57 = arith.constant 0 : i32
      %dma_wait3A_58 = tpu.memref_slice %arg9[%mul3A_46, %dma_wait3A_57] : memref<10112x128xf32, #tpu.memory_space<vmem_shared>> -> memref<632x128xf32, #tpu.memory_space<vmem_shared>>
      tpu.wait_dma2 semaphore(%run_scoped3A_49 : memref<!tpu.dma_semaphore, #tpu.memory_space<semaphore_mem>>) src(%dma_wait3A_58 : memref<632x128xf32, #tpu.memory_space<vmem_shared>>) dst(%dma_wait3A_56 : memref<632x128xf32, #tpu.memory_space<hbm>>)
      tpu.yield
    }) : () -> ()
    return
  }
}

#map = affine_map<(d0, d1) -> (0, 0, 0)>
#map1 = affine_map<(d0, d1) -> (0, 0, 0, 0)>
module attributes {stable_mosaic.version = 14 : i64} {
  func.func @deg_kernel(%arg0: i32, %arg1: i32, %arg2: memref<2x2560x128xi32, #tpu.memory_space<hbm>>, %arg3: memref<2x16x79x128xf32, #tpu.memory_space<hbm>>, %arg4: memref<160x128xi32, #tpu.memory_space<vmem>>, %arg5: memref<79x128xf32, #tpu.memory_space<vmem>>) attributes {dimension_semantics = [#tpu.dimension_semantics<core_parallel>, #tpu.dimension_semantics<subcore_parallel>], iteration_bounds = array<i64: 2, 16>, scalar_prefetch = 0 : i64, scratch_operands = 2 : i64, tpu.core_type = #tpu.core_type<sc_vector_subcore>, window_params = [{transform_indices = #map}, {transform_indices = #map1}]} {
    %mul3A = arith.constant 160 : i32
    %mul3A_0 = arith.muli %arg1, %mul3A : i32
    "tpu.region"() ({
      %run_scoped3A = tpu.sem_alloc : memref<!tpu.dma_semaphore, #tpu.memory_space<semaphore_mem>>
      %dma_start3A = arith.constant 0 : i32
      %dma_start3A_13 = tpu.memref_slice %arg2[%arg0, %mul3A_0, %dma_start3A] : memref<2x2560x128xi32, #tpu.memory_space<hbm>> -> memref<1x160x128xi32, #tpu.memory_space<hbm>>
      %dma_start3A_14 = tpu.memref_squeeze %dma_start3A_13 : memref<1x160x128xi32, #tpu.memory_space<hbm>> -> memref<160x128xi32, #tpu.memory_space<hbm>>
      %dma_start3A_15 = arith.constant 0 : i32
      %dma_start3A_16 = tpu.memref_slice %arg2[%arg0, %mul3A_0, %dma_start3A_15] : memref<2x2560x128xi32, #tpu.memory_space<hbm>> -> memref<1x160x128xi32, #tpu.memory_space<hbm>>
      %dma_start3A_17 = tpu.memref_squeeze %dma_start3A_16 : memref<1x160x128xi32, #tpu.memory_space<hbm>> -> memref<160x128xi32, #tpu.memory_space<hbm>>
      tpu.enqueue_dma source(%dma_start3A_17 : memref<160x128xi32, #tpu.memory_space<hbm>>) target(%arg4 : memref<160x128xi32, #tpu.memory_space<vmem>>) target_semaphore(%run_scoped3A : memref<!tpu.dma_semaphore, #tpu.memory_space<semaphore_mem>>)
      %dma_wait3A = arith.constant 0 : i32
      %dma_wait3A_18 = tpu.memref_slice %arg2[%arg0, %mul3A_0, %dma_wait3A] : memref<2x2560x128xi32, #tpu.memory_space<hbm>> -> memref<1x160x128xi32, #tpu.memory_space<hbm>>
      %dma_wait3A_19 = tpu.memref_squeeze %dma_wait3A_18 : memref<1x160x128xi32, #tpu.memory_space<hbm>> -> memref<160x128xi32, #tpu.memory_space<hbm>>
      %dma_wait3A_20 = arith.constant 0 : i32
      %dma_wait3A_21 = tpu.memref_slice %arg2[%arg0, %mul3A_0, %dma_wait3A_20] : memref<2x2560x128xi32, #tpu.memory_space<hbm>> -> memref<1x160x128xi32, #tpu.memory_space<hbm>>
      %dma_wait3A_22 = tpu.memref_squeeze %dma_wait3A_21 : memref<1x160x128xi32, #tpu.memory_space<hbm>> -> memref<160x128xi32, #tpu.memory_space<hbm>>
      tpu.wait_dma2 semaphore(%run_scoped3A : memref<!tpu.dma_semaphore, #tpu.memory_space<semaphore_mem>>) src(%dma_wait3A_22 : memref<160x128xi32, #tpu.memory_space<hbm>>) dst(%arg4 : memref<160x128xi32, #tpu.memory_space<vmem>>)
      tpu.yield
    }) : () -> ()
    %broadcast_in_dim3A = arith.constant 0.000000e+00 : f32
    %broadcast_in_dim3A_1 = vector.broadcast %broadcast_in_dim3A : f32 to vector<16xf32>
    %scan3A = arith.constant 0 : i32
    %scan3A_2 = arith.constant 79 : i32
    %scan3A_3 = arith.addi %scan3A, %scan3A_2 : i32
    %scan3A_4 = arith.constant 1 : i32
    scf.for %scan3A_13 = %scan3A to %scan3A_3 step %scan3A_4  : i32 {
      %mul3A_14 = arith.constant 1 : i32
      %mul3A_15 = arith.muli %scan3A_13, %mul3A_14 : i32
      %add3A = arith.constant 0 : i32
      %add3A_16 = arith.addi %add3A, %mul3A_15 : i32
      %swap3A = arith.index_cast %add3A_16 : i32 to index
      %swap3A_17 = arith.constant 0 : index
      %swap3A_18 = tpu.vector_load %arg5[%swap3A, %swap3A_17] {strides = array<i32>} : memref<79x128xf32, #tpu.memory_space<vmem>>, vector<16xf32>,
      tpu.vector_store %arg5[%swap3A, %swap3A_17], %broadcast_in_dim3A_1 {strides = array<i32>} : memref<79x128xf32, #tpu.memory_space<vmem>>, vector<16xf32>,
      %swap3A_19 = arith.index_cast %add3A_16 : i32 to index
      %swap3A_20 = arith.constant 16 : index
      %swap3A_21 = tpu.vector_load %arg5[%swap3A_19, %swap3A_20] {strides = array<i32>} : memref<79x128xf32, #tpu.memory_space<vmem>>, vector<16xf32>,
      tpu.vector_store %arg5[%swap3A_19, %swap3A_20], %broadcast_in_dim3A_1 {strides = array<i32>} : memref<79x128xf32, #tpu.memory_space<vmem>>, vector<16xf32>,
      %swap3A_22 = arith.index_cast %add3A_16 : i32 to index
      %swap3A_23 = arith.constant 32 : index
      %swap3A_24 = tpu.vector_load %arg5[%swap3A_22, %swap3A_23] {strides = array<i32>} : memref<79x128xf32, #tpu.memory_space<vmem>>, vector<16xf32>,
      tpu.vector_store %arg5[%swap3A_22, %swap3A_23], %broadcast_in_dim3A_1 {strides = array<i32>} : memref<79x128xf32, #tpu.memory_space<vmem>>, vector<16xf32>,
      %swap3A_25 = arith.index_cast %add3A_16 : i32 to index
      %swap3A_26 = arith.constant 48 : index
      %swap3A_27 = tpu.vector_load %arg5[%swap3A_25, %swap3A_26] {strides = array<i32>} : memref<79x128xf32, #tpu.memory_space<vmem>>, vector<16xf32>,
      tpu.vector_store %arg5[%swap3A_25, %swap3A_26], %broadcast_in_dim3A_1 {strides = array<i32>} : memref<79x128xf32, #tpu.memory_space<vmem>>, vector<16xf32>,
      %swap3A_28 = arith.index_cast %add3A_16 : i32 to index
      %swap3A_29 = arith.constant 64 : index
      %swap3A_30 = tpu.vector_load %arg5[%swap3A_28, %swap3A_29] {strides = array<i32>} : memref<79x128xf32, #tpu.memory_space<vmem>>, vector<16xf32>,
      tpu.vector_store %arg5[%swap3A_28, %swap3A_29], %broadcast_in_dim3A_1 {strides = array<i32>} : memref<79x128xf32, #tpu.memory_space<vmem>>, vector<16xf32>,
      %swap3A_31 = arith.index_cast %add3A_16 : i32 to index
      %swap3A_32 = arith.constant 80 : index
      %swap3A_33 = tpu.vector_load %arg5[%swap3A_31, %swap3A_32] {strides = array<i32>} : memref<79x128xf32, #tpu.memory_space<vmem>>, vector<16xf32>,
      tpu.vector_store %arg5[%swap3A_31, %swap3A_32], %broadcast_in_dim3A_1 {strides = array<i32>} : memref<79x128xf32, #tpu.memory_space<vmem>>, vector<16xf32>,
      %swap3A_34 = arith.index_cast %add3A_16 : i32 to index
      %swap3A_35 = arith.constant 96 : index
      %swap3A_36 = tpu.vector_load %arg5[%swap3A_34, %swap3A_35] {strides = array<i32>} : memref<79x128xf32, #tpu.memory_space<vmem>>, vector<16xf32>,
      tpu.vector_store %arg5[%swap3A_34, %swap3A_35], %broadcast_in_dim3A_1 {strides = array<i32>} : memref<79x128xf32, #tpu.memory_space<vmem>>, vector<16xf32>,
      %swap3A_37 = arith.index_cast %add3A_16 : i32 to index
      %swap3A_38 = arith.constant 112 : index
      %swap3A_39 = tpu.vector_load %arg5[%swap3A_37, %swap3A_38] {strides = array<i32>} : memref<79x128xf32, #tpu.memory_space<vmem>>, vector<16xf32>,
      tpu.vector_store %arg5[%swap3A_37, %swap3A_38], %broadcast_in_dim3A_1 {strides = array<i32>} : memref<79x128xf32, #tpu.memory_space<vmem>>, vector<16xf32>,
    }
    %scan3A_5 = arith.constant 79 : i32
    %broadcast_in_dim3A_6 = arith.constant 1.000000e+00 : f32
    %broadcast_in_dim3A_7 = vector.broadcast %broadcast_in_dim3A_6 : f32 to vector<16xf32>
    %scan3A_8 = arith.constant 0 : i32
    %scan3A_9 = arith.constant 160 : i32
    %scan3A_10 = arith.addi %scan3A_8, %scan3A_9 : i32
    %scan3A_11 = arith.constant 1 : i32
    scf.for %scan3A_13 = %scan3A_8 to %scan3A_10 step %scan3A_11  : i32 {
      %mul3A_14 = arith.constant 1 : i32
      %mul3A_15 = arith.muli %scan3A_13, %mul3A_14 : i32
      %add3A = arith.constant 0 : i32
      %add3A_16 = arith.addi %add3A, %mul3A_15 : i32
      %get3A = arith.index_cast %add3A_16 : i32 to index
      %get3A_17 = arith.constant 0 : index
      %get3A_18 = tpu.vector_load %arg4[%get3A, %get3A_17] {strides = array<i32>} : memref<160x128xi32, #tpu.memory_space<vmem>>, vector<16xi32>,
      %shift_right_logical3A = arith.constant 7 : i32
      %shift_right_logical3A_19 = vector.broadcast %shift_right_logical3A : i32 to vector<16xi32>
      %shift_right_logical3A_20 = arith.shrui %get3A_18, %shift_right_logical3A_19 : vector<16xi32>
      %and3A = arith.constant 127 : i32
      %and3A_21 = vector.broadcast %and3A : i32 to vector<16xi32>
      %and3A_22 = arith.andi %get3A_18, %and3A_21 : vector<16xi32>
      tpu.vector_store_idx %arg5[%shift_right_logical3A_20, %and3A_22], %broadcast_in_dim3A_7 {add = true} : memref<79x128xf32, #tpu.memory_space<vmem>>[vector<16xi32>, vector<16xi32>], vector<16xf32>,
      %get3A_23 = arith.index_cast %add3A_16 : i32 to index
      %get3A_24 = arith.constant 16 : index
      %get3A_25 = tpu.vector_load %arg4[%get3A_23, %get3A_24] {strides = array<i32>} : memref<160x128xi32, #tpu.memory_space<vmem>>, vector<16xi32>,
      %shift_right_logical3A_26 = arith.constant 7 : i32
      %shift_right_logical3A_27 = vector.broadcast %shift_right_logical3A_26 : i32 to vector<16xi32>
      %shift_right_logical3A_28 = arith.shrui %get3A_25, %shift_right_logical3A_27 : vector<16xi32>
      %and3A_29 = arith.constant 127 : i32
      %and3A_30 = vector.broadcast %and3A_29 : i32 to vector<16xi32>
      %and3A_31 = arith.andi %get3A_25, %and3A_30 : vector<16xi32>
      tpu.vector_store_idx %arg5[%shift_right_logical3A_28, %and3A_31], %broadcast_in_dim3A_7 {add = true} : memref<79x128xf32, #tpu.memory_space<vmem>>[vector<16xi32>, vector<16xi32>], vector<16xf32>,
      %get3A_32 = arith.index_cast %add3A_16 : i32 to index
      %get3A_33 = arith.constant 32 : index
      %get3A_34 = tpu.vector_load %arg4[%get3A_32, %get3A_33] {strides = array<i32>} : memref<160x128xi32, #tpu.memory_space<vmem>>, vector<16xi32>,
      %shift_right_logical3A_35 = arith.constant 7 : i32
      %shift_right_logical3A_36 = vector.broadcast %shift_right_logical3A_35 : i32 to vector<16xi32>
      %shift_right_logical3A_37 = arith.shrui %get3A_34, %shift_right_logical3A_36 : vector<16xi32>
      %and3A_38 = arith.constant 127 : i32
      %and3A_39 = vector.broadcast %and3A_38 : i32 to vector<16xi32>
      %and3A_40 = arith.andi %get3A_34, %and3A_39 : vector<16xi32>
      tpu.vector_store_idx %arg5[%shift_right_logical3A_37, %and3A_40], %broadcast_in_dim3A_7 {add = true} : memref<79x128xf32, #tpu.memory_space<vmem>>[vector<16xi32>, vector<16xi32>], vector<16xf32>,
      %get3A_41 = arith.index_cast %add3A_16 : i32 to index
      %get3A_42 = arith.constant 48 : index
      %get3A_43 = tpu.vector_load %arg4[%get3A_41, %get3A_42] {strides = array<i32>} : memref<160x128xi32, #tpu.memory_space<vmem>>, vector<16xi32>,
      %shift_right_logical3A_44 = arith.constant 7 : i32
      %shift_right_logical3A_45 = vector.broadcast %shift_right_logical3A_44 : i32 to vector<16xi32>
      %shift_right_logical3A_46 = arith.shrui %get3A_43, %shift_right_logical3A_45 : vector<16xi32>
      %and3A_47 = arith.constant 127 : i32
      %and3A_48 = vector.broadcast %and3A_47 : i32 to vector<16xi32>
      %and3A_49 = arith.andi %get3A_43, %and3A_48 : vector<16xi32>
      tpu.vector_store_idx %arg5[%shift_right_logical3A_46, %and3A_49], %broadcast_in_dim3A_7 {add = true} : memref<79x128xf32, #tpu.memory_space<vmem>>[vector<16xi32>, vector<16xi32>], vector<16xf32>,
      %get3A_50 = arith.index_cast %add3A_16 : i32 to index
      %get3A_51 = arith.constant 64 : index
      %get3A_52 = tpu.vector_load %arg4[%get3A_50, %get3A_51] {strides = array<i32>} : memref<160x128xi32, #tpu.memory_space<vmem>>, vector<16xi32>,
      %shift_right_logical3A_53 = arith.constant 7 : i32
      %shift_right_logical3A_54 = vector.broadcast %shift_right_logical3A_53 : i32 to vector<16xi32>
      %shift_right_logical3A_55 = arith.shrui %get3A_52, %shift_right_logical3A_54 : vector<16xi32>
      %and3A_56 = arith.constant 127 : i32
      %and3A_57 = vector.broadcast %and3A_56 : i32 to vector<16xi32>
      %and3A_58 = arith.andi %get3A_52, %and3A_57 : vector<16xi32>
      tpu.vector_store_idx %arg5[%shift_right_logical3A_55, %and3A_58], %broadcast_in_dim3A_7 {add = true} : memref<79x128xf32, #tpu.memory_space<vmem>>[vector<16xi32>, vector<16xi32>], vector<16xf32>,
      %get3A_59 = arith.index_cast %add3A_16 : i32 to index
      %get3A_60 = arith.constant 80 : index
      %get3A_61 = tpu.vector_load %arg4[%get3A_59, %get3A_60] {strides = array<i32>} : memref<160x128xi32, #tpu.memory_space<vmem>>, vector<16xi32>,
      %shift_right_logical3A_62 = arith.constant 7 : i32
      %shift_right_logical3A_63 = vector.broadcast %shift_right_logical3A_62 : i32 to vector<16xi32>
      %shift_right_logical3A_64 = arith.shrui %get3A_61, %shift_right_logical3A_63 : vector<16xi32>
      %and3A_65 = arith.constant 127 : i32
      %and3A_66 = vector.broadcast %and3A_65 : i32 to vector<16xi32>
      %and3A_67 = arith.andi %get3A_61, %and3A_66 : vector<16xi32>
      tpu.vector_store_idx %arg5[%shift_right_logical3A_64, %and3A_67], %broadcast_in_dim3A_7 {add = true} : memref<79x128xf32, #tpu.memory_space<vmem>>[vector<16xi32>, vector<16xi32>], vector<16xf32>,
      %get3A_68 = arith.index_cast %add3A_16 : i32 to index
      %get3A_69 = arith.constant 96 : index
      %get3A_70 = tpu.vector_load %arg4[%get3A_68, %get3A_69] {strides = array<i32>} : memref<160x128xi32, #tpu.memory_space<vmem>>, vector<16xi32>,
      %shift_right_logical3A_71 = arith.constant 7 : i32
      %shift_right_logical3A_72 = vector.broadcast %shift_right_logical3A_71 : i32 to vector<16xi32>
      %shift_right_logical3A_73 = arith.shrui %get3A_70, %shift_right_logical3A_72 : vector<16xi32>
      %and3A_74 = arith.constant 127 : i32
      %and3A_75 = vector.broadcast %and3A_74 : i32 to vector<16xi32>
      %and3A_76 = arith.andi %get3A_70, %and3A_75 : vector<16xi32>
      tpu.vector_store_idx %arg5[%shift_right_logical3A_73, %and3A_76], %broadcast_in_dim3A_7 {add = true} : memref<79x128xf32, #tpu.memory_space<vmem>>[vector<16xi32>, vector<16xi32>], vector<16xf32>,
      %get3A_77 = arith.index_cast %add3A_16 : i32 to index
      %get3A_78 = arith.constant 112 : index
      %get3A_79 = tpu.vector_load %arg4[%get3A_77, %get3A_78] {strides = array<i32>} : memref<160x128xi32, #tpu.memory_space<vmem>>, vector<16xi32>,
      %shift_right_logical3A_80 = arith.constant 7 : i32
      %shift_right_logical3A_81 = vector.broadcast %shift_right_logical3A_80 : i32 to vector<16xi32>
      %shift_right_logical3A_82 = arith.shrui %get3A_79, %shift_right_logical3A_81 : vector<16xi32>
      %and3A_83 = arith.constant 127 : i32
      %and3A_84 = vector.broadcast %and3A_83 : i32 to vector<16xi32>
      %and3A_85 = arith.andi %get3A_79, %and3A_84 : vector<16xi32>
      tpu.vector_store_idx %arg5[%shift_right_logical3A_82, %and3A_85], %broadcast_in_dim3A_7 {add = true} : memref<79x128xf32, #tpu.memory_space<vmem>>[vector<16xi32>, vector<16xi32>], vector<16xf32>,
    }
    %scan3A_12 = arith.constant 160 : i32
    "tpu.region"() ({
      %run_scoped3A = tpu.sem_alloc : memref<!tpu.dma_semaphore, #tpu.memory_space<semaphore_mem>>
      %dma_start3A = arith.constant 0 : i32
      %dma_start3A_13 = arith.constant 0 : i32
      %dma_start3A_14 = tpu.memref_slice %arg3[%arg0, %arg1, %dma_start3A, %dma_start3A_13] : memref<2x16x79x128xf32, #tpu.memory_space<hbm>> -> memref<1x1x79x128xf32, #tpu.memory_space<hbm>>
      %dma_start3A_15 = tpu.memref_squeeze %dma_start3A_14 : memref<1x1x79x128xf32, #tpu.memory_space<hbm>> -> memref<79x128xf32, #tpu.memory_space<hbm>>
      %dma_start3A_16 = arith.constant 0 : i32
      %dma_start3A_17 = arith.constant 0 : i32
      %dma_start3A_18 = tpu.memref_slice %arg3[%arg0, %arg1, %dma_start3A_16, %dma_start3A_17] : memref<2x16x79x128xf32, #tpu.memory_space<hbm>> -> memref<1x1x79x128xf32, #tpu.memory_space<hbm>>
      %dma_start3A_19 = tpu.memref_squeeze %dma_start3A_18 : memref<1x1x79x128xf32, #tpu.memory_space<hbm>> -> memref<79x128xf32, #tpu.memory_space<hbm>>
      tpu.enqueue_dma source(%arg5 : memref<79x128xf32, #tpu.memory_space<vmem>>) target(%dma_start3A_19 : memref<79x128xf32, #tpu.memory_space<hbm>>) target_semaphore(%run_scoped3A : memref<!tpu.dma_semaphore, #tpu.memory_space<semaphore_mem>>)
      %dma_wait3A = arith.constant 0 : i32
      %dma_wait3A_20 = arith.constant 0 : i32
      %dma_wait3A_21 = tpu.memref_slice %arg3[%arg0, %arg1, %dma_wait3A, %dma_wait3A_20] : memref<2x16x79x128xf32, #tpu.memory_space<hbm>> -> memref<1x1x79x128xf32, #tpu.memory_space<hbm>>
      %dma_wait3A_22 = tpu.memref_squeeze %dma_wait3A_21 : memref<1x1x79x128xf32, #tpu.memory_space<hbm>> -> memref<79x128xf32, #tpu.memory_space<hbm>>
      %dma_wait3A_23 = arith.constant 0 : i32
      %dma_wait3A_24 = arith.constant 0 : i32
      %dma_wait3A_25 = tpu.memref_slice %arg3[%arg0, %arg1, %dma_wait3A_23, %dma_wait3A_24] : memref<2x16x79x128xf32, #tpu.memory_space<hbm>> -> memref<1x1x79x128xf32, #tpu.memory_space<hbm>>
      %dma_wait3A_26 = tpu.memref_squeeze %dma_wait3A_25 : memref<1x1x79x128xf32, #tpu.memory_space<hbm>> -> memref<79x128xf32, #tpu.memory_space<hbm>>
      tpu.wait_dma2 semaphore(%run_scoped3A : memref<!tpu.dma_semaphore, #tpu.memory_space<semaphore_mem>>) src(%arg5 : memref<79x128xf32, #tpu.memory_space<vmem>>) dst(%dma_wait3A_26 : memref<79x128xf32, #tpu.memory_space<hbm>>)
      tpu.yield
    }) : () -> ()
    return
  }
}

module attributes {stable_mosaic.version = 14 : i64} {
  func.func @body(%arg0: i32, %arg1: memref<1x16x79x128xf32, #tpu.memory_space<vmem>>, %arg2: memref<1x10112x128xf32, #tpu.memory_space<vmem>>) attributes {dimension_semantics = [#tpu.dimension_semantics<arbitrary>], iteration_bounds = array<i64: 2>, scalar_prefetch = 0 : i64, scratch_operands = 0 : i64, tpu.core_type = #tpu.core_type<tc>, window_params = [{transform_indices = @transform_0, window_bounds = array<i64: 1, 16, 79, 128>}, {transform_indices = @transform_1, window_bounds = array<i64: 1, 10112, 128>}]} {
    %get3A = arith.constant 0 : index
    %get3A_0 = arith.constant 0 : index
    %get3A_1 = arith.constant 0 : index
    %get3A_2 = arith.constant 0 : index
    %get3A_3 = vector.load %arg1[%get3A, %get3A_0, %get3A_1, %get3A_2] : memref<1x16x79x128xf32, #tpu.memory_space<vmem>>, vector<1x1x79x128xf32>
    %get3A_4 = vector.shape_cast %get3A_3 : vector<1x1x79x128xf32> to vector<79x128xf32>
    %get3A_5 = arith.constant 0 : index
    %get3A_6 = arith.constant 1 : index
    %get3A_7 = arith.constant 0 : index
    %get3A_8 = arith.constant 0 : index
    %get3A_9 = vector.load %arg1[%get3A_5, %get3A_6, %get3A_7, %get3A_8] : memref<1x16x79x128xf32, #tpu.memory_space<vmem>>, vector<1x1x79x128xf32>
    %get3A_10 = vector.shape_cast %get3A_9 : vector<1x1x79x128xf32> to vector<79x128xf32>
    %add3A = arith.addf %get3A_4, %get3A_10 : vector<79x128xf32>
    %get3A_11 = arith.constant 0 : index
    %get3A_12 = arith.constant 2 : index
    %get3A_13 = arith.constant 0 : index
    %get3A_14 = arith.constant 0 : index
    %get3A_15 = vector.load %arg1[%get3A_11, %get3A_12, %get3A_13, %get3A_14] : memref<1x16x79x128xf32, #tpu.memory_space<vmem>>, vector<1x1x79x128xf32>
    %get3A_16 = vector.shape_cast %get3A_15 : vector<1x1x79x128xf32> to vector<79x128xf32>
    %add3A_17 = arith.addf %add3A, %get3A_16 : vector<79x128xf32>
    %get3A_18 = arith.constant 0 : index
    %get3A_19 = arith.constant 3 : index
    %get3A_20 = arith.constant 0 : index
    %get3A_21 = arith.constant 0 : index
    %get3A_22 = vector.load %arg1[%get3A_18, %get3A_19, %get3A_20, %get3A_21] : memref<1x16x79x128xf32, #tpu.memory_space<vmem>>, vector<1x1x79x128xf32>
    %get3A_23 = vector.shape_cast %get3A_22 : vector<1x1x79x128xf32> to vector<79x128xf32>
    %add3A_24 = arith.addf %add3A_17, %get3A_23 : vector<79x128xf32>
    %get3A_25 = arith.constant 0 : index
    %get3A_26 = arith.constant 4 : index
    %get3A_27 = arith.constant 0 : index
    %get3A_28 = arith.constant 0 : index
    %get3A_29 = vector.load %arg1[%get3A_25, %get3A_26, %get3A_27, %get3A_28] : memref<1x16x79x128xf32, #tpu.memory_space<vmem>>, vector<1x1x79x128xf32>
    %get3A_30 = vector.shape_cast %get3A_29 : vector<1x1x79x128xf32> to vector<79x128xf32>
    %add3A_31 = arith.addf %add3A_24, %get3A_30 : vector<79x128xf32>
    %get3A_32 = arith.constant 0 : index
    %get3A_33 = arith.constant 5 : index
    %get3A_34 = arith.constant 0 : index
    %get3A_35 = arith.constant 0 : index
    %get3A_36 = vector.load %arg1[%get3A_32, %get3A_33, %get3A_34, %get3A_35] : memref<1x16x79x128xf32, #tpu.memory_space<vmem>>, vector<1x1x79x128xf32>
    %get3A_37 = vector.shape_cast %get3A_36 : vector<1x1x79x128xf32> to vector<79x128xf32>
    %add3A_38 = arith.addf %add3A_31, %get3A_37 : vector<79x128xf32>
    %get3A_39 = arith.constant 0 : index
    %get3A_40 = arith.constant 6 : index
    %get3A_41 = arith.constant 0 : index
    %get3A_42 = arith.constant 0 : index
    %get3A_43 = vector.load %arg1[%get3A_39, %get3A_40, %get3A_41, %get3A_42] : memref<1x16x79x128xf32, #tpu.memory_space<vmem>>, vector<1x1x79x128xf32>
    %get3A_44 = vector.shape_cast %get3A_43 : vector<1x1x79x128xf32> to vector<79x128xf32>
    %add3A_45 = arith.addf %add3A_38, %get3A_44 : vector<79x128xf32>
    %get3A_46 = arith.constant 0 : index
    %get3A_47 = arith.constant 7 : index
    %get3A_48 = arith.constant 0 : index
    %get3A_49 = arith.constant 0 : index
    %get3A_50 = vector.load %arg1[%get3A_46, %get3A_47, %get3A_48, %get3A_49] : memref<1x16x79x128xf32, #tpu.memory_space<vmem>>, vector<1x1x79x128xf32>
    %get3A_51 = vector.shape_cast %get3A_50 : vector<1x1x79x128xf32> to vector<79x128xf32>
    %add3A_52 = arith.addf %add3A_45, %get3A_51 : vector<79x128xf32>
    %get3A_53 = arith.constant 0 : index
    %get3A_54 = arith.constant 8 : index
    %get3A_55 = arith.constant 0 : index
    %get3A_56 = arith.constant 0 : index
    %get3A_57 = vector.load %arg1[%get3A_53, %get3A_54, %get3A_55, %get3A_56] : memref<1x16x79x128xf32, #tpu.memory_space<vmem>>, vector<1x1x79x128xf32>
    %get3A_58 = vector.shape_cast %get3A_57 : vector<1x1x79x128xf32> to vector<79x128xf32>
    %add3A_59 = arith.addf %add3A_52, %get3A_58 : vector<79x128xf32>
    %get3A_60 = arith.constant 0 : index
    %get3A_61 = arith.constant 9 : index
    %get3A_62 = arith.constant 0 : index
    %get3A_63 = arith.constant 0 : index
    %get3A_64 = vector.load %arg1[%get3A_60, %get3A_61, %get3A_62, %get3A_63] : memref<1x16x79x128xf32, #tpu.memory_space<vmem>>, vector<1x1x79x128xf32>
    %get3A_65 = vector.shape_cast %get3A_64 : vector<1x1x79x128xf32> to vector<79x128xf32>
    %add3A_66 = arith.addf %add3A_59, %get3A_65 : vector<79x128xf32>
    %get3A_67 = arith.constant 0 : index
    %get3A_68 = arith.constant 10 : index
    %get3A_69 = arith.constant 0 : index
    %get3A_70 = arith.constant 0 : index
    %get3A_71 = vector.load %arg1[%get3A_67, %get3A_68, %get3A_69, %get3A_70] : memref<1x16x79x128xf32, #tpu.memory_space<vmem>>, vector<1x1x79x128xf32>
    %get3A_72 = vector.shape_cast %get3A_71 : vector<1x1x79x128xf32> to vector<79x128xf32>
    %add3A_73 = arith.addf %add3A_66, %get3A_72 : vector<79x128xf32>
    %get3A_74 = arith.constant 0 : index
    %get3A_75 = arith.constant 11 : index
    %get3A_76 = arith.constant 0 : index
    %get3A_77 = arith.constant 0 : index
    %get3A_78 = vector.load %arg1[%get3A_74, %get3A_75, %get3A_76, %get3A_77] : memref<1x16x79x128xf32, #tpu.memory_space<vmem>>, vector<1x1x79x128xf32>
    %get3A_79 = vector.shape_cast %get3A_78 : vector<1x1x79x128xf32> to vector<79x128xf32>
    %add3A_80 = arith.addf %add3A_73, %get3A_79 : vector<79x128xf32>
    %get3A_81 = arith.constant 0 : index
    %get3A_82 = arith.constant 12 : index
    %get3A_83 = arith.constant 0 : index
    %get3A_84 = arith.constant 0 : index
    %get3A_85 = vector.load %arg1[%get3A_81, %get3A_82, %get3A_83, %get3A_84] : memref<1x16x79x128xf32, #tpu.memory_space<vmem>>, vector<1x1x79x128xf32>
    %get3A_86 = vector.shape_cast %get3A_85 : vector<1x1x79x128xf32> to vector<79x128xf32>
    %add3A_87 = arith.addf %add3A_80, %get3A_86 : vector<79x128xf32>
    %get3A_88 = arith.constant 0 : index
    %get3A_89 = arith.constant 13 : index
    %get3A_90 = arith.constant 0 : index
    %get3A_91 = arith.constant 0 : index
    %get3A_92 = vector.load %arg1[%get3A_88, %get3A_89, %get3A_90, %get3A_91] : memref<1x16x79x128xf32, #tpu.memory_space<vmem>>, vector<1x1x79x128xf32>
    %get3A_93 = vector.shape_cast %get3A_92 : vector<1x1x79x128xf32> to vector<79x128xf32>
    %add3A_94 = arith.addf %add3A_87, %get3A_93 : vector<79x128xf32>
    %get3A_95 = arith.constant 0 : index
    %get3A_96 = arith.constant 14 : index
    %get3A_97 = arith.constant 0 : index
    %get3A_98 = arith.constant 0 : index
    %get3A_99 = vector.load %arg1[%get3A_95, %get3A_96, %get3A_97, %get3A_98] : memref<1x16x79x128xf32, #tpu.memory_space<vmem>>, vector<1x1x79x128xf32>
    %get3A_100 = vector.shape_cast %get3A_99 : vector<1x1x79x128xf32> to vector<79x128xf32>
    %add3A_101 = arith.addf %add3A_94, %get3A_100 : vector<79x128xf32>
    %get3A_102 = arith.constant 0 : index
    %get3A_103 = arith.constant 15 : index
    %get3A_104 = arith.constant 0 : index
    %get3A_105 = arith.constant 0 : index
    %get3A_106 = vector.load %arg1[%get3A_102, %get3A_103, %get3A_104, %get3A_105] : memref<1x16x79x128xf32, #tpu.memory_space<vmem>>, vector<1x1x79x128xf32>
    %get3A_107 = vector.shape_cast %get3A_106 : vector<1x1x79x128xf32> to vector<79x128xf32>
    %add3A_108 = arith.addf %add3A_101, %get3A_107 : vector<79x128xf32>
    %slice3A = vector.extract_strided_slice %add3A_108 {offsets = [0, 0], sizes = [1, 128], strides = [1, 1]} : vector<79x128xf32> to vector<1x128xf32>
    %broadcast_in_dim3A = vector.shape_cast %slice3A : vector<1x128xf32> to vector<1x128xf32>
    %broadcast_in_dim3A_109 = vector.broadcast %broadcast_in_dim3A : vector<1x128xf32> to vector<128x128xf32>
    %transpose3A = tpu.transpose %broadcast_in_dim3A_109, [1, 0] : vector<128x128xf32> -> vector<128x128xf32>
    %swap3A = arith.constant 0 : index
    %swap3A_110 = arith.constant 0 : index
    %swap3A_111 = arith.constant 0 : index
    %swap3A_112 = vector.load %arg2[%swap3A, %swap3A_110, %swap3A_111] : memref<1x10112x128xf32, #tpu.memory_space<vmem>>, vector<1x128x128xf32>
    %swap3A_113 = vector.shape_cast %swap3A_112 : vector<1x128x128xf32> to vector<128x128xf32>
    %swap3A_114 = vector.shape_cast %transpose3A : vector<128x128xf32> to vector<1x128x128xf32>
    tpu.vector_store %arg2[%swap3A, %swap3A_110, %swap3A_111], %swap3A_114 {strides = array<i32>} : memref<1x10112x128xf32, #tpu.memory_space<vmem>>, vector<1x128x128xf32>,
    %slice3A_115 = vector.extract_strided_slice %add3A_108 {offsets = [1, 0], sizes = [1, 128], strides = [1, 1]} : vector<79x128xf32> to vector<1x128xf32>
    %broadcast_in_dim3A_116 = vector.shape_cast %slice3A_115 : vector<1x128xf32> to vector<1x128xf32>
    %broadcast_in_dim3A_117 = vector.broadcast %broadcast_in_dim3A_116 : vector<1x128xf32> to vector<128x128xf32>
    %transpose3A_118 = tpu.transpose %broadcast_in_dim3A_117, [1, 0] : vector<128x128xf32> -> vector<128x128xf32>
    %swap3A_119 = arith.constant 0 : index
    %swap3A_120 = arith.constant 128 : index
    %swap3A_121 = arith.constant 0 : index
    %swap3A_122 = vector.load %arg2[%swap3A_119, %swap3A_120, %swap3A_121] : memref<1x10112x128xf32, #tpu.memory_space<vmem>>, vector<1x128x128xf32>
    %swap3A_123 = vector.shape_cast %swap3A_122 : vector<1x128x128xf32> to vector<128x128xf32>
    %swap3A_124 = vector.shape_cast %transpose3A_118 : vector<128x128xf32> to vector<1x128x128xf32>
    tpu.vector_store %arg2[%swap3A_119, %swap3A_120, %swap3A_121], %swap3A_124 {strides = array<i32>} : memref<1x10112x128xf32, #tpu.memory_space<vmem>>, vector<1x128x128xf32>,
    %slice3A_125 = vector.extract_strided_slice %add3A_108 {offsets = [2, 0], sizes = [1, 128], strides = [1, 1]} : vector<79x128xf32> to vector<1x128xf32>
    %broadcast_in_dim3A_126 = vector.shape_cast %slice3A_125 : vector<1x128xf32> to vector<1x128xf32>
    %broadcast_in_dim3A_127 = vector.broadcast %broadcast_in_dim3A_126 : vector<1x128xf32> to vector<128x128xf32>
    %transpose3A_128 = tpu.transpose %broadcast_in_dim3A_127, [1, 0] : vector<128x128xf32> -> vector<128x128xf32>
    %swap3A_129 = arith.constant 0 : index
    %swap3A_130 = arith.constant 256 : index
    %swap3A_131 = arith.constant 0 : index
    %swap3A_132 = vector.load %arg2[%swap3A_129, %swap3A_130, %swap3A_131] : memref<1x10112x128xf32, #tpu.memory_space<vmem>>, vector<1x128x128xf32>
    %swap3A_133 = vector.shape_cast %swap3A_132 : vector<1x128x128xf32> to vector<128x128xf32>
    %swap3A_134 = vector.shape_cast %transpose3A_128 : vector<128x128xf32> to vector<1x128x128xf32>
    tpu.vector_store %arg2[%swap3A_129, %swap3A_130, %swap3A_131], %swap3A_134 {strides = array<i32>} : memref<1x10112x128xf32, #tpu.memory_space<vmem>>, vector<1x128x128xf32>,
    %slice3A_135 = vector.extract_strided_slice %add3A_108 {offsets = [3, 0], sizes = [1, 128], strides = [1, 1]} : vector<79x128xf32> to vector<1x128xf32>
    %broadcast_in_dim3A_136 = vector.shape_cast %slice3A_135 : vector<1x128xf32> to vector<1x128xf32>
    %broadcast_in_dim3A_137 = vector.broadcast %broadcast_in_dim3A_136 : vector<1x128xf32> to vector<128x128xf32>
    %transpose3A_138 = tpu.transpose %broadcast_in_dim3A_137, [1, 0] : vector<128x128xf32> -> vector<128x128xf32>
    %swap3A_139 = arith.constant 0 : index
    %swap3A_140 = arith.constant 384 : index
    %swap3A_141 = arith.constant 0 : index
    %swap3A_142 = vector.load %arg2[%swap3A_139, %swap3A_140, %swap3A_141] : memref<1x10112x128xf32, #tpu.memory_space<vmem>>, vector<1x128x128xf32>
    %swap3A_143 = vector.shape_cast %swap3A_142 : vector<1x128x128xf32> to vector<128x128xf32>
    %swap3A_144 = vector.shape_cast %transpose3A_138 : vector<128x128xf32> to vector<1x128x128xf32>
    tpu.vector_store %arg2[%swap3A_139, %swap3A_140, %swap3A_141], %swap3A_144 {strides = array<i32>} : memref<1x10112x128xf32, #tpu.memory_space<vmem>>, vector<1x128x128xf32>,
    %slice3A_145 = vector.extract_strided_slice %add3A_108 {offsets = [4, 0], sizes = [1, 128], strides = [1, 1]} : vector<79x128xf32> to vector<1x128xf32>
    %broadcast_in_dim3A_146 = vector.shape_cast %slice3A_145 : vector<1x128xf32> to vector<1x128xf32>
    %broadcast_in_dim3A_147 = vector.broadcast %broadcast_in_dim3A_146 : vector<1x128xf32> to vector<128x128xf32>
    %transpose3A_148 = tpu.transpose %broadcast_in_dim3A_147, [1, 0] : vector<128x128xf32> -> vector<128x128xf32>
    %swap3A_149 = arith.constant 0 : index
    %swap3A_150 = arith.constant 512 : index
    %swap3A_151 = arith.constant 0 : index
    %swap3A_152 = vector.load %arg2[%swap3A_149, %swap3A_150, %swap3A_151] : memref<1x10112x128xf32, #tpu.memory_space<vmem>>, vector<1x128x128xf32>
    %swap3A_153 = vector.shape_cast %swap3A_152 : vector<1x128x128xf32> to vector<128x128xf32>
    %swap3A_154 = vector.shape_cast %transpose3A_148 : vector<128x128xf32> to vector<1x128x128xf32>
    tpu.vector_store %arg2[%swap3A_149, %swap3A_150, %swap3A_151], %swap3A_154 {strides = array<i32>} : memref<1x10112x128xf32, #tpu.memory_space<vmem>>, vector<1x128x128xf32>,
    %slice3A_155 = vector.extract_strided_slice %add3A_108 {offsets = [5, 0], sizes = [1, 128], strides = [1, 1]} : vector<79x128xf32> to vector<1x128xf32>
    %broadcast_in_dim3A_156 = vector.shape_cast %slice3A_155 : vector<1x128xf32> to vector<1x128xf32>
    %broadcast_in_dim3A_157 = vector.broadcast %broadcast_in_dim3A_156 : vector<1x128xf32> to vector<128x128xf32>
    %transpose3A_158 = tpu.transpose %broadcast_in_dim3A_157, [1, 0] : vector<128x128xf32> -> vector<128x128xf32>
    %swap3A_159 = arith.constant 0 : index
    %swap3A_160 = arith.constant 640 : index
    %swap3A_161 = arith.constant 0 : index
    %swap3A_162 = vector.load %arg2[%swap3A_159, %swap3A_160, %swap3A_161] : memref<1x10112x128xf32, #tpu.memory_space<vmem>>, vector<1x128x128xf32>
    %swap3A_163 = vector.shape_cast %swap3A_162 : vector<1x128x128xf32> to vector<128x128xf32>
    %swap3A_164 = vector.shape_cast %transpose3A_158 : vector<128x128xf32> to vector<1x128x128xf32>
    tpu.vector_store %arg2[%swap3A_159, %swap3A_160, %swap3A_161], %swap3A_164 {strides = array<i32>} : memref<1x10112x128xf32, #tpu.memory_space<vmem>>, vector<1x128x128xf32>,
    %slice3A_165 = vector.extract_strided_slice %add3A_108 {offsets = [6, 0], sizes = [1, 128], strides = [1, 1]} : vector<79x128xf32> to vector<1x128xf32>
    %broadcast_in_dim3A_166 = vector.shape_cast %slice3A_165 : vector<1x128xf32> to vector<1x128xf32>
    %broadcast_in_dim3A_167 = vector.broadcast %broadcast_in_dim3A_166 : vector<1x128xf32> to vector<128x128xf32>
    %transpose3A_168 = tpu.transpose %broadcast_in_dim3A_167, [1, 0] : vector<128x128xf32> -> vector<128x128xf32>
    %swap3A_169 = arith.constant 0 : index
    %swap3A_170 = arith.constant 768 : index
    %swap3A_171 = arith.constant 0 : index
    %swap3A_172 = vector.load %arg2[%swap3A_169, %swap3A_170, %swap3A_171] : memref<1x10112x128xf32, #tpu.memory_space<vmem>>, vector<1x128x128xf32>
    %swap3A_173 = vector.shape_cast %swap3A_172 : vector<1x128x128xf32> to vector<128x128xf32>
    %swap3A_174 = vector.shape_cast %transpose3A_168 : vector<128x128xf32> to vector<1x128x128xf32>
    tpu.vector_store %arg2[%swap3A_169, %swap3A_170, %swap3A_171], %swap3A_174 {strides = array<i32>} : memref<1x10112x128xf32, #tpu.memory_space<vmem>>, vector<1x128x128xf32>,
    %slice3A_175 = vector.extract_strided_slice %add3A_108 {offsets = [7, 0], sizes = [1, 128], strides = [1, 1]} : vector<79x128xf32> to vector<1x128xf32>
    %broadcast_in_dim3A_176 = vector.shape_cast %slice3A_175 : vector<1x128xf32> to vector<1x128xf32>
    %broadcast_in_dim3A_177 = vector.broadcast %broadcast_in_dim3A_176 : vector<1x128xf32> to vector<128x128xf32>
    %transpose3A_178 = tpu.transpose %broadcast_in_dim3A_177, [1, 0] : vector<128x128xf32> -> vector<128x128xf32>
    %swap3A_179 = arith.constant 0 : index
    %swap3A_180 = arith.constant 896 : index
    %swap3A_181 = arith.constant 0 : index
    %swap3A_182 = vector.load %arg2[%swap3A_179, %swap3A_180, %swap3A_181] : memref<1x10112x128xf32, #tpu.memory_space<vmem>>, vector<1x128x128xf32>
    %swap3A_183 = vector.shape_cast %swap3A_182 : vector<1x128x128xf32> to vector<128x128xf32>
    %swap3A_184 = vector.shape_cast %transpose3A_178 : vector<128x128xf32> to vector<1x128x128xf32>
    tpu.vector_store %arg2[%swap3A_179, %swap3A_180, %swap3A_181], %swap3A_184 {strides = array<i32>} : memref<1x10112x128xf32, #tpu.memory_space<vmem>>, vector<1x128x128xf32>,
    %slice3A_185 = vector.extract_strided_slice %add3A_108 {offsets = [8, 0], sizes = [1, 128], strides = [1, 1]} : vector<79x128xf32> to vector<1x128xf32>
    %broadcast_in_dim3A_186 = vector.shape_cast %slice3A_185 : vector<1x128xf32> to vector<1x128xf32>
    %broadcast_in_dim3A_187 = vector.broadcast %broadcast_in_dim3A_186 : vector<1x128xf32> to vector<128x128xf32>
    %transpose3A_188 = tpu.transpose %broadcast_in_dim3A_187, [1, 0] : vector<128x128xf32> -> vector<128x128xf32>
    %swap3A_189 = arith.constant 0 : index
    %swap3A_190 = arith.constant 1024 : index
    %swap3A_191 = arith.constant 0 : index
    %swap3A_192 = vector.load %arg2[%swap3A_189, %swap3A_190, %swap3A_191] : memref<1x10112x128xf32, #tpu.memory_space<vmem>>, vector<1x128x128xf32>
    %swap3A_193 = vector.shape_cast %swap3A_192 : vector<1x128x128xf32> to vector<128x128xf32>
    %swap3A_194 = vector.shape_cast %transpose3A_188 : vector<128x128xf32> to vector<1x128x128xf32>
    tpu.vector_store %arg2[%swap3A_189, %swap3A_190, %swap3A_191], %swap3A_194 {strides = array<i32>} : memref<1x10112x128xf32, #tpu.memory_space<vmem>>, vector<1x128x128xf32>,
    %slice3A_195 = vector.extract_strided_slice %add3A_108 {offsets = [9, 0], sizes = [1, 128], strides = [1, 1]} : vector<79x128xf32> to vector<1x128xf32>
    %broadcast_in_dim3A_196 = vector.shape_cast %slice3A_195 : vector<1x128xf32> to vector<1x128xf32>
    %broadcast_in_dim3A_197 = vector.broadcast %broadcast_in_dim3A_196 : vector<1x128xf32> to vector<128x128xf32>
    %transpose3A_198 = tpu.transpose %broadcast_in_dim3A_197, [1, 0] : vector<128x128xf32> -> vector<128x128xf32>
    %swap3A_199 = arith.constant 0 : index
    %swap3A_200 = arith.constant 1152 : index
    %swap3A_201 = arith.constant 0 : index
    %swap3A_202 = vector.load %arg2[%swap3A_199, %swap3A_200, %swap3A_201] : memref<1x10112x128xf32, #tpu.memory_space<vmem>>, vector<1x128x128xf32>
    %swap3A_203 = vector.shape_cast %swap3A_202 : vector<1x128x128xf32> to vector<128x128xf32>
    %swap3A_204 = vector.shape_cast %transpose3A_198 : vector<128x128xf32> to vector<1x128x128xf32>
    tpu.vector_store %arg2[%swap3A_199, %swap3A_200, %swap3A_201], %swap3A_204 {strides = array<i32>} : memref<1x10112x128xf32, #tpu.memory_space<vmem>>, vector<1x128x128xf32>,
    %slice3A_205 = vector.extract_strided_slice %add3A_108 {offsets = [10, 0], sizes = [1, 128], strides = [1, 1]} : vector<79x128xf32> to vector<1x128xf32>
    %broadcast_in_dim3A_206 = vector.shape_cast %slice3A_205 : vector<1x128xf32> to vector<1x128xf32>
    %broadcast_in_dim3A_207 = vector.broadcast %broadcast_in_dim3A_206 : vector<1x128xf32> to vector<128x128xf32>
    %transpose3A_208 = tpu.transpose %broadcast_in_dim3A_207, [1, 0] : vector<128x128xf32> -> vector<128x128xf32>
    %swap3A_209 = arith.constant 0 : index
    %swap3A_210 = arith.constant 1280 : index
    %swap3A_211 = arith.constant 0 : index
    %swap3A_212 = vector.load %arg2[%swap3A_209, %swap3A_210, %swap3A_211] : memref<1x10112x128xf32, #tpu.memory_space<vmem>>, vector<1x128x128xf32>
    %swap3A_213 = vector.shape_cast %swap3A_212 : vector<1x128x128xf32> to vector<128x128xf32>
    %swap3A_214 = vector.shape_cast %transpose3A_208 : vector<128x128xf32> to vector<1x128x128xf32>
    tpu.vector_store %arg2[%swap3A_209, %swap3A_210, %swap3A_211], %swap3A_214 {strides = array<i32>} : memref<1x10112x128xf32, #tpu.memory_space<vmem>>, vector<1x128x128xf32>,
    %slice3A_215 = vector.extract_strided_slice %add3A_108 {offsets = [11, 0], sizes = [1, 128], strides = [1, 1]} : vector<79x128xf32> to vector<1x128xf32>
    %broadcast_in_dim3A_216 = vector.shape_cast %slice3A_215 : vector<1x128xf32> to vector<1x128xf32>
    %broadcast_in_dim3A_217 = vector.broadcast %broadcast_in_dim3A_216 : vector<1x128xf32> to vector<128x128xf32>
    %transpose3A_218 = tpu.transpose %broadcast_in_dim3A_217, [1, 0] : vector<128x128xf32> -> vector<128x128xf32>
    %swap3A_219 = arith.constant 0 : index
    %swap3A_220 = arith.constant 1408 : index
    %swap3A_221 = arith.constant 0 : index
    %swap3A_222 = vector.load %arg2[%swap3A_219, %swap3A_220, %swap3A_221] : memref<1x10112x128xf32, #tpu.memory_space<vmem>>, vector<1x128x128xf32>
    %swap3A_223 = vector.shape_cast %swap3A_222 : vector<1x128x128xf32> to vector<128x128xf32>
    %swap3A_224 = vector.shape_cast %transpose3A_218 : vector<128x128xf32> to vector<1x128x128xf32>
    tpu.vector_store %arg2[%swap3A_219, %swap3A_220, %swap3A_221], %swap3A_224 {strides = array<i32>} : memref<1x10112x128xf32, #tpu.memory_space<vmem>>, vector<1x128x128xf32>,
    %slice3A_225 = vector.extract_strided_slice %add3A_108 {offsets = [12, 0], sizes = [1, 128], strides = [1, 1]} : vector<79x128xf32> to vector<1x128xf32>
    %broadcast_in_dim3A_226 = vector.shape_cast %slice3A_225 : vector<1x128xf32> to vector<1x128xf32>
    %broadcast_in_dim3A_227 = vector.broadcast %broadcast_in_dim3A_226 : vector<1x128xf32> to vector<128x128xf32>
    %transpose3A_228 = tpu.transpose %broadcast_in_dim3A_227, [1, 0] : vector<128x128xf32> -> vector<128x128xf32>
    %swap3A_229 = arith.constant 0 : index
    %swap3A_230 = arith.constant 1536 : index
    %swap3A_231 = arith.constant 0 : index
    %swap3A_232 = vector.load %arg2[%swap3A_229, %swap3A_230, %swap3A_231] : memref<1x10112x128xf32, #tpu.memory_space<vmem>>, vector<1x128x128xf32>
    %swap3A_233 = vector.shape_cast %swap3A_232 : vector<1x128x128xf32> to vector<128x128xf32>
    %swap3A_234 = vector.shape_cast %transpose3A_228 : vector<128x128xf32> to vector<1x128x128xf32>
    tpu.vector_store %arg2[%swap3A_229, %swap3A_230, %swap3A_231], %swap3A_234 {strides = array<i32>} : memref<1x10112x128xf32, #tpu.memory_space<vmem>>, vector<1x128x128xf32>,
    %slice3A_235 = vector.extract_strided_slice %add3A_108 {offsets = [13, 0], sizes = [1, 128], strides = [1, 1]} : vector<79x128xf32> to vector<1x128xf32>
    %broadcast_in_dim3A_236 = vector.shape_cast %slice3A_235 : vector<1x128xf32> to vector<1x128xf32>
    %broadcast_in_dim3A_237 = vector.broadcast %broadcast_in_dim3A_236 : vector<1x128xf32> to vector<128x128xf32>
    %transpose3A_238 = tpu.transpose %broadcast_in_dim3A_237, [1, 0] : vector<128x128xf32> -> vector<128x128xf32>
    %swap3A_239 = arith.constant 0 : index
    %swap3A_240 = arith.constant 1664 : index
    %swap3A_241 = arith.constant 0 : index
    %swap3A_242 = vector.load %arg2[%swap3A_239, %swap3A_240, %swap3A_241] : memref<1x10112x128xf32, #tpu.memory_space<vmem>>, vector<1x128x128xf32>
    %swap3A_243 = vector.shape_cast %swap3A_242 : vector<1x128x128xf32> to vector<128x128xf32>
    %swap3A_244 = vector.shape_cast %transpose3A_238 : vector<128x128xf32> to vector<1x128x128xf32>
    tpu.vector_store %arg2[%swap3A_239, %swap3A_240, %swap3A_241], %swap3A_244 {strides = array<i32>} : memref<1x10112x128xf32, #tpu.memory_space<vmem>>, vector<1x128x128xf32>,
    %slice3A_245 = vector.extract_strided_slice %add3A_108 {offsets = [14, 0], sizes = [1, 128], strides = [1, 1]} : vector<79x128xf32> to vector<1x128xf32>
    %broadcast_in_dim3A_246 = vector.shape_cast %slice3A_245 : vector<1x128xf32> to vector<1x128xf32>
    %broadcast_in_dim3A_247 = vector.broadcast %broadcast_in_dim3A_246 : vector<1x128xf32> to vector<128x128xf32>
    %transpose3A_248 = tpu.transpose %broadcast_in_dim3A_247, [1, 0] : vector<128x128xf32> -> vector<128x128xf32>
    %swap3A_249 = arith.constant 0 : index
    %swap3A_250 = arith.constant 1792 : index
    %swap3A_251 = arith.constant 0 : index
    %swap3A_252 = vector.load %arg2[%swap3A_249, %swap3A_250, %swap3A_251] : memref<1x10112x128xf32, #tpu.memory_space<vmem>>, vector<1x128x128xf32>
    %swap3A_253 = vector.shape_cast %swap3A_252 : vector<1x128x128xf32> to vector<128x128xf32>
    %swap3A_254 = vector.shape_cast %transpose3A_248 : vector<128x128xf32> to vector<1x128x128xf32>
    tpu.vector_store %arg2[%swap3A_249, %swap3A_250, %swap3A_251], %swap3A_254 {strides = array<i32>} : memref<1x10112x128xf32, #tpu.memory_space<vmem>>, vector<1x128x128xf32>,
    %slice3A_255 = vector.extract_strided_slice %add3A_108 {offsets = [15, 0], sizes = [1, 128], strides = [1, 1]} : vector<79x128xf32> to vector<1x128xf32>
    %broadcast_in_dim3A_256 = vector.shape_cast %slice3A_255 : vector<1x128xf32> to vector<1x128xf32>
    %broadcast_in_dim3A_257 = vector.broadcast %broadcast_in_dim3A_256 : vector<1x128xf32> to vector<128x128xf32>
    %transpose3A_258 = tpu.transpose %broadcast_in_dim3A_257, [1, 0] : vector<128x128xf32> -> vector<128x128xf32>
    %swap3A_259 = arith.constant 0 : index
    %swap3A_260 = arith.constant 1920 : index
    %swap3A_261 = arith.constant 0 : index
    %swap3A_262 = vector.load %arg2[%swap3A_259, %swap3A_260, %swap3A_261] : memref<1x10112x128xf32, #tpu.memory_space<vmem>>, vector<1x128x128xf32>
    %swap3A_263 = vector.shape_cast %swap3A_262 : vector<1x128x128xf32> to vector<128x128xf32>
    %swap3A_264 = vector.shape_cast %transpose3A_258 : vector<128x128xf32> to vector<1x128x128xf32>
    tpu.vector_store %arg2[%swap3A_259, %swap3A_260, %swap3A_261], %swap3A_264 {strides = array<i32>} : memref<1x10112x128xf32, #tpu.memory_space<vmem>>, vector<1x128x128xf32>,
    %slice3A_265 = vector.extract_strided_slice %add3A_108 {offsets = [16, 0], sizes = [1, 128], strides = [1, 1]} : vector<79x128xf32> to vector<1x128xf32>
    %broadcast_in_dim3A_266 = vector.shape_cast %slice3A_265 : vector<1x128xf32> to vector<1x128xf32>
    %broadcast_in_dim3A_267 = vector.broadcast %broadcast_in_dim3A_266 : vector<1x128xf32> to vector<128x128xf32>
    %transpose3A_268 = tpu.transpose %broadcast_in_dim3A_267, [1, 0] : vector<128x128xf32> -> vector<128x128xf32>
    %swap3A_269 = arith.constant 0 : index
    %swap3A_270 = arith.constant 2048 : index
    %swap3A_271 = arith.constant 0 : index
    %swap3A_272 = vector.load %arg2[%swap3A_269, %swap3A_270, %swap3A_271] : memref<1x10112x128xf32, #tpu.memory_space<vmem>>, vector<1x128x128xf32>
    %swap3A_273 = vector.shape_cast %swap3A_272 : vector<1x128x128xf32> to vector<128x128xf32>
    %swap3A_274 = vector.shape_cast %transpose3A_268 : vector<128x128xf32> to vector<1x128x128xf32>
    tpu.vector_store %arg2[%swap3A_269, %swap3A_270, %swap3A_271], %swap3A_274 {strides = array<i32>} : memref<1x10112x128xf32, #tpu.memory_space<vmem>>, vector<1x128x128xf32>,
    %slice3A_275 = vector.extract_strided_slice %add3A_108 {offsets = [17, 0], sizes = [1, 128], strides = [1, 1]} : vector<79x128xf32> to vector<1x128xf32>
    %broadcast_in_dim3A_276 = vector.shape_cast %slice3A_275 : vector<1x128xf32> to vector<1x128xf32>
    %broadcast_in_dim3A_277 = vector.broadcast %broadcast_in_dim3A_276 : vector<1x128xf32> to vector<128x128xf32>
    %transpose3A_278 = tpu.transpose %broadcast_in_dim3A_277, [1, 0] : vector<128x128xf32> -> vector<128x128xf32>
    %swap3A_279 = arith.constant 0 : index
    %swap3A_280 = arith.constant 2176 : index
    %swap3A_281 = arith.constant 0 : index
    %swap3A_282 = vector.load %arg2[%swap3A_279, %swap3A_280, %swap3A_281] : memref<1x10112x128xf32, #tpu.memory_space<vmem>>, vector<1x128x128xf32>
    %swap3A_283 = vector.shape_cast %swap3A_282 : vector<1x128x128xf32> to vector<128x128xf32>
    %swap3A_284 = vector.shape_cast %transpose3A_278 : vector<128x128xf32> to vector<1x128x128xf32>
    tpu.vector_store %arg2[%swap3A_279, %swap3A_280, %swap3A_281], %swap3A_284 {strides = array<i32>} : memref<1x10112x128xf32, #tpu.memory_space<vmem>>, vector<1x128x128xf32>,
    %slice3A_285 = vector.extract_strided_slice %add3A_108 {offsets = [18, 0], sizes = [1, 128], strides = [1, 1]} : vector<79x128xf32> to vector<1x128xf32>
    %broadcast_in_dim3A_286 = vector.shape_cast %slice3A_285 : vector<1x128xf32> to vector<1x128xf32>
    %broadcast_in_dim3A_287 = vector.broadcast %broadcast_in_dim3A_286 : vector<1x128xf32> to vector<128x128xf32>
    %transpose3A_288 = tpu.transpose %broadcast_in_dim3A_287, [1, 0] : vector<128x128xf32> -> vector<128x128xf32>
    %swap3A_289 = arith.constant 0 : index
    %swap3A_290 = arith.constant 2304 : index
    %swap3A_291 = arith.constant 0 : index
    %swap3A_292 = vector.load %arg2[%swap3A_289, %swap3A_290, %swap3A_291] : memref<1x10112x128xf32, #tpu.memory_space<vmem>>, vector<1x128x128xf32>
    %swap3A_293 = vector.shape_cast %swap3A_292 : vector<1x128x128xf32> to vector<128x128xf32>
    %swap3A_294 = vector.shape_cast %transpose3A_288 : vector<128x128xf32> to vector<1x128x128xf32>
    tpu.vector_store %arg2[%swap3A_289, %swap3A_290, %swap3A_291], %swap3A_294 {strides = array<i32>} : memref<1x10112x128xf32, #tpu.memory_space<vmem>>, vector<1x128x128xf32>,
    %slice3A_295 = vector.extract_strided_slice %add3A_108 {offsets = [19, 0], sizes = [1, 128], strides = [1, 1]} : vector<79x128xf32> to vector<1x128xf32>
    %broadcast_in_dim3A_296 = vector.shape_cast %slice3A_295 : vector<1x128xf32> to vector<1x128xf32>
    %broadcast_in_dim3A_297 = vector.broadcast %broadcast_in_dim3A_296 : vector<1x128xf32> to vector<128x128xf32>
    %transpose3A_298 = tpu.transpose %broadcast_in_dim3A_297, [1, 0] : vector<128x128xf32> -> vector<128x128xf32>
    %swap3A_299 = arith.constant 0 : index
    %swap3A_300 = arith.constant 2432 : index
    %swap3A_301 = arith.constant 0 : index
    %swap3A_302 = vector.load %arg2[%swap3A_299, %swap3A_300, %swap3A_301] : memref<1x10112x128xf32, #tpu.memory_space<vmem>>, vector<1x128x128xf32>
    %swap3A_303 = vector.shape_cast %swap3A_302 : vector<1x128x128xf32> to vector<128x128xf32>
    %swap3A_304 = vector.shape_cast %transpose3A_298 : vector<128x128xf32> to vector<1x128x128xf32>
    tpu.vector_store %arg2[%swap3A_299, %swap3A_300, %swap3A_301], %swap3A_304 {strides = array<i32>} : memref<1x10112x128xf32, #tpu.memory_space<vmem>>, vector<1x128x128xf32>,
    %slice3A_305 = vector.extract_strided_slice %add3A_108 {offsets = [20, 0], sizes = [1, 128], strides = [1, 1]} : vector<79x128xf32> to vector<1x128xf32>
    %broadcast_in_dim3A_306 = vector.shape_cast %slice3A_305 : vector<1x128xf32> to vector<1x128xf32>
    %broadcast_in_dim3A_307 = vector.broadcast %broadcast_in_dim3A_306 : vector<1x128xf32> to vector<128x128xf32>
    %transpose3A_308 = tpu.transpose %broadcast_in_dim3A_307, [1, 0] : vector<128x128xf32> -> vector<128x128xf32>
    %swap3A_309 = arith.constant 0 : index
    %swap3A_310 = arith.constant 2560 : index
    %swap3A_311 = arith.constant 0 : index
    %swap3A_312 = vector.load %arg2[%swap3A_309, %swap3A_310, %swap3A_311] : memref<1x10112x128xf32, #tpu.memory_space<vmem>>, vector<1x128x128xf32>
    %swap3A_313 = vector.shape_cast %swap3A_312 : vector<1x128x128xf32> to vector<128x128xf32>
    %swap3A_314 = vector.shape_cast %transpose3A_308 : vector<128x128xf32> to vector<1x128x128xf32>
    tpu.vector_store %arg2[%swap3A_309, %swap3A_310, %swap3A_311], %swap3A_314 {strides = array<i32>} : memref<1x10112x128xf32, #tpu.memory_space<vmem>>, vector<1x128x128xf32>,
    %slice3A_315 = vector.extract_strided_slice %add3A_108 {offsets = [21, 0], sizes = [1, 128], strides = [1, 1]} : vector<79x128xf32> to vector<1x128xf32>
    %broadcast_in_dim3A_316 = vector.shape_cast %slice3A_315 : vector<1x128xf32> to vector<1x128xf32>
    %broadcast_in_dim3A_317 = vector.broadcast %broadcast_in_dim3A_316 : vector<1x128xf32> to vector<128x128xf32>
    %transpose3A_318 = tpu.transpose %broadcast_in_dim3A_317, [1, 0] : vector<128x128xf32> -> vector<128x128xf32>
    %swap3A_319 = arith.constant 0 : index
    %swap3A_320 = arith.constant 2688 : index
    %swap3A_321 = arith.constant 0 : index
    %swap3A_322 = vector.load %arg2[%swap3A_319, %swap3A_320, %swap3A_321] : memref<1x10112x128xf32, #tpu.memory_space<vmem>>, vector<1x128x128xf32>
    %swap3A_323 = vector.shape_cast %swap3A_322 : vector<1x128x128xf32> to vector<128x128xf32>
    %swap3A_324 = vector.shape_cast %transpose3A_318 : vector<128x128xf32> to vector<1x128x128xf32>
    tpu.vector_store %arg2[%swap3A_319, %swap3A_320, %swap3A_321], %swap3A_324 {strides = array<i32>} : memref<1x10112x128xf32, #tpu.memory_space<vmem>>, vector<1x128x128xf32>,
    %slice3A_325 = vector.extract_strided_slice %add3A_108 {offsets = [22, 0], sizes = [1, 128], strides = [1, 1]} : vector<79x128xf32> to vector<1x128xf32>
    %broadcast_in_dim3A_326 = vector.shape_cast %slice3A_325 : vector<1x128xf32> to vector<1x128xf32>
    %broadcast_in_dim3A_327 = vector.broadcast %broadcast_in_dim3A_326 : vector<1x128xf32> to vector<128x128xf32>
    %transpose3A_328 = tpu.transpose %broadcast_in_dim3A_327, [1, 0] : vector<128x128xf32> -> vector<128x128xf32>
    %swap3A_329 = arith.constant 0 : index
    %swap3A_330 = arith.constant 2816 : index
    %swap3A_331 = arith.constant 0 : index
    %swap3A_332 = vector.load %arg2[%swap3A_329, %swap3A_330, %swap3A_331] : memref<1x10112x128xf32, #tpu.memory_space<vmem>>, vector<1x128x128xf32>
    %swap3A_333 = vector.shape_cast %swap3A_332 : vector<1x128x128xf32> to vector<128x128xf32>
    %swap3A_334 = vector.shape_cast %transpose3A_328 : vector<128x128xf32> to vector<1x128x128xf32>
    tpu.vector_store %arg2[%swap3A_329, %swap3A_330, %swap3A_331], %swap3A_334 {strides = array<i32>} : memref<1x10112x128xf32, #tpu.memory_space<vmem>>, vector<1x128x128xf32>,
    %slice3A_335 = vector.extract_strided_slice %add3A_108 {offsets = [23, 0], sizes = [1, 128], strides = [1, 1]} : vector<79x128xf32> to vector<1x128xf32>
    %broadcast_in_dim3A_336 = vector.shape_cast %slice3A_335 : vector<1x128xf32> to vector<1x128xf32>
    %broadcast_in_dim3A_337 = vector.broadcast %broadcast_in_dim3A_336 : vector<1x128xf32> to vector<128x128xf32>
    %transpose3A_338 = tpu.transpose %broadcast_in_dim3A_337, [1, 0] : vector<128x128xf32> -> vector<128x128xf32>
    %swap3A_339 = arith.constant 0 : index
    %swap3A_340 = arith.constant 2944 : index
    %swap3A_341 = arith.constant 0 : index
    %swap3A_342 = vector.load %arg2[%swap3A_339, %swap3A_340, %swap3A_341] : memref<1x10112x128xf32, #tpu.memory_space<vmem>>, vector<1x128x128xf32>
    %swap3A_343 = vector.shape_cast %swap3A_342 : vector<1x128x128xf32> to vector<128x128xf32>
    %swap3A_344 = vector.shape_cast %transpose3A_338 : vector<128x128xf32> to vector<1x128x128xf32>
    tpu.vector_store %arg2[%swap3A_339, %swap3A_340, %swap3A_341], %swap3A_344 {strides = array<i32>} : memref<1x10112x128xf32, #tpu.memory_space<vmem>>, vector<1x128x128xf32>,
    %slice3A_345 = vector.extract_strided_slice %add3A_108 {offsets = [24, 0], sizes = [1, 128], strides = [1, 1]} : vector<79x128xf32> to vector<1x128xf32>
    %broadcast_in_dim3A_346 = vector.shape_cast %slice3A_345 : vector<1x128xf32> to vector<1x128xf32>
    %broadcast_in_dim3A_347 = vector.broadcast %broadcast_in_dim3A_346 : vector<1x128xf32> to vector<128x128xf32>
    %transpose3A_348 = tpu.transpose %broadcast_in_dim3A_347, [1, 0] : vector<128x128xf32> -> vector<128x128xf32>
    %swap3A_349 = arith.constant 0 : index
    %swap3A_350 = arith.constant 3072 : index
    %swap3A_351 = arith.constant 0 : index
    %swap3A_352 = vector.load %arg2[%swap3A_349, %swap3A_350, %swap3A_351] : memref<1x10112x128xf32, #tpu.memory_space<vmem>>, vector<1x128x128xf32>
    %swap3A_353 = vector.shape_cast %swap3A_352 : vector<1x128x128xf32> to vector<128x128xf32>
    %swap3A_354 = vector.shape_cast %transpose3A_348 : vector<128x128xf32> to vector<1x128x128xf32>
    tpu.vector_store %arg2[%swap3A_349, %swap3A_350, %swap3A_351], %swap3A_354 {strides = array<i32>} : memref<1x10112x128xf32, #tpu.memory_space<vmem>>, vector<1x128x128xf32>,
    %slice3A_355 = vector.extract_strided_slice %add3A_108 {offsets = [25, 0], sizes = [1, 128], strides = [1, 1]} : vector<79x128xf32> to vector<1x128xf32>
    %broadcast_in_dim3A_356 = vector.shape_cast %slice3A_355 : vector<1x128xf32> to vector<1x128xf32>
    %broadcast_in_dim3A_357 = vector.broadcast %broadcast_in_dim3A_356 : vector<1x128xf32> to vector<128x128xf32>
    %transpose3A_358 = tpu.transpose %broadcast_in_dim3A_357, [1, 0] : vector<128x128xf32> -> vector<128x128xf32>
    %swap3A_359 = arith.constant 0 : index
    %swap3A_360 = arith.constant 3200 : index
    %swap3A_361 = arith.constant 0 : index
    %swap3A_362 = vector.load %arg2[%swap3A_359, %swap3A_360, %swap3A_361] : memref<1x10112x128xf32, #tpu.memory_space<vmem>>, vector<1x128x128xf32>
    %swap3A_363 = vector.shape_cast %swap3A_362 : vector<1x128x128xf32> to vector<128x128xf32>
    %swap3A_364 = vector.shape_cast %transpose3A_358 : vector<128x128xf32> to vector<1x128x128xf32>
    tpu.vector_store %arg2[%swap3A_359, %swap3A_360, %swap3A_361], %swap3A_364 {strides = array<i32>} : memref<1x10112x128xf32, #tpu.memory_space<vmem>>, vector<1x128x128xf32>,
    %slice3A_365 = vector.extract_strided_slice %add3A_108 {offsets = [26, 0], sizes = [1, 128], strides = [1, 1]} : vector<79x128xf32> to vector<1x128xf32>
    %broadcast_in_dim3A_366 = vector.shape_cast %slice3A_365 : vector<1x128xf32> to vector<1x128xf32>
    %broadcast_in_dim3A_367 = vector.broadcast %broadcast_in_dim3A_366 : vector<1x128xf32> to vector<128x128xf32>
    %transpose3A_368 = tpu.transpose %broadcast_in_dim3A_367, [1, 0] : vector<128x128xf32> -> vector<128x128xf32>
    %swap3A_369 = arith.constant 0 : index
    %swap3A_370 = arith.constant 3328 : index
    %swap3A_371 = arith.constant 0 : index
    %swap3A_372 = vector.load %arg2[%swap3A_369, %swap3A_370, %swap3A_371] : memref<1x10112x128xf32, #tpu.memory_space<vmem>>, vector<1x128x128xf32>
    %swap3A_373 = vector.shape_cast %swap3A_372 : vector<1x128x128xf32> to vector<128x128xf32>
    %swap3A_374 = vector.shape_cast %transpose3A_368 : vector<128x128xf32> to vector<1x128x128xf32>
    tpu.vector_store %arg2[%swap3A_369, %swap3A_370, %swap3A_371], %swap3A_374 {strides = array<i32>} : memref<1x10112x128xf32, #tpu.memory_space<vmem>>, vector<1x128x128xf32>,
    %slice3A_375 = vector.extract_strided_slice %add3A_108 {offsets = [27, 0], sizes = [1, 128], strides = [1, 1]} : vector<79x128xf32> to vector<1x128xf32>
    %broadcast_in_dim3A_376 = vector.shape_cast %slice3A_375 : vector<1x128xf32> to vector<1x128xf32>
    %broadcast_in_dim3A_377 = vector.broadcast %broadcast_in_dim3A_376 : vector<1x128xf32> to vector<128x128xf32>
    %transpose3A_378 = tpu.transpose %broadcast_in_dim3A_377, [1, 0] : vector<128x128xf32> -> vector<128x128xf32>
    %swap3A_379 = arith.constant 0 : index
    %swap3A_380 = arith.constant 3456 : index
    %swap3A_381 = arith.constant 0 : index
    %swap3A_382 = vector.load %arg2[%swap3A_379, %swap3A_380, %swap3A_381] : memref<1x10112x128xf32, #tpu.memory_space<vmem>>, vector<1x128x128xf32>
    %swap3A_383 = vector.shape_cast %swap3A_382 : vector<1x128x128xf32> to vector<128x128xf32>
    %swap3A_384 = vector.shape_cast %transpose3A_378 : vector<128x128xf32> to vector<1x128x128xf32>
    tpu.vector_store %arg2[%swap3A_379, %swap3A_380, %swap3A_381], %swap3A_384 {strides = array<i32>} : memref<1x10112x128xf32, #tpu.memory_space<vmem>>, vector<1x128x128xf32>,
    %slice3A_385 = vector.extract_strided_slice %add3A_108 {offsets = [28, 0], sizes = [1, 128], strides = [1, 1]} : vector<79x128xf32> to vector<1x128xf32>
    %broadcast_in_dim3A_386 = vector.shape_cast %slice3A_385 : vector<1x128xf32> to vector<1x128xf32>
    %broadcast_in_dim3A_387 = vector.broadcast %broadcast_in_dim3A_386 : vector<1x128xf32> to vector<128x128xf32>
    %transpose3A_388 = tpu.transpose %broadcast_in_dim3A_387, [1, 0] : vector<128x128xf32> -> vector<128x128xf32>
    %swap3A_389 = arith.constant 0 : index
    %swap3A_390 = arith.constant 3584 : index
    %swap3A_391 = arith.constant 0 : index
    %swap3A_392 = vector.load %arg2[%swap3A_389, %swap3A_390, %swap3A_391] : memref<1x10112x128xf32, #tpu.memory_space<vmem>>, vector<1x128x128xf32>
    %swap3A_393 = vector.shape_cast %swap3A_392 : vector<1x128x128xf32> to vector<128x128xf32>
    %swap3A_394 = vector.shape_cast %transpose3A_388 : vector<128x128xf32> to vector<1x128x128xf32>
    tpu.vector_store %arg2[%swap3A_389, %swap3A_390, %swap3A_391], %swap3A_394 {strides = array<i32>} : memref<1x10112x128xf32, #tpu.memory_space<vmem>>, vector<1x128x128xf32>,
    %slice3A_395 = vector.extract_strided_slice %add3A_108 {offsets = [29, 0], sizes = [1, 128], strides = [1, 1]} : vector<79x128xf32> to vector<1x128xf32>
    %broadcast_in_dim3A_396 = vector.shape_cast %slice3A_395 : vector<1x128xf32> to vector<1x128xf32>
    %broadcast_in_dim3A_397 = vector.broadcast %broadcast_in_dim3A_396 : vector<1x128xf32> to vector<128x128xf32>
    %transpose3A_398 = tpu.transpose %broadcast_in_dim3A_397, [1, 0] : vector<128x128xf32> -> vector<128x128xf32>
    %swap3A_399 = arith.constant 0 : index
    %swap3A_400 = arith.constant 3712 : index
    %swap3A_401 = arith.constant 0 : index
    %swap3A_402 = vector.load %arg2[%swap3A_399, %swap3A_400, %swap3A_401] : memref<1x10112x128xf32, #tpu.memory_space<vmem>>, vector<1x128x128xf32>
    %swap3A_403 = vector.shape_cast %swap3A_402 : vector<1x128x128xf32> to vector<128x128xf32>
    %swap3A_404 = vector.shape_cast %transpose3A_398 : vector<128x128xf32> to vector<1x128x128xf32>
    tpu.vector_store %arg2[%swap3A_399, %swap3A_400, %swap3A_401], %swap3A_404 {strides = array<i32>} : memref<1x10112x128xf32, #tpu.memory_space<vmem>>, vector<1x128x128xf32>,
    %slice3A_405 = vector.extract_strided_slice %add3A_108 {offsets = [30, 0], sizes = [1, 128], strides = [1, 1]} : vector<79x128xf32> to vector<1x128xf32>
    %broadcast_in_dim3A_406 = vector.shape_cast %slice3A_405 : vector<1x128xf32> to vector<1x128xf32>
    %broadcast_in_dim3A_407 = vector.broadcast %broadcast_in_dim3A_406 : vector<1x128xf32> to vector<128x128xf32>
    %transpose3A_408 = tpu.transpose %broadcast_in_dim3A_407, [1, 0] : vector<128x128xf32> -> vector<128x128xf32>
    %swap3A_409 = arith.constant 0 : index
    %swap3A_410 = arith.constant 3840 : index
    %swap3A_411 = arith.constant 0 : index
    %swap3A_412 = vector.load %arg2[%swap3A_409, %swap3A_410, %swap3A_411] : memref<1x10112x128xf32, #tpu.memory_space<vmem>>, vector<1x128x128xf32>
    %swap3A_413 = vector.shape_cast %swap3A_412 : vector<1x128x128xf32> to vector<128x128xf32>
    %swap3A_414 = vector.shape_cast %transpose3A_408 : vector<128x128xf32> to vector<1x128x128xf32>
    tpu.vector_store %arg2[%swap3A_409, %swap3A_410, %swap3A_411], %swap3A_414 {strides = array<i32>} : memref<1x10112x128xf32, #tpu.memory_space<vmem>>, vector<1x128x128xf32>,
    %slice3A_415 = vector.extract_strided_slice %add3A_108 {offsets = [31, 0], sizes = [1, 128], strides = [1, 1]} : vector<79x128xf32> to vector<1x128xf32>
    %broadcast_in_dim3A_416 = vector.shape_cast %slice3A_415 : vector<1x128xf32> to vector<1x128xf32>
    %broadcast_in_dim3A_417 = vector.broadcast %broadcast_in_dim3A_416 : vector<1x128xf32> to vector<128x128xf32>
    %transpose3A_418 = tpu.transpose %broadcast_in_dim3A_417, [1, 0] : vector<128x128xf32> -> vector<128x128xf32>
    %swap3A_419 = arith.constant 0 : index
    %swap3A_420 = arith.constant 3968 : index
    %swap3A_421 = arith.constant 0 : index
    %swap3A_422 = vector.load %arg2[%swap3A_419, %swap3A_420, %swap3A_421] : memref<1x10112x128xf32, #tpu.memory_space<vmem>>, vector<1x128x128xf32>
    %swap3A_423 = vector.shape_cast %swap3A_422 : vector<1x128x128xf32> to vector<128x128xf32>
    %swap3A_424 = vector.shape_cast %transpose3A_418 : vector<128x128xf32> to vector<1x128x128xf32>
    tpu.vector_store %arg2[%swap3A_419, %swap3A_420, %swap3A_421], %swap3A_424 {strides = array<i32>} : memref<1x10112x128xf32, #tpu.memory_space<vmem>>, vector<1x128x128xf32>,
    %slice3A_425 = vector.extract_strided_slice %add3A_108 {offsets = [32, 0], sizes = [1, 128], strides = [1, 1]} : vector<79x128xf32> to vector<1x128xf32>
    %broadcast_in_dim3A_426 = vector.shape_cast %slice3A_425 : vector<1x128xf32> to vector<1x128xf32>
    %broadcast_in_dim3A_427 = vector.broadcast %broadcast_in_dim3A_426 : vector<1x128xf32> to vector<128x128xf32>
    %transpose3A_428 = tpu.transpose %broadcast_in_dim3A_427, [1, 0] : vector<128x128xf32> -> vector<128x128xf32>
    %swap3A_429 = arith.constant 0 : index
    %swap3A_430 = arith.constant 4096 : index
    %swap3A_431 = arith.constant 0 : index
    %swap3A_432 = vector.load %arg2[%swap3A_429, %swap3A_430, %swap3A_431] : memref<1x10112x128xf32, #tpu.memory_space<vmem>>, vector<1x128x128xf32>
    %swap3A_433 = vector.shape_cast %swap3A_432 : vector<1x128x128xf32> to vector<128x128xf32>
    %swap3A_434 = vector.shape_cast %transpose3A_428 : vector<128x128xf32> to vector<1x128x128xf32>
    tpu.vector_store %arg2[%swap3A_429, %swap3A_430, %swap3A_431], %swap3A_434 {strides = array<i32>} : memref<1x10112x128xf32, #tpu.memory_space<vmem>>, vector<1x128x128xf32>,
    %slice3A_435 = vector.extract_strided_slice %add3A_108 {offsets = [33, 0], sizes = [1, 128], strides = [1, 1]} : vector<79x128xf32> to vector<1x128xf32>
    %broadcast_in_dim3A_436 = vector.shape_cast %slice3A_435 : vector<1x128xf32> to vector<1x128xf32>
    %broadcast_in_dim3A_437 = vector.broadcast %broadcast_in_dim3A_436 : vector<1x128xf32> to vector<128x128xf32>
    %transpose3A_438 = tpu.transpose %broadcast_in_dim3A_437, [1, 0] : vector<128x128xf32> -> vector<128x128xf32>
    %swap3A_439 = arith.constant 0 : index
    %swap3A_440 = arith.constant 4224 : index
    %swap3A_441 = arith.constant 0 : index
    %swap3A_442 = vector.load %arg2[%swap3A_439, %swap3A_440, %swap3A_441] : memref<1x10112x128xf32, #tpu.memory_space<vmem>>, vector<1x128x128xf32>
    %swap3A_443 = vector.shape_cast %swap3A_442 : vector<1x128x128xf32> to vector<128x128xf32>
    %swap3A_444 = vector.shape_cast %transpose3A_438 : vector<128x128xf32> to vector<1x128x128xf32>
    tpu.vector_store %arg2[%swap3A_439, %swap3A_440, %swap3A_441], %swap3A_444 {strides = array<i32>} : memref<1x10112x128xf32, #tpu.memory_space<vmem>>, vector<1x128x128xf32>,
    %slice3A_445 = vector.extract_strided_slice %add3A_108 {offsets = [34, 0], sizes = [1, 128], strides = [1, 1]} : vector<79x128xf32> to vector<1x128xf32>
    %broadcast_in_dim3A_446 = vector.shape_cast %slice3A_445 : vector<1x128xf32> to vector<1x128xf32>
    %broadcast_in_dim3A_447 = vector.broadcast %broadcast_in_dim3A_446 : vector<1x128xf32> to vector<128x128xf32>
    %transpose3A_448 = tpu.transpose %broadcast_in_dim3A_447, [1, 0] : vector<128x128xf32> -> vector<128x128xf32>
    %swap3A_449 = arith.constant 0 : index
    %swap3A_450 = arith.constant 4352 : index
    %swap3A_451 = arith.constant 0 : index
    %swap3A_452 = vector.load %arg2[%swap3A_449, %swap3A_450, %swap3A_451] : memref<1x10112x128xf32, #tpu.memory_space<vmem>>, vector<1x128x128xf32>
    %swap3A_453 = vector.shape_cast %swap3A_452 : vector<1x128x128xf32> to vector<128x128xf32>
    %swap3A_454 = vector.shape_cast %transpose3A_448 : vector<128x128xf32> to vector<1x128x128xf32>
    tpu.vector_store %arg2[%swap3A_449, %swap3A_450, %swap3A_451], %swap3A_454 {strides = array<i32>} : memref<1x10112x128xf32, #tpu.memory_space<vmem>>, vector<1x128x128xf32>,
    %slice3A_455 = vector.extract_strided_slice %add3A_108 {offsets = [35, 0], sizes = [1, 128], strides = [1, 1]} : vector<79x128xf32> to vector<1x128xf32>
    %broadcast_in_dim3A_456 = vector.shape_cast %slice3A_455 : vector<1x128xf32> to vector<1x128xf32>
    %broadcast_in_dim3A_457 = vector.broadcast %broadcast_in_dim3A_456 : vector<1x128xf32> to vector<128x128xf32>
    %transpose3A_458 = tpu.transpose %broadcast_in_dim3A_457, [1, 0] : vector<128x128xf32> -> vector<128x128xf32>
    %swap3A_459 = arith.constant 0 : index
    %swap3A_460 = arith.constant 4480 : index
    %swap3A_461 = arith.constant 0 : index
    %swap3A_462 = vector.load %arg2[%swap3A_459, %swap3A_460, %swap3A_461] : memref<1x10112x128xf32, #tpu.memory_space<vmem>>, vector<1x128x128xf32>
    %swap3A_463 = vector.shape_cast %swap3A_462 : vector<1x128x128xf32> to vector<128x128xf32>
    %swap3A_464 = vector.shape_cast %transpose3A_458 : vector<128x128xf32> to vector<1x128x128xf32>
    tpu.vector_store %arg2[%swap3A_459, %swap3A_460, %swap3A_461], %swap3A_464 {strides = array<i32>} : memref<1x10112x128xf32, #tpu.memory_space<vmem>>, vector<1x128x128xf32>,
    %slice3A_465 = vector.extract_strided_slice %add3A_108 {offsets = [36, 0], sizes = [1, 128], strides = [1, 1]} : vector<79x128xf32> to vector<1x128xf32>
    %broadcast_in_dim3A_466 = vector.shape_cast %slice3A_465 : vector<1x128xf32> to vector<1x128xf32>
    %broadcast_in_dim3A_467 = vector.broadcast %broadcast_in_dim3A_466 : vector<1x128xf32> to vector<128x128xf32>
    %transpose3A_468 = tpu.transpose %broadcast_in_dim3A_467, [1, 0] : vector<128x128xf32> -> vector<128x128xf32>
    %swap3A_469 = arith.constant 0 : index
    %swap3A_470 = arith.constant 4608 : index
    %swap3A_471 = arith.constant 0 : index
    %swap3A_472 = vector.load %arg2[%swap3A_469, %swap3A_470, %swap3A_471] : memref<1x10112x128xf32, #tpu.memory_space<vmem>>, vector<1x128x128xf32>
    %swap3A_473 = vector.shape_cast %swap3A_472 : vector<1x128x128xf32> to vector<128x128xf32>
    %swap3A_474 = vector.shape_cast %transpose3A_468 : vector<128x128xf32> to vector<1x128x128xf32>
    tpu.vector_store %arg2[%swap3A_469, %swap3A_470, %swap3A_471], %swap3A_474 {strides = array<i32>} : memref<1x10112x128xf32, #tpu.memory_space<vmem>>, vector<1x128x128xf32>,
    %slice3A_475 = vector.extract_strided_slice %add3A_108 {offsets = [37, 0], sizes = [1, 128], strides = [1, 1]} : vector<79x128xf32> to vector<1x128xf32>
    %broadcast_in_dim3A_476 = vector.shape_cast %slice3A_475 : vector<1x128xf32> to vector<1x128xf32>
    %broadcast_in_dim3A_477 = vector.broadcast %broadcast_in_dim3A_476 : vector<1x128xf32> to vector<128x128xf32>
    %transpose3A_478 = tpu.transpose %broadcast_in_dim3A_477, [1, 0] : vector<128x128xf32> -> vector<128x128xf32>
    %swap3A_479 = arith.constant 0 : index
    %swap3A_480 = arith.constant 4736 : index
    %swap3A_481 = arith.constant 0 : index
    %swap3A_482 = vector.load %arg2[%swap3A_479, %swap3A_480, %swap3A_481] : memref<1x10112x128xf32, #tpu.memory_space<vmem>>, vector<1x128x128xf32>
    %swap3A_483 = vector.shape_cast %swap3A_482 : vector<1x128x128xf32> to vector<128x128xf32>
    %swap3A_484 = vector.shape_cast %transpose3A_478 : vector<128x128xf32> to vector<1x128x128xf32>
    tpu.vector_store %arg2[%swap3A_479, %swap3A_480, %swap3A_481], %swap3A_484 {strides = array<i32>} : memref<1x10112x128xf32, #tpu.memory_space<vmem>>, vector<1x128x128xf32>,
    %slice3A_485 = vector.extract_strided_slice %add3A_108 {offsets = [38, 0], sizes = [1, 128], strides = [1, 1]} : vector<79x128xf32> to vector<1x128xf32>
    %broadcast_in_dim3A_486 = vector.shape_cast %slice3A_485 : vector<1x128xf32> to vector<1x128xf32>
    %broadcast_in_dim3A_487 = vector.broadcast %broadcast_in_dim3A_486 : vector<1x128xf32> to vector<128x128xf32>
    %transpose3A_488 = tpu.transpose %broadcast_in_dim3A_487, [1, 0] : vector<128x128xf32> -> vector<128x128xf32>
    %swap3A_489 = arith.constant 0 : index
    %swap3A_490 = arith.constant 4864 : index
    %swap3A_491 = arith.constant 0 : index
    %swap3A_492 = vector.load %arg2[%swap3A_489, %swap3A_490, %swap3A_491] : memref<1x10112x128xf32, #tpu.memory_space<vmem>>, vector<1x128x128xf32>
    %swap3A_493 = vector.shape_cast %swap3A_492 : vector<1x128x128xf32> to vector<128x128xf32>
    %swap3A_494 = vector.shape_cast %transpose3A_488 : vector<128x128xf32> to vector<1x128x128xf32>
    tpu.vector_store %arg2[%swap3A_489, %swap3A_490, %swap3A_491], %swap3A_494 {strides = array<i32>} : memref<1x10112x128xf32, #tpu.memory_space<vmem>>, vector<1x128x128xf32>,
    %slice3A_495 = vector.extract_strided_slice %add3A_108 {offsets = [39, 0], sizes = [1, 128], strides = [1, 1]} : vector<79x128xf32> to vector<1x128xf32>
    %broadcast_in_dim3A_496 = vector.shape_cast %slice3A_495 : vector<1x128xf32> to vector<1x128xf32>
    %broadcast_in_dim3A_497 = vector.broadcast %broadcast_in_dim3A_496 : vector<1x128xf32> to vector<128x128xf32>
    %transpose3A_498 = tpu.transpose %broadcast_in_dim3A_497, [1, 0] : vector<128x128xf32> -> vector<128x128xf32>
    %swap3A_499 = arith.constant 0 : index
    %swap3A_500 = arith.constant 4992 : index
    %swap3A_501 = arith.constant 0 : index
    %swap3A_502 = vector.load %arg2[%swap3A_499, %swap3A_500, %swap3A_501] : memref<1x10112x128xf32, #tpu.memory_space<vmem>>, vector<1x128x128xf32>
    %swap3A_503 = vector.shape_cast %swap3A_502 : vector<1x128x128xf32> to vector<128x128xf32>
    %swap3A_504 = vector.shape_cast %transpose3A_498 : vector<128x128xf32> to vector<1x128x128xf32>
    tpu.vector_store %arg2[%swap3A_499, %swap3A_500, %swap3A_501], %swap3A_504 {strides = array<i32>} : memref<1x10112x128xf32, #tpu.memory_space<vmem>>, vector<1x128x128xf32>,
    %slice3A_505 = vector.extract_strided_slice %add3A_108 {offsets = [40, 0], sizes = [1, 128], strides = [1, 1]} : vector<79x128xf32> to vector<1x128xf32>
    %broadcast_in_dim3A_506 = vector.shape_cast %slice3A_505 : vector<1x128xf32> to vector<1x128xf32>
    %broadcast_in_dim3A_507 = vector.broadcast %broadcast_in_dim3A_506 : vector<1x128xf32> to vector<128x128xf32>
    %transpose3A_508 = tpu.transpose %broadcast_in_dim3A_507, [1, 0] : vector<128x128xf32> -> vector<128x128xf32>
    %swap3A_509 = arith.constant 0 : index
    %swap3A_510 = arith.constant 5120 : index
    %swap3A_511 = arith.constant 0 : index
    %swap3A_512 = vector.load %arg2[%swap3A_509, %swap3A_510, %swap3A_511] : memref<1x10112x128xf32, #tpu.memory_space<vmem>>, vector<1x128x128xf32>
    %swap3A_513 = vector.shape_cast %swap3A_512 : vector<1x128x128xf32> to vector<128x128xf32>
    %swap3A_514 = vector.shape_cast %transpose3A_508 : vector<128x128xf32> to vector<1x128x128xf32>
    tpu.vector_store %arg2[%swap3A_509, %swap3A_510, %swap3A_511], %swap3A_514 {strides = array<i32>} : memref<1x10112x128xf32, #tpu.memory_space<vmem>>, vector<1x128x128xf32>,
    %slice3A_515 = vector.extract_strided_slice %add3A_108 {offsets = [41, 0], sizes = [1, 128], strides = [1, 1]} : vector<79x128xf32> to vector<1x128xf32>
    %broadcast_in_dim3A_516 = vector.shape_cast %slice3A_515 : vector<1x128xf32> to vector<1x128xf32>
    %broadcast_in_dim3A_517 = vector.broadcast %broadcast_in_dim3A_516 : vector<1x128xf32> to vector<128x128xf32>
    %transpose3A_518 = tpu.transpose %broadcast_in_dim3A_517, [1, 0] : vector<128x128xf32> -> vector<128x128xf32>
    %swap3A_519 = arith.constant 0 : index
    %swap3A_520 = arith.constant 5248 : index
    %swap3A_521 = arith.constant 0 : index
    %swap3A_522 = vector.load %arg2[%swap3A_519, %swap3A_520, %swap3A_521] : memref<1x10112x128xf32, #tpu.memory_space<vmem>>, vector<1x128x128xf32>
    %swap3A_523 = vector.shape_cast %swap3A_522 : vector<1x128x128xf32> to vector<128x128xf32>
    %swap3A_524 = vector.shape_cast %transpose3A_518 : vector<128x128xf32> to vector<1x128x128xf32>
    tpu.vector_store %arg2[%swap3A_519, %swap3A_520, %swap3A_521], %swap3A_524 {strides = array<i32>} : memref<1x10112x128xf32, #tpu.memory_space<vmem>>, vector<1x128x128xf32>,
    %slice3A_525 = vector.extract_strided_slice %add3A_108 {offsets = [42, 0], sizes = [1, 128], strides = [1, 1]} : vector<79x128xf32> to vector<1x128xf32>
    %broadcast_in_dim3A_526 = vector.shape_cast %slice3A_525 : vector<1x128xf32> to vector<1x128xf32>
    %broadcast_in_dim3A_527 = vector.broadcast %broadcast_in_dim3A_526 : vector<1x128xf32> to vector<128x128xf32>
    %transpose3A_528 = tpu.transpose %broadcast_in_dim3A_527, [1, 0] : vector<128x128xf32> -> vector<128x128xf32>
    %swap3A_529 = arith.constant 0 : index
    %swap3A_530 = arith.constant 5376 : index
    %swap3A_531 = arith.constant 0 : index
    %swap3A_532 = vector.load %arg2[%swap3A_529, %swap3A_530, %swap3A_531] : memref<1x10112x128xf32, #tpu.memory_space<vmem>>, vector<1x128x128xf32>
    %swap3A_533 = vector.shape_cast %swap3A_532 : vector<1x128x128xf32> to vector<128x128xf32>
    %swap3A_534 = vector.shape_cast %transpose3A_528 : vector<128x128xf32> to vector<1x128x128xf32>
    tpu.vector_store %arg2[%swap3A_529, %swap3A_530, %swap3A_531], %swap3A_534 {strides = array<i32>} : memref<1x10112x128xf32, #tpu.memory_space<vmem>>, vector<1x128x128xf32>,
    %slice3A_535 = vector.extract_strided_slice %add3A_108 {offsets = [43, 0], sizes = [1, 128], strides = [1, 1]} : vector<79x128xf32> to vector<1x128xf32>
    %broadcast_in_dim3A_536 = vector.shape_cast %slice3A_535 : vector<1x128xf32> to vector<1x128xf32>
    %broadcast_in_dim3A_537 = vector.broadcast %broadcast_in_dim3A_536 : vector<1x128xf32> to vector<128x128xf32>
    %transpose3A_538 = tpu.transpose %broadcast_in_dim3A_537, [1, 0] : vector<128x128xf32> -> vector<128x128xf32>
    %swap3A_539 = arith.constant 0 : index
    %swap3A_540 = arith.constant 5504 : index
    %swap3A_541 = arith.constant 0 : index
    %swap3A_542 = vector.load %arg2[%swap3A_539, %swap3A_540, %swap3A_541] : memref<1x10112x128xf32, #tpu.memory_space<vmem>>, vector<1x128x128xf32>
    %swap3A_543 = vector.shape_cast %swap3A_542 : vector<1x128x128xf32> to vector<128x128xf32>
    %swap3A_544 = vector.shape_cast %transpose3A_538 : vector<128x128xf32> to vector<1x128x128xf32>
    tpu.vector_store %arg2[%swap3A_539, %swap3A_540, %swap3A_541], %swap3A_544 {strides = array<i32>} : memref<1x10112x128xf32, #tpu.memory_space<vmem>>, vector<1x128x128xf32>,
    %slice3A_545 = vector.extract_strided_slice %add3A_108 {offsets = [44, 0], sizes = [1, 128], strides = [1, 1]} : vector<79x128xf32> to vector<1x128xf32>
    %broadcast_in_dim3A_546 = vector.shape_cast %slice3A_545 : vector<1x128xf32> to vector<1x128xf32>
    %broadcast_in_dim3A_547 = vector.broadcast %broadcast_in_dim3A_546 : vector<1x128xf32> to vector<128x128xf32>
    %transpose3A_548 = tpu.transpose %broadcast_in_dim3A_547, [1, 0] : vector<128x128xf32> -> vector<128x128xf32>
    %swap3A_549 = arith.constant 0 : index
    %swap3A_550 = arith.constant 5632 : index
    %swap3A_551 = arith.constant 0 : index
    %swap3A_552 = vector.load %arg2[%swap3A_549, %swap3A_550, %swap3A_551] : memref<1x10112x128xf32, #tpu.memory_space<vmem>>, vector<1x128x128xf32>
    %swap3A_553 = vector.shape_cast %swap3A_552 : vector<1x128x128xf32> to vector<128x128xf32>
    %swap3A_554 = vector.shape_cast %transpose3A_548 : vector<128x128xf32> to vector<1x128x128xf32>
    tpu.vector_store %arg2[%swap3A_549, %swap3A_550, %swap3A_551], %swap3A_554 {strides = array<i32>} : memref<1x10112x128xf32, #tpu.memory_space<vmem>>, vector<1x128x128xf32>,
    %slice3A_555 = vector.extract_strided_slice %add3A_108 {offsets = [45, 0], sizes = [1, 128], strides = [1, 1]} : vector<79x128xf32> to vector<1x128xf32>
    %broadcast_in_dim3A_556 = vector.shape_cast %slice3A_555 : vector<1x128xf32> to vector<1x128xf32>
    %broadcast_in_dim3A_557 = vector.broadcast %broadcast_in_dim3A_556 : vector<1x128xf32> to vector<128x128xf32>
    %transpose3A_558 = tpu.transpose %broadcast_in_dim3A_557, [1, 0] : vector<128x128xf32> -> vector<128x128xf32>
    %swap3A_559 = arith.constant 0 : index
    %swap3A_560 = arith.constant 5760 : index
    %swap3A_561 = arith.constant 0 : index
    %swap3A_562 = vector.load %arg2[%swap3A_559, %swap3A_560, %swap3A_561] : memref<1x10112x128xf32, #tpu.memory_space<vmem>>, vector<1x128x128xf32>
    %swap3A_563 = vector.shape_cast %swap3A_562 : vector<1x128x128xf32> to vector<128x128xf32>
    %swap3A_564 = vector.shape_cast %transpose3A_558 : vector<128x128xf32> to vector<1x128x128xf32>
    tpu.vector_store %arg2[%swap3A_559, %swap3A_560, %swap3A_561], %swap3A_564 {strides = array<i32>} : memref<1x10112x128xf32, #tpu.memory_space<vmem>>, vector<1x128x128xf32>,
    %slice3A_565 = vector.extract_strided_slice %add3A_108 {offsets = [46, 0], sizes = [1, 128], strides = [1, 1]} : vector<79x128xf32> to vector<1x128xf32>
    %broadcast_in_dim3A_566 = vector.shape_cast %slice3A_565 : vector<1x128xf32> to vector<1x128xf32>
    %broadcast_in_dim3A_567 = vector.broadcast %broadcast_in_dim3A_566 : vector<1x128xf32> to vector<128x128xf32>
    %transpose3A_568 = tpu.transpose %broadcast_in_dim3A_567, [1, 0] : vector<128x128xf32> -> vector<128x128xf32>
    %swap3A_569 = arith.constant 0 : index
    %swap3A_570 = arith.constant 5888 : index
    %swap3A_571 = arith.constant 0 : index
    %swap3A_572 = vector.load %arg2[%swap3A_569, %swap3A_570, %swap3A_571] : memref<1x10112x128xf32, #tpu.memory_space<vmem>>, vector<1x128x128xf32>
    %swap3A_573 = vector.shape_cast %swap3A_572 : vector<1x128x128xf32> to vector<128x128xf32>
    %swap3A_574 = vector.shape_cast %transpose3A_568 : vector<128x128xf32> to vector<1x128x128xf32>
    tpu.vector_store %arg2[%swap3A_569, %swap3A_570, %swap3A_571], %swap3A_574 {strides = array<i32>} : memref<1x10112x128xf32, #tpu.memory_space<vmem>>, vector<1x128x128xf32>,
    %slice3A_575 = vector.extract_strided_slice %add3A_108 {offsets = [47, 0], sizes = [1, 128], strides = [1, 1]} : vector<79x128xf32> to vector<1x128xf32>
    %broadcast_in_dim3A_576 = vector.shape_cast %slice3A_575 : vector<1x128xf32> to vector<1x128xf32>
    %broadcast_in_dim3A_577 = vector.broadcast %broadcast_in_dim3A_576 : vector<1x128xf32> to vector<128x128xf32>
    %transpose3A_578 = tpu.transpose %broadcast_in_dim3A_577, [1, 0] : vector<128x128xf32> -> vector<128x128xf32>
    %swap3A_579 = arith.constant 0 : index
    %swap3A_580 = arith.constant 6016 : index
    %swap3A_581 = arith.constant 0 : index
    %swap3A_582 = vector.load %arg2[%swap3A_579, %swap3A_580, %swap3A_581] : memref<1x10112x128xf32, #tpu.memory_space<vmem>>, vector<1x128x128xf32>
    %swap3A_583 = vector.shape_cast %swap3A_582 : vector<1x128x128xf32> to vector<128x128xf32>
    %swap3A_584 = vector.shape_cast %transpose3A_578 : vector<128x128xf32> to vector<1x128x128xf32>
    tpu.vector_store %arg2[%swap3A_579, %swap3A_580, %swap3A_581], %swap3A_584 {strides = array<i32>} : memref<1x10112x128xf32, #tpu.memory_space<vmem>>, vector<1x128x128xf32>,
    %slice3A_585 = vector.extract_strided_slice %add3A_108 {offsets = [48, 0], sizes = [1, 128], strides = [1, 1]} : vector<79x128xf32> to vector<1x128xf32>
    %broadcast_in_dim3A_586 = vector.shape_cast %slice3A_585 : vector<1x128xf32> to vector<1x128xf32>
    %broadcast_in_dim3A_587 = vector.broadcast %broadcast_in_dim3A_586 : vector<1x128xf32> to vector<128x128xf32>
    %transpose3A_588 = tpu.transpose %broadcast_in_dim3A_587, [1, 0] : vector<128x128xf32> -> vector<128x128xf32>
    %swap3A_589 = arith.constant 0 : index
    %swap3A_590 = arith.constant 6144 : index
    %swap3A_591 = arith.constant 0 : index
    %swap3A_592 = vector.load %arg2[%swap3A_589, %swap3A_590, %swap3A_591] : memref<1x10112x128xf32, #tpu.memory_space<vmem>>, vector<1x128x128xf32>
    %swap3A_593 = vector.shape_cast %swap3A_592 : vector<1x128x128xf32> to vector<128x128xf32>
    %swap3A_594 = vector.shape_cast %transpose3A_588 : vector<128x128xf32> to vector<1x128x128xf32>
    tpu.vector_store %arg2[%swap3A_589, %swap3A_590, %swap3A_591], %swap3A_594 {strides = array<i32>} : memref<1x10112x128xf32, #tpu.memory_space<vmem>>, vector<1x128x128xf32>,
    %slice3A_595 = vector.extract_strided_slice %add3A_108 {offsets = [49, 0], sizes = [1, 128], strides = [1, 1]} : vector<79x128xf32> to vector<1x128xf32>
    %broadcast_in_dim3A_596 = vector.shape_cast %slice3A_595 : vector<1x128xf32> to vector<1x128xf32>
    %broadcast_in_dim3A_597 = vector.broadcast %broadcast_in_dim3A_596 : vector<1x128xf32> to vector<128x128xf32>
    %transpose3A_598 = tpu.transpose %broadcast_in_dim3A_597, [1, 0] : vector<128x128xf32> -> vector<128x128xf32>
    %swap3A_599 = arith.constant 0 : index
    %swap3A_600 = arith.constant 6272 : index
    %swap3A_601 = arith.constant 0 : index
    %swap3A_602 = vector.load %arg2[%swap3A_599, %swap3A_600, %swap3A_601] : memref<1x10112x128xf32, #tpu.memory_space<vmem>>, vector<1x128x128xf32>
    %swap3A_603 = vector.shape_cast %swap3A_602 : vector<1x128x128xf32> to vector<128x128xf32>
    %swap3A_604 = vector.shape_cast %transpose3A_598 : vector<128x128xf32> to vector<1x128x128xf32>
    tpu.vector_store %arg2[%swap3A_599, %swap3A_600, %swap3A_601], %swap3A_604 {strides = array<i32>} : memref<1x10112x128xf32, #tpu.memory_space<vmem>>, vector<1x128x128xf32>,
    %slice3A_605 = vector.extract_strided_slice %add3A_108 {offsets = [50, 0], sizes = [1, 128], strides = [1, 1]} : vector<79x128xf32> to vector<1x128xf32>
    %broadcast_in_dim3A_606 = vector.shape_cast %slice3A_605 : vector<1x128xf32> to vector<1x128xf32>
    %broadcast_in_dim3A_607 = vector.broadcast %broadcast_in_dim3A_606 : vector<1x128xf32> to vector<128x128xf32>
    %transpose3A_608 = tpu.transpose %broadcast_in_dim3A_607, [1, 0] : vector<128x128xf32> -> vector<128x128xf32>
    %swap3A_609 = arith.constant 0 : index
    %swap3A_610 = arith.constant 6400 : index
    %swap3A_611 = arith.constant 0 : index
    %swap3A_612 = vector.load %arg2[%swap3A_609, %swap3A_610, %swap3A_611] : memref<1x10112x128xf32, #tpu.memory_space<vmem>>, vector<1x128x128xf32>
    %swap3A_613 = vector.shape_cast %swap3A_612 : vector<1x128x128xf32> to vector<128x128xf32>
    %swap3A_614 = vector.shape_cast %transpose3A_608 : vector<128x128xf32> to vector<1x128x128xf32>
    tpu.vector_store %arg2[%swap3A_609, %swap3A_610, %swap3A_611], %swap3A_614 {strides = array<i32>} : memref<1x10112x128xf32, #tpu.memory_space<vmem>>, vector<1x128x128xf32>,
    %slice3A_615 = vector.extract_strided_slice %add3A_108 {offsets = [51, 0], sizes = [1, 128], strides = [1, 1]} : vector<79x128xf32> to vector<1x128xf32>
    %broadcast_in_dim3A_616 = vector.shape_cast %slice3A_615 : vector<1x128xf32> to vector<1x128xf32>
    %broadcast_in_dim3A_617 = vector.broadcast %broadcast_in_dim3A_616 : vector<1x128xf32> to vector<128x128xf32>
    %transpose3A_618 = tpu.transpose %broadcast_in_dim3A_617, [1, 0] : vector<128x128xf32> -> vector<128x128xf32>
    %swap3A_619 = arith.constant 0 : index
    %swap3A_620 = arith.constant 6528 : index
    %swap3A_621 = arith.constant 0 : index
    %swap3A_622 = vector.load %arg2[%swap3A_619, %swap3A_620, %swap3A_621] : memref<1x10112x128xf32, #tpu.memory_space<vmem>>, vector<1x128x128xf32>
    %swap3A_623 = vector.shape_cast %swap3A_622 : vector<1x128x128xf32> to vector<128x128xf32>
    %swap3A_624 = vector.shape_cast %transpose3A_618 : vector<128x128xf32> to vector<1x128x128xf32>
    tpu.vector_store %arg2[%swap3A_619, %swap3A_620, %swap3A_621], %swap3A_624 {strides = array<i32>} : memref<1x10112x128xf32, #tpu.memory_space<vmem>>, vector<1x128x128xf32>,
    %slice3A_625 = vector.extract_strided_slice %add3A_108 {offsets = [52, 0], sizes = [1, 128], strides = [1, 1]} : vector<79x128xf32> to vector<1x128xf32>
    %broadcast_in_dim3A_626 = vector.shape_cast %slice3A_625 : vector<1x128xf32> to vector<1x128xf32>
    %broadcast_in_dim3A_627 = vector.broadcast %broadcast_in_dim3A_626 : vector<1x128xf32> to vector<128x128xf32>
    %transpose3A_628 = tpu.transpose %broadcast_in_dim3A_627, [1, 0] : vector<128x128xf32> -> vector<128x128xf32>
    %swap3A_629 = arith.constant 0 : index
    %swap3A_630 = arith.constant 6656 : index
    %swap3A_631 = arith.constant 0 : index
    %swap3A_632 = vector.load %arg2[%swap3A_629, %swap3A_630, %swap3A_631] : memref<1x10112x128xf32, #tpu.memory_space<vmem>>, vector<1x128x128xf32>
    %swap3A_633 = vector.shape_cast %swap3A_632 : vector<1x128x128xf32> to vector<128x128xf32>
    %swap3A_634 = vector.shape_cast %transpose3A_628 : vector<128x128xf32> to vector<1x128x128xf32>
    tpu.vector_store %arg2[%swap3A_629, %swap3A_630, %swap3A_631], %swap3A_634 {strides = array<i32>} : memref<1x10112x128xf32, #tpu.memory_space<vmem>>, vector<1x128x128xf32>,
    %slice3A_635 = vector.extract_strided_slice %add3A_108 {offsets = [53, 0], sizes = [1, 128], strides = [1, 1]} : vector<79x128xf32> to vector<1x128xf32>
    %broadcast_in_dim3A_636 = vector.shape_cast %slice3A_635 : vector<1x128xf32> to vector<1x128xf32>
    %broadcast_in_dim3A_637 = vector.broadcast %broadcast_in_dim3A_636 : vector<1x128xf32> to vector<128x128xf32>
    %transpose3A_638 = tpu.transpose %broadcast_in_dim3A_637, [1, 0] : vector<128x128xf32> -> vector<128x128xf32>
    %swap3A_639 = arith.constant 0 : index
    %swap3A_640 = arith.constant 6784 : index
    %swap3A_641 = arith.constant 0 : index
    %swap3A_642 = vector.load %arg2[%swap3A_639, %swap3A_640, %swap3A_641] : memref<1x10112x128xf32, #tpu.memory_space<vmem>>, vector<1x128x128xf32>
    %swap3A_643 = vector.shape_cast %swap3A_642 : vector<1x128x128xf32> to vector<128x128xf32>
    %swap3A_644 = vector.shape_cast %transpose3A_638 : vector<128x128xf32> to vector<1x128x128xf32>
    tpu.vector_store %arg2[%swap3A_639, %swap3A_640, %swap3A_641], %swap3A_644 {strides = array<i32>} : memref<1x10112x128xf32, #tpu.memory_space<vmem>>, vector<1x128x128xf32>,
    %slice3A_645 = vector.extract_strided_slice %add3A_108 {offsets = [54, 0], sizes = [1, 128], strides = [1, 1]} : vector<79x128xf32> to vector<1x128xf32>
    %broadcast_in_dim3A_646 = vector.shape_cast %slice3A_645 : vector<1x128xf32> to vector<1x128xf32>
    %broadcast_in_dim3A_647 = vector.broadcast %broadcast_in_dim3A_646 : vector<1x128xf32> to vector<128x128xf32>
    %transpose3A_648 = tpu.transpose %broadcast_in_dim3A_647, [1, 0] : vector<128x128xf32> -> vector<128x128xf32>
    %swap3A_649 = arith.constant 0 : index
    %swap3A_650 = arith.constant 6912 : index
    %swap3A_651 = arith.constant 0 : index
    %swap3A_652 = vector.load %arg2[%swap3A_649, %swap3A_650, %swap3A_651] : memref<1x10112x128xf32, #tpu.memory_space<vmem>>, vector<1x128x128xf32>
    %swap3A_653 = vector.shape_cast %swap3A_652 : vector<1x128x128xf32> to vector<128x128xf32>
    %swap3A_654 = vector.shape_cast %transpose3A_648 : vector<128x128xf32> to vector<1x128x128xf32>
    tpu.vector_store %arg2[%swap3A_649, %swap3A_650, %swap3A_651], %swap3A_654 {strides = array<i32>} : memref<1x10112x128xf32, #tpu.memory_space<vmem>>, vector<1x128x128xf32>,
    %slice3A_655 = vector.extract_strided_slice %add3A_108 {offsets = [55, 0], sizes = [1, 128], strides = [1, 1]} : vector<79x128xf32> to vector<1x128xf32>
    %broadcast_in_dim3A_656 = vector.shape_cast %slice3A_655 : vector<1x128xf32> to vector<1x128xf32>
    %broadcast_in_dim3A_657 = vector.broadcast %broadcast_in_dim3A_656 : vector<1x128xf32> to vector<128x128xf32>
    %transpose3A_658 = tpu.transpose %broadcast_in_dim3A_657, [1, 0] : vector<128x128xf32> -> vector<128x128xf32>
    %swap3A_659 = arith.constant 0 : index
    %swap3A_660 = arith.constant 7040 : index
    %swap3A_661 = arith.constant 0 : index
    %swap3A_662 = vector.load %arg2[%swap3A_659, %swap3A_660, %swap3A_661] : memref<1x10112x128xf32, #tpu.memory_space<vmem>>, vector<1x128x128xf32>
    %swap3A_663 = vector.shape_cast %swap3A_662 : vector<1x128x128xf32> to vector<128x128xf32>
    %swap3A_664 = vector.shape_cast %transpose3A_658 : vector<128x128xf32> to vector<1x128x128xf32>
    tpu.vector_store %arg2[%swap3A_659, %swap3A_660, %swap3A_661], %swap3A_664 {strides = array<i32>} : memref<1x10112x128xf32, #tpu.memory_space<vmem>>, vector<1x128x128xf32>,
    %slice3A_665 = vector.extract_strided_slice %add3A_108 {offsets = [56, 0], sizes = [1, 128], strides = [1, 1]} : vector<79x128xf32> to vector<1x128xf32>
    %broadcast_in_dim3A_666 = vector.shape_cast %slice3A_665 : vector<1x128xf32> to vector<1x128xf32>
    %broadcast_in_dim3A_667 = vector.broadcast %broadcast_in_dim3A_666 : vector<1x128xf32> to vector<128x128xf32>
    %transpose3A_668 = tpu.transpose %broadcast_in_dim3A_667, [1, 0] : vector<128x128xf32> -> vector<128x128xf32>
    %swap3A_669 = arith.constant 0 : index
    %swap3A_670 = arith.constant 7168 : index
    %swap3A_671 = arith.constant 0 : index
    %swap3A_672 = vector.load %arg2[%swap3A_669, %swap3A_670, %swap3A_671] : memref<1x10112x128xf32, #tpu.memory_space<vmem>>, vector<1x128x128xf32>
    %swap3A_673 = vector.shape_cast %swap3A_672 : vector<1x128x128xf32> to vector<128x128xf32>
    %swap3A_674 = vector.shape_cast %transpose3A_668 : vector<128x128xf32> to vector<1x128x128xf32>
    tpu.vector_store %arg2[%swap3A_669, %swap3A_670, %swap3A_671], %swap3A_674 {strides = array<i32>} : memref<1x10112x128xf32, #tpu.memory_space<vmem>>, vector<1x128x128xf32>,
    %slice3A_675 = vector.extract_strided_slice %add3A_108 {offsets = [57, 0], sizes = [1, 128], strides = [1, 1]} : vector<79x128xf32> to vector<1x128xf32>
    %broadcast_in_dim3A_676 = vector.shape_cast %slice3A_675 : vector<1x128xf32> to vector<1x128xf32>
    %broadcast_in_dim3A_677 = vector.broadcast %broadcast_in_dim3A_676 : vector<1x128xf32> to vector<128x128xf32>
    %transpose3A_678 = tpu.transpose %broadcast_in_dim3A_677, [1, 0] : vector<128x128xf32> -> vector<128x128xf32>
    %swap3A_679 = arith.constant 0 : index
    %swap3A_680 = arith.constant 7296 : index
    %swap3A_681 = arith.constant 0 : index
    %swap3A_682 = vector.load %arg2[%swap3A_679, %swap3A_680, %swap3A_681] : memref<1x10112x128xf32, #tpu.memory_space<vmem>>, vector<1x128x128xf32>
    %swap3A_683 = vector.shape_cast %swap3A_682 : vector<1x128x128xf32> to vector<128x128xf32>
    %swap3A_684 = vector.shape_cast %transpose3A_678 : vector<128x128xf32> to vector<1x128x128xf32>
    tpu.vector_store %arg2[%swap3A_679, %swap3A_680, %swap3A_681], %swap3A_684 {strides = array<i32>} : memref<1x10112x128xf32, #tpu.memory_space<vmem>>, vector<1x128x128xf32>,
    %slice3A_685 = vector.extract_strided_slice %add3A_108 {offsets = [58, 0], sizes = [1, 128], strides = [1, 1]} : vector<79x128xf32> to vector<1x128xf32>
    %broadcast_in_dim3A_686 = vector.shape_cast %slice3A_685 : vector<1x128xf32> to vector<1x128xf32>
    %broadcast_in_dim3A_687 = vector.broadcast %broadcast_in_dim3A_686 : vector<1x128xf32> to vector<128x128xf32>
    %transpose3A_688 = tpu.transpose %broadcast_in_dim3A_687, [1, 0] : vector<128x128xf32> -> vector<128x128xf32>
    %swap3A_689 = arith.constant 0 : index
    %swap3A_690 = arith.constant 7424 : index
    %swap3A_691 = arith.constant 0 : index
    %swap3A_692 = vector.load %arg2[%swap3A_689, %swap3A_690, %swap3A_691] : memref<1x10112x128xf32, #tpu.memory_space<vmem>>, vector<1x128x128xf32>
    %swap3A_693 = vector.shape_cast %swap3A_692 : vector<1x128x128xf32> to vector<128x128xf32>
    %swap3A_694 = vector.shape_cast %transpose3A_688 : vector<128x128xf32> to vector<1x128x128xf32>
    tpu.vector_store %arg2[%swap3A_689, %swap3A_690, %swap3A_691], %swap3A_694 {strides = array<i32>} : memref<1x10112x128xf32, #tpu.memory_space<vmem>>, vector<1x128x128xf32>,
    %slice3A_695 = vector.extract_strided_slice %add3A_108 {offsets = [59, 0], sizes = [1, 128], strides = [1, 1]} : vector<79x128xf32> to vector<1x128xf32>
    %broadcast_in_dim3A_696 = vector.shape_cast %slice3A_695 : vector<1x128xf32> to vector<1x128xf32>
    %broadcast_in_dim3A_697 = vector.broadcast %broadcast_in_dim3A_696 : vector<1x128xf32> to vector<128x128xf32>
    %transpose3A_698 = tpu.transpose %broadcast_in_dim3A_697, [1, 0] : vector<128x128xf32> -> vector<128x128xf32>
    %swap3A_699 = arith.constant 0 : index
    %swap3A_700 = arith.constant 7552 : index
    %swap3A_701 = arith.constant 0 : index
    %swap3A_702 = vector.load %arg2[%swap3A_699, %swap3A_700, %swap3A_701] : memref<1x10112x128xf32, #tpu.memory_space<vmem>>, vector<1x128x128xf32>
    %swap3A_703 = vector.shape_cast %swap3A_702 : vector<1x128x128xf32> to vector<128x128xf32>
    %swap3A_704 = vector.shape_cast %transpose3A_698 : vector<128x128xf32> to vector<1x128x128xf32>
    tpu.vector_store %arg2[%swap3A_699, %swap3A_700, %swap3A_701], %swap3A_704 {strides = array<i32>} : memref<1x10112x128xf32, #tpu.memory_space<vmem>>, vector<1x128x128xf32>,
    %slice3A_705 = vector.extract_strided_slice %add3A_108 {offsets = [60, 0], sizes = [1, 128], strides = [1, 1]} : vector<79x128xf32> to vector<1x128xf32>
    %broadcast_in_dim3A_706 = vector.shape_cast %slice3A_705 : vector<1x128xf32> to vector<1x128xf32>
    %broadcast_in_dim3A_707 = vector.broadcast %broadcast_in_dim3A_706 : vector<1x128xf32> to vector<128x128xf32>
    %transpose3A_708 = tpu.transpose %broadcast_in_dim3A_707, [1, 0] : vector<128x128xf32> -> vector<128x128xf32>
    %swap3A_709 = arith.constant 0 : index
    %swap3A_710 = arith.constant 7680 : index
    %swap3A_711 = arith.constant 0 : index
    %swap3A_712 = vector.load %arg2[%swap3A_709, %swap3A_710, %swap3A_711] : memref<1x10112x128xf32, #tpu.memory_space<vmem>>, vector<1x128x128xf32>
    %swap3A_713 = vector.shape_cast %swap3A_712 : vector<1x128x128xf32> to vector<128x128xf32>
    %swap3A_714 = vector.shape_cast %transpose3A_708 : vector<128x128xf32> to vector<1x128x128xf32>
    tpu.vector_store %arg2[%swap3A_709, %swap3A_710, %swap3A_711], %swap3A_714 {strides = array<i32>} : memref<1x10112x128xf32, #tpu.memory_space<vmem>>, vector<1x128x128xf32>,
    %slice3A_715 = vector.extract_strided_slice %add3A_108 {offsets = [61, 0], sizes = [1, 128], strides = [1, 1]} : vector<79x128xf32> to vector<1x128xf32>
    %broadcast_in_dim3A_716 = vector.shape_cast %slice3A_715 : vector<1x128xf32> to vector<1x128xf32>
    %broadcast_in_dim3A_717 = vector.broadcast %broadcast_in_dim3A_716 : vector<1x128xf32> to vector<128x128xf32>
    %transpose3A_718 = tpu.transpose %broadcast_in_dim3A_717, [1, 0] : vector<128x128xf32> -> vector<128x128xf32>
    %swap3A_719 = arith.constant 0 : index
    %swap3A_720 = arith.constant 7808 : index
    %swap3A_721 = arith.constant 0 : index
    %swap3A_722 = vector.load %arg2[%swap3A_719, %swap3A_720, %swap3A_721] : memref<1x10112x128xf32, #tpu.memory_space<vmem>>, vector<1x128x128xf32>
    %swap3A_723 = vector.shape_cast %swap3A_722 : vector<1x128x128xf32> to vector<128x128xf32>
    %swap3A_724 = vector.shape_cast %transpose3A_718 : vector<128x128xf32> to vector<1x128x128xf32>
    tpu.vector_store %arg2[%swap3A_719, %swap3A_720, %swap3A_721], %swap3A_724 {strides = array<i32>} : memref<1x10112x128xf32, #tpu.memory_space<vmem>>, vector<1x128x128xf32>,
    %slice3A_725 = vector.extract_strided_slice %add3A_108 {offsets = [62, 0], sizes = [1, 128], strides = [1, 1]} : vector<79x128xf32> to vector<1x128xf32>
    %broadcast_in_dim3A_726 = vector.shape_cast %slice3A_725 : vector<1x128xf32> to vector<1x128xf32>
    %broadcast_in_dim3A_727 = vector.broadcast %broadcast_in_dim3A_726 : vector<1x128xf32> to vector<128x128xf32>
    %transpose3A_728 = tpu.transpose %broadcast_in_dim3A_727, [1, 0] : vector<128x128xf32> -> vector<128x128xf32>
    %swap3A_729 = arith.constant 0 : index
    %swap3A_730 = arith.constant 7936 : index
    %swap3A_731 = arith.constant 0 : index
    %swap3A_732 = vector.load %arg2[%swap3A_729, %swap3A_730, %swap3A_731] : memref<1x10112x128xf32, #tpu.memory_space<vmem>>, vector<1x128x128xf32>
    %swap3A_733 = vector.shape_cast %swap3A_732 : vector<1x128x128xf32> to vector<128x128xf32>
    %swap3A_734 = vector.shape_cast %transpose3A_728 : vector<128x128xf32> to vector<1x128x128xf32>
    tpu.vector_store %arg2[%swap3A_729, %swap3A_730, %swap3A_731], %swap3A_734 {strides = array<i32>} : memref<1x10112x128xf32, #tpu.memory_space<vmem>>, vector<1x128x128xf32>,
    %slice3A_735 = vector.extract_strided_slice %add3A_108 {offsets = [63, 0], sizes = [1, 128], strides = [1, 1]} : vector<79x128xf32> to vector<1x128xf32>
    %broadcast_in_dim3A_736 = vector.shape_cast %slice3A_735 : vector<1x128xf32> to vector<1x128xf32>
    %broadcast_in_dim3A_737 = vector.broadcast %broadcast_in_dim3A_736 : vector<1x128xf32> to vector<128x128xf32>
    %transpose3A_738 = tpu.transpose %broadcast_in_dim3A_737, [1, 0] : vector<128x128xf32> -> vector<128x128xf32>
    %swap3A_739 = arith.constant 0 : index
    %swap3A_740 = arith.constant 8064 : index
    %swap3A_741 = arith.constant 0 : index
    %swap3A_742 = vector.load %arg2[%swap3A_739, %swap3A_740, %swap3A_741] : memref<1x10112x128xf32, #tpu.memory_space<vmem>>, vector<1x128x128xf32>
    %swap3A_743 = vector.shape_cast %swap3A_742 : vector<1x128x128xf32> to vector<128x128xf32>
    %swap3A_744 = vector.shape_cast %transpose3A_738 : vector<128x128xf32> to vector<1x128x128xf32>
    tpu.vector_store %arg2[%swap3A_739, %swap3A_740, %swap3A_741], %swap3A_744 {strides = array<i32>} : memref<1x10112x128xf32, #tpu.memory_space<vmem>>, vector<1x128x128xf32>,
    %slice3A_745 = vector.extract_strided_slice %add3A_108 {offsets = [64, 0], sizes = [1, 128], strides = [1, 1]} : vector<79x128xf32> to vector<1x128xf32>
    %broadcast_in_dim3A_746 = vector.shape_cast %slice3A_745 : vector<1x128xf32> to vector<1x128xf32>
    %broadcast_in_dim3A_747 = vector.broadcast %broadcast_in_dim3A_746 : vector<1x128xf32> to vector<128x128xf32>
    %transpose3A_748 = tpu.transpose %broadcast_in_dim3A_747, [1, 0] : vector<128x128xf32> -> vector<128x128xf32>
    %swap3A_749 = arith.constant 0 : index
    %swap3A_750 = arith.constant 8192 : index
    %swap3A_751 = arith.constant 0 : index
    %swap3A_752 = vector.load %arg2[%swap3A_749, %swap3A_750, %swap3A_751] : memref<1x10112x128xf32, #tpu.memory_space<vmem>>, vector<1x128x128xf32>
    %swap3A_753 = vector.shape_cast %swap3A_752 : vector<1x128x128xf32> to vector<128x128xf32>
    %swap3A_754 = vector.shape_cast %transpose3A_748 : vector<128x128xf32> to vector<1x128x128xf32>
    tpu.vector_store %arg2[%swap3A_749, %swap3A_750, %swap3A_751], %swap3A_754 {strides = array<i32>} : memref<1x10112x128xf32, #tpu.memory_space<vmem>>, vector<1x128x128xf32>,
    %slice3A_755 = vector.extract_strided_slice %add3A_108 {offsets = [65, 0], sizes = [1, 128], strides = [1, 1]} : vector<79x128xf32> to vector<1x128xf32>
    %broadcast_in_dim3A_756 = vector.shape_cast %slice3A_755 : vector<1x128xf32> to vector<1x128xf32>
    %broadcast_in_dim3A_757 = vector.broadcast %broadcast_in_dim3A_756 : vector<1x128xf32> to vector<128x128xf32>
    %transpose3A_758 = tpu.transpose %broadcast_in_dim3A_757, [1, 0] : vector<128x128xf32> -> vector<128x128xf32>
    %swap3A_759 = arith.constant 0 : index
    %swap3A_760 = arith.constant 8320 : index
    %swap3A_761 = arith.constant 0 : index
    %swap3A_762 = vector.load %arg2[%swap3A_759, %swap3A_760, %swap3A_761] : memref<1x10112x128xf32, #tpu.memory_space<vmem>>, vector<1x128x128xf32>
    %swap3A_763 = vector.shape_cast %swap3A_762 : vector<1x128x128xf32> to vector<128x128xf32>
    %swap3A_764 = vector.shape_cast %transpose3A_758 : vector<128x128xf32> to vector<1x128x128xf32>
    tpu.vector_store %arg2[%swap3A_759, %swap3A_760, %swap3A_761], %swap3A_764 {strides = array<i32>} : memref<1x10112x128xf32, #tpu.memory_space<vmem>>, vector<1x128x128xf32>,
    %slice3A_765 = vector.extract_strided_slice %add3A_108 {offsets = [66, 0], sizes = [1, 128], strides = [1, 1]} : vector<79x128xf32> to vector<1x128xf32>
    %broadcast_in_dim3A_766 = vector.shape_cast %slice3A_765 : vector<1x128xf32> to vector<1x128xf32>
    %broadcast_in_dim3A_767 = vector.broadcast %broadcast_in_dim3A_766 : vector<1x128xf32> to vector<128x128xf32>
    %transpose3A_768 = tpu.transpose %broadcast_in_dim3A_767, [1, 0] : vector<128x128xf32> -> vector<128x128xf32>
    %swap3A_769 = arith.constant 0 : index
    %swap3A_770 = arith.constant 8448 : index
    %swap3A_771 = arith.constant 0 : index
    %swap3A_772 = vector.load %arg2[%swap3A_769, %swap3A_770, %swap3A_771] : memref<1x10112x128xf32, #tpu.memory_space<vmem>>, vector<1x128x128xf32>
    %swap3A_773 = vector.shape_cast %swap3A_772 : vector<1x128x128xf32> to vector<128x128xf32>
    %swap3A_774 = vector.shape_cast %transpose3A_768 : vector<128x128xf32> to vector<1x128x128xf32>
    tpu.vector_store %arg2[%swap3A_769, %swap3A_770, %swap3A_771], %swap3A_774 {strides = array<i32>} : memref<1x10112x128xf32, #tpu.memory_space<vmem>>, vector<1x128x128xf32>,
    %slice3A_775 = vector.extract_strided_slice %add3A_108 {offsets = [67, 0], sizes = [1, 128], strides = [1, 1]} : vector<79x128xf32> to vector<1x128xf32>
    %broadcast_in_dim3A_776 = vector.shape_cast %slice3A_775 : vector<1x128xf32> to vector<1x128xf32>
    %broadcast_in_dim3A_777 = vector.broadcast %broadcast_in_dim3A_776 : vector<1x128xf32> to vector<128x128xf32>
    %transpose3A_778 = tpu.transpose %broadcast_in_dim3A_777, [1, 0] : vector<128x128xf32> -> vector<128x128xf32>
    %swap3A_779 = arith.constant 0 : index
    %swap3A_780 = arith.constant 8576 : index
    %swap3A_781 = arith.constant 0 : index
    %swap3A_782 = vector.load %arg2[%swap3A_779, %swap3A_780, %swap3A_781] : memref<1x10112x128xf32, #tpu.memory_space<vmem>>, vector<1x128x128xf32>
    %swap3A_783 = vector.shape_cast %swap3A_782 : vector<1x128x128xf32> to vector<128x128xf32>
    %swap3A_784 = vector.shape_cast %transpose3A_778 : vector<128x128xf32> to vector<1x128x128xf32>
    tpu.vector_store %arg2[%swap3A_779, %swap3A_780, %swap3A_781], %swap3A_784 {strides = array<i32>} : memref<1x10112x128xf32, #tpu.memory_space<vmem>>, vector<1x128x128xf32>,
    %slice3A_785 = vector.extract_strided_slice %add3A_108 {offsets = [68, 0], sizes = [1, 128], strides = [1, 1]} : vector<79x128xf32> to vector<1x128xf32>
    %broadcast_in_dim3A_786 = vector.shape_cast %slice3A_785 : vector<1x128xf32> to vector<1x128xf32>
    %broadcast_in_dim3A_787 = vector.broadcast %broadcast_in_dim3A_786 : vector<1x128xf32> to vector<128x128xf32>
    %transpose3A_788 = tpu.transpose %broadcast_in_dim3A_787, [1, 0] : vector<128x128xf32> -> vector<128x128xf32>
    %swap3A_789 = arith.constant 0 : index
    %swap3A_790 = arith.constant 8704 : index
    %swap3A_791 = arith.constant 0 : index
    %swap3A_792 = vector.load %arg2[%swap3A_789, %swap3A_790, %swap3A_791] : memref<1x10112x128xf32, #tpu.memory_space<vmem>>, vector<1x128x128xf32>
    %swap3A_793 = vector.shape_cast %swap3A_792 : vector<1x128x128xf32> to vector<128x128xf32>
    %swap3A_794 = vector.shape_cast %transpose3A_788 : vector<128x128xf32> to vector<1x128x128xf32>
    tpu.vector_store %arg2[%swap3A_789, %swap3A_790, %swap3A_791], %swap3A_794 {strides = array<i32>} : memref<1x10112x128xf32, #tpu.memory_space<vmem>>, vector<1x128x128xf32>,
    %slice3A_795 = vector.extract_strided_slice %add3A_108 {offsets = [69, 0], sizes = [1, 128], strides = [1, 1]} : vector<79x128xf32> to vector<1x128xf32>
    %broadcast_in_dim3A_796 = vector.shape_cast %slice3A_795 : vector<1x128xf32> to vector<1x128xf32>
    %broadcast_in_dim3A_797 = vector.broadcast %broadcast_in_dim3A_796 : vector<1x128xf32> to vector<128x128xf32>
    %transpose3A_798 = tpu.transpose %broadcast_in_dim3A_797, [1, 0] : vector<128x128xf32> -> vector<128x128xf32>
    %swap3A_799 = arith.constant 0 : index
    %swap3A_800 = arith.constant 8832 : index
    %swap3A_801 = arith.constant 0 : index
    %swap3A_802 = vector.load %arg2[%swap3A_799, %swap3A_800, %swap3A_801] : memref<1x10112x128xf32, #tpu.memory_space<vmem>>, vector<1x128x128xf32>
    %swap3A_803 = vector.shape_cast %swap3A_802 : vector<1x128x128xf32> to vector<128x128xf32>
    %swap3A_804 = vector.shape_cast %transpose3A_798 : vector<128x128xf32> to vector<1x128x128xf32>
    tpu.vector_store %arg2[%swap3A_799, %swap3A_800, %swap3A_801], %swap3A_804 {strides = array<i32>} : memref<1x10112x128xf32, #tpu.memory_space<vmem>>, vector<1x128x128xf32>,
    %slice3A_805 = vector.extract_strided_slice %add3A_108 {offsets = [70, 0], sizes = [1, 128], strides = [1, 1]} : vector<79x128xf32> to vector<1x128xf32>
    %broadcast_in_dim3A_806 = vector.shape_cast %slice3A_805 : vector<1x128xf32> to vector<1x128xf32>
    %broadcast_in_dim3A_807 = vector.broadcast %broadcast_in_dim3A_806 : vector<1x128xf32> to vector<128x128xf32>
    %transpose3A_808 = tpu.transpose %broadcast_in_dim3A_807, [1, 0] : vector<128x128xf32> -> vector<128x128xf32>
    %swap3A_809 = arith.constant 0 : index
    %swap3A_810 = arith.constant 8960 : index
    %swap3A_811 = arith.constant 0 : index
    %swap3A_812 = vector.load %arg2[%swap3A_809, %swap3A_810, %swap3A_811] : memref<1x10112x128xf32, #tpu.memory_space<vmem>>, vector<1x128x128xf32>
    %swap3A_813 = vector.shape_cast %swap3A_812 : vector<1x128x128xf32> to vector<128x128xf32>
    %swap3A_814 = vector.shape_cast %transpose3A_808 : vector<128x128xf32> to vector<1x128x128xf32>
    tpu.vector_store %arg2[%swap3A_809, %swap3A_810, %swap3A_811], %swap3A_814 {strides = array<i32>} : memref<1x10112x128xf32, #tpu.memory_space<vmem>>, vector<1x128x128xf32>,
    %slice3A_815 = vector.extract_strided_slice %add3A_108 {offsets = [71, 0], sizes = [1, 128], strides = [1, 1]} : vector<79x128xf32> to vector<1x128xf32>
    %broadcast_in_dim3A_816 = vector.shape_cast %slice3A_815 : vector<1x128xf32> to vector<1x128xf32>
    %broadcast_in_dim3A_817 = vector.broadcast %broadcast_in_dim3A_816 : vector<1x128xf32> to vector<128x128xf32>
    %transpose3A_818 = tpu.transpose %broadcast_in_dim3A_817, [1, 0] : vector<128x128xf32> -> vector<128x128xf32>
    %swap3A_819 = arith.constant 0 : index
    %swap3A_820 = arith.constant 9088 : index
    %swap3A_821 = arith.constant 0 : index
    %swap3A_822 = vector.load %arg2[%swap3A_819, %swap3A_820, %swap3A_821] : memref<1x10112x128xf32, #tpu.memory_space<vmem>>, vector<1x128x128xf32>
    %swap3A_823 = vector.shape_cast %swap3A_822 : vector<1x128x128xf32> to vector<128x128xf32>
    %swap3A_824 = vector.shape_cast %transpose3A_818 : vector<128x128xf32> to vector<1x128x128xf32>
    tpu.vector_store %arg2[%swap3A_819, %swap3A_820, %swap3A_821], %swap3A_824 {strides = array<i32>} : memref<1x10112x128xf32, #tpu.memory_space<vmem>>, vector<1x128x128xf32>,
    %slice3A_825 = vector.extract_strided_slice %add3A_108 {offsets = [72, 0], sizes = [1, 128], strides = [1, 1]} : vector<79x128xf32> to vector<1x128xf32>
    %broadcast_in_dim3A_826 = vector.shape_cast %slice3A_825 : vector<1x128xf32> to vector<1x128xf32>
    %broadcast_in_dim3A_827 = vector.broadcast %broadcast_in_dim3A_826 : vector<1x128xf32> to vector<128x128xf32>
    %transpose3A_828 = tpu.transpose %broadcast_in_dim3A_827, [1, 0] : vector<128x128xf32> -> vector<128x128xf32>
    %swap3A_829 = arith.constant 0 : index
    %swap3A_830 = arith.constant 9216 : index
    %swap3A_831 = arith.constant 0 : index
    %swap3A_832 = vector.load %arg2[%swap3A_829, %swap3A_830, %swap3A_831] : memref<1x10112x128xf32, #tpu.memory_space<vmem>>, vector<1x128x128xf32>
    %swap3A_833 = vector.shape_cast %swap3A_832 : vector<1x128x128xf32> to vector<128x128xf32>
    %swap3A_834 = vector.shape_cast %transpose3A_828 : vector<128x128xf32> to vector<1x128x128xf32>
    tpu.vector_store %arg2[%swap3A_829, %swap3A_830, %swap3A_831], %swap3A_834 {strides = array<i32>} : memref<1x10112x128xf32, #tpu.memory_space<vmem>>, vector<1x128x128xf32>,
    %slice3A_835 = vector.extract_strided_slice %add3A_108 {offsets = [73, 0], sizes = [1, 128], strides = [1, 1]} : vector<79x128xf32> to vector<1x128xf32>
    %broadcast_in_dim3A_836 = vector.shape_cast %slice3A_835 : vector<1x128xf32> to vector<1x128xf32>
    %broadcast_in_dim3A_837 = vector.broadcast %broadcast_in_dim3A_836 : vector<1x128xf32> to vector<128x128xf32>
    %transpose3A_838 = tpu.transpose %broadcast_in_dim3A_837, [1, 0] : vector<128x128xf32> -> vector<128x128xf32>
    %swap3A_839 = arith.constant 0 : index
    %swap3A_840 = arith.constant 9344 : index
    %swap3A_841 = arith.constant 0 : index
    %swap3A_842 = vector.load %arg2[%swap3A_839, %swap3A_840, %swap3A_841] : memref<1x10112x128xf32, #tpu.memory_space<vmem>>, vector<1x128x128xf32>
    %swap3A_843 = vector.shape_cast %swap3A_842 : vector<1x128x128xf32> to vector<128x128xf32>
    %swap3A_844 = vector.shape_cast %transpose3A_838 : vector<128x128xf32> to vector<1x128x128xf32>
    tpu.vector_store %arg2[%swap3A_839, %swap3A_840, %swap3A_841], %swap3A_844 {strides = array<i32>} : memref<1x10112x128xf32, #tpu.memory_space<vmem>>, vector<1x128x128xf32>,
    %slice3A_845 = vector.extract_strided_slice %add3A_108 {offsets = [74, 0], sizes = [1, 128], strides = [1, 1]} : vector<79x128xf32> to vector<1x128xf32>
    %broadcast_in_dim3A_846 = vector.shape_cast %slice3A_845 : vector<1x128xf32> to vector<1x128xf32>
    %broadcast_in_dim3A_847 = vector.broadcast %broadcast_in_dim3A_846 : vector<1x128xf32> to vector<128x128xf32>
    %transpose3A_848 = tpu.transpose %broadcast_in_dim3A_847, [1, 0] : vector<128x128xf32> -> vector<128x128xf32>
    %swap3A_849 = arith.constant 0 : index
    %swap3A_850 = arith.constant 9472 : index
    %swap3A_851 = arith.constant 0 : index
    %swap3A_852 = vector.load %arg2[%swap3A_849, %swap3A_850, %swap3A_851] : memref<1x10112x128xf32, #tpu.memory_space<vmem>>, vector<1x128x128xf32>
    %swap3A_853 = vector.shape_cast %swap3A_852 : vector<1x128x128xf32> to vector<128x128xf32>
    %swap3A_854 = vector.shape_cast %transpose3A_848 : vector<128x128xf32> to vector<1x128x128xf32>
    tpu.vector_store %arg2[%swap3A_849, %swap3A_850, %swap3A_851], %swap3A_854 {strides = array<i32>} : memref<1x10112x128xf32, #tpu.memory_space<vmem>>, vector<1x128x128xf32>,
    %slice3A_855 = vector.extract_strided_slice %add3A_108 {offsets = [75, 0], sizes = [1, 128], strides = [1, 1]} : vector<79x128xf32> to vector<1x128xf32>
    %broadcast_in_dim3A_856 = vector.shape_cast %slice3A_855 : vector<1x128xf32> to vector<1x128xf32>
    %broadcast_in_dim3A_857 = vector.broadcast %broadcast_in_dim3A_856 : vector<1x128xf32> to vector<128x128xf32>
    %transpose3A_858 = tpu.transpose %broadcast_in_dim3A_857, [1, 0] : vector<128x128xf32> -> vector<128x128xf32>
    %swap3A_859 = arith.constant 0 : index
    %swap3A_860 = arith.constant 9600 : index
    %swap3A_861 = arith.constant 0 : index
    %swap3A_862 = vector.load %arg2[%swap3A_859, %swap3A_860, %swap3A_861] : memref<1x10112x128xf32, #tpu.memory_space<vmem>>, vector<1x128x128xf32>
    %swap3A_863 = vector.shape_cast %swap3A_862 : vector<1x128x128xf32> to vector<128x128xf32>
    %swap3A_864 = vector.shape_cast %transpose3A_858 : vector<128x128xf32> to vector<1x128x128xf32>
    tpu.vector_store %arg2[%swap3A_859, %swap3A_860, %swap3A_861], %swap3A_864 {strides = array<i32>} : memref<1x10112x128xf32, #tpu.memory_space<vmem>>, vector<1x128x128xf32>,
    %slice3A_865 = vector.extract_strided_slice %add3A_108 {offsets = [76, 0], sizes = [1, 128], strides = [1, 1]} : vector<79x128xf32> to vector<1x128xf32>
    %broadcast_in_dim3A_866 = vector.shape_cast %slice3A_865 : vector<1x128xf32> to vector<1x128xf32>
    %broadcast_in_dim3A_867 = vector.broadcast %broadcast_in_dim3A_866 : vector<1x128xf32> to vector<128x128xf32>
    %transpose3A_868 = tpu.transpose %broadcast_in_dim3A_867, [1, 0] : vector<128x128xf32> -> vector<128x128xf32>
    %swap3A_869 = arith.constant 0 : index
    %swap3A_870 = arith.constant 9728 : index
    %swap3A_871 = arith.constant 0 : index
    %swap3A_872 = vector.load %arg2[%swap3A_869, %swap3A_870, %swap3A_871] : memref<1x10112x128xf32, #tpu.memory_space<vmem>>, vector<1x128x128xf32>
    %swap3A_873 = vector.shape_cast %swap3A_872 : vector<1x128x128xf32> to vector<128x128xf32>
    %swap3A_874 = vector.shape_cast %transpose3A_868 : vector<128x128xf32> to vector<1x128x128xf32>
    tpu.vector_store %arg2[%swap3A_869, %swap3A_870, %swap3A_871], %swap3A_874 {strides = array<i32>} : memref<1x10112x128xf32, #tpu.memory_space<vmem>>, vector<1x128x128xf32>,
    %slice3A_875 = vector.extract_strided_slice %add3A_108 {offsets = [77, 0], sizes = [1, 128], strides = [1, 1]} : vector<79x128xf32> to vector<1x128xf32>
    %broadcast_in_dim3A_876 = vector.shape_cast %slice3A_875 : vector<1x128xf32> to vector<1x128xf32>
    %broadcast_in_dim3A_877 = vector.broadcast %broadcast_in_dim3A_876 : vector<1x128xf32> to vector<128x128xf32>
    %transpose3A_878 = tpu.transpose %broadcast_in_dim3A_877, [1, 0] : vector<128x128xf32> -> vector<128x128xf32>
    %swap3A_879 = arith.constant 0 : index
    %swap3A_880 = arith.constant 9856 : index
    %swap3A_881 = arith.constant 0 : index
    %swap3A_882 = vector.load %arg2[%swap3A_879, %swap3A_880, %swap3A_881] : memref<1x10112x128xf32, #tpu.memory_space<vmem>>, vector<1x128x128xf32>
    %swap3A_883 = vector.shape_cast %swap3A_882 : vector<1x128x128xf32> to vector<128x128xf32>
    %swap3A_884 = vector.shape_cast %transpose3A_878 : vector<128x128xf32> to vector<1x128x128xf32>
    tpu.vector_store %arg2[%swap3A_879, %swap3A_880, %swap3A_881], %swap3A_884 {strides = array<i32>} : memref<1x10112x128xf32, #tpu.memory_space<vmem>>, vector<1x128x128xf32>,
    %slice3A_885 = vector.extract_strided_slice %add3A_108 {offsets = [78, 0], sizes = [1, 128], strides = [1, 1]} : vector<79x128xf32> to vector<1x128xf32>
    %broadcast_in_dim3A_886 = vector.shape_cast %slice3A_885 : vector<1x128xf32> to vector<1x128xf32>
    %broadcast_in_dim3A_887 = vector.broadcast %broadcast_in_dim3A_886 : vector<1x128xf32> to vector<128x128xf32>
    %transpose3A_888 = tpu.transpose %broadcast_in_dim3A_887, [1, 0] : vector<128x128xf32> -> vector<128x128xf32>
    %swap3A_889 = arith.constant 0 : index
    %swap3A_890 = arith.constant 9984 : index
    %swap3A_891 = arith.constant 0 : index
    %swap3A_892 = vector.load %arg2[%swap3A_889, %swap3A_890, %swap3A_891] : memref<1x10112x128xf32, #tpu.memory_space<vmem>>, vector<1x128x128xf32>
    %swap3A_893 = vector.shape_cast %swap3A_892 : vector<1x128x128xf32> to vector<128x128xf32>
    %swap3A_894 = vector.shape_cast %transpose3A_888 : vector<128x128xf32> to vector<1x128x128xf32>
    tpu.vector_store %arg2[%swap3A_889, %swap3A_890, %swap3A_891], %swap3A_894 {strides = array<i32>} : memref<1x10112x128xf32, #tpu.memory_space<vmem>>, vector<1x128x128xf32>,
    return
  }
  func.func @transform_0(%arg0: i32) -> (i32, i32, i32, i32) {
    %c0_i32 = arith.constant 0 : i32
    %c0_i32_0 = arith.constant 0 : i32
    %c0_i32_1 = arith.constant 0 : i32
    %c0_i32_2 = arith.constant 0 : i32
    return %arg0, %c0_i32, %c0_i32_0, %c0_i32_1 : i32, i32, i32, i32
  }
  func.func @transform_1(%arg0: i32) -> (i32, i32, i32) {
    %c0_i32 = arith.constant 0 : i32
    %c0_i32_0 = arith.constant 0 : i32
    %c0_i32_1 = arith.constant 0 : i32
    return %arg0, %c0_i32, %c0_i32_0 : i32, i32, i32
  }
}

module attributes {stable_mosaic.version = 14 : i64} {
  func.func @body(%arg0: i32, %arg1: memref<2528x128xf32, #tpu.memory_space<vmem>>, %arg2: memref<2528x128xf32, #tpu.memory_space<vmem>>, %arg3: memref<2528x128xf32, #tpu.memory_space<vmem>>) attributes {dimension_semantics = [#tpu.dimension_semantics<arbitrary>], iteration_bounds = array<i64: 4>, scalar_prefetch = 0 : i64, scratch_operands = 0 : i64, tpu.core_type = #tpu.core_type<tc>, window_params = [{transform_indices = @transform_0, window_bounds = array<i64: 2528, 128>}, {transform_indices = @transform_1, window_bounds = array<i64: 2528, 128>}, {transform_indices = @transform_2, window_bounds = array<i64: 2528, 128>}]} {
    %get3A = arith.constant 0 : index
    %get3A_0 = arith.constant 0 : index
    %get3A_1 = vector.load %arg2[%get3A, %get3A_0] : memref<2528x128xf32, #tpu.memory_space<vmem>>, vector<2528x1xf32>
    %max3A = arith.constant 1.000000e+00 : f32
    %max3A_2 = vector.broadcast %max3A : f32 to vector<2528x1xf32>
    %max3A_3 = arith.maximumf %get3A_1, %max3A_2 : vector<2528x1xf32>
    %rsqrt3A = math.rsqrt %max3A_3 : vector<2528x1xf32>
    %get3A_4 = arith.constant 0 : index
    %get3A_5 = arith.constant 0 : index
    %get3A_6 = vector.load %arg1[%get3A_4, %get3A_5] : memref<2528x128xf32, #tpu.memory_space<vmem>>, vector<2528x128xf32>
    %mul3A = vector.broadcast %rsqrt3A : vector<2528x1xf32> to vector<2528x128xf32>
    %mul3A_7 = arith.mulf %get3A_6, %mul3A : vector<2528x128xf32>
    %swap3A = arith.constant 0 : index
    %swap3A_8 = arith.constant 0 : index
    %swap3A_9 = vector.load %arg3[%swap3A, %swap3A_8] : memref<2528x128xf32, #tpu.memory_space<vmem>>, vector<2528x128xf32>
    tpu.vector_store %arg3[%swap3A, %swap3A_8], %mul3A_7 {strides = array<i32>} : memref<2528x128xf32, #tpu.memory_space<vmem>>, vector<2528x128xf32>,
    return
  }
  func.func @transform_0(%arg0: i32) -> (i32, i32) {
    %c0_i32 = arith.constant 0 : i32
    %c0_i32_0 = arith.constant 0 : i32
    return %arg0, %c0_i32 : i32, i32
  }
  func.func @transform_1(%arg0: i32) -> (i32, i32) {
    %c0_i32 = arith.constant 0 : i32
    %c0_i32_0 = arith.constant 0 : i32
    return %arg0, %c0_i32 : i32, i32
  }
  func.func @transform_2(%arg0: i32) -> (i32, i32) {
    %c0_i32 = arith.constant 0 : i32
    %c0_i32_0 = arith.constant 0 : i32
    return %arg0, %c0_i32 : i32, i32
  }
}

module attributes {stable_mosaic.version = 14 : i64} {
  func.func @body(%arg0: i32, %arg1: memref<2x2528x128xf32, #tpu.memory_space<vmem>>, %arg2: memref<2528x128xf32, #tpu.memory_space<vmem>>, %arg3: memref<2528x128xf32, #tpu.memory_space<vmem>>, %arg4: memref<128x128xf32, #tpu.memory_space<vmem>>, %arg5: memref<1x128xf32, #tpu.memory_space<vmem>>, %arg6: memref<2528x128xf32, #tpu.memory_space<vmem>>) attributes {dimension_semantics = [#tpu.dimension_semantics<arbitrary>], iteration_bounds = array<i64: 4>, scalar_prefetch = 0 : i64, scratch_operands = 0 : i64, tpu.core_type = #tpu.core_type<tc>, window_params = [{transform_indices = @transform_0, window_bounds = array<i64: 2, 2528, 128>}, {transform_indices = @transform_1, window_bounds = array<i64: 2528, 128>}, {transform_indices = @transform_2, window_bounds = array<i64: 2528, 128>}, {pipeline_mode = #tpu.pipeline_mode<synchronous>, transform_indices = @transform_3, window_bounds = array<i64: 128, 128>}, {pipeline_mode = #tpu.pipeline_mode<synchronous>, transform_indices = @transform_4, window_bounds = array<i64: 1, 128>}, {transform_indices = @transform_5, window_bounds = array<i64: 2528, 128>}]} {
    %get3A = arith.constant 0 : index
    %get3A_0 = arith.constant 0 : index
    %get3A_1 = vector.load %arg2[%get3A, %get3A_0] : memref<2528x128xf32, #tpu.memory_space<vmem>>, vector<2528x1xf32>
    %max3A = arith.constant 1.000000e+00 : f32
    %max3A_2 = vector.broadcast %max3A : f32 to vector<2528x1xf32>
    %max3A_3 = arith.maximumf %get3A_1, %max3A_2 : vector<2528x1xf32>
    %rsqrt3A = math.rsqrt %max3A_3 : vector<2528x1xf32>
    %get3A_4 = arith.constant 0 : index
    %get3A_5 = arith.constant 0 : index
    %get3A_6 = arith.constant 0 : index
    %get3A_7 = vector.load %arg1[%get3A_4, %get3A_5, %get3A_6] : memref<2x2528x128xf32, #tpu.memory_space<vmem>>, vector<1x2528x128xf32>
    %get3A_8 = vector.shape_cast %get3A_7 : vector<1x2528x128xf32> to vector<2528x128xf32>
    %get3A_9 = arith.constant 1 : index
    %get3A_10 = arith.constant 0 : index
    %get3A_11 = arith.constant 0 : index
    %get3A_12 = vector.load %arg1[%get3A_9, %get3A_10, %get3A_11] : memref<2x2528x128xf32, #tpu.memory_space<vmem>>, vector<1x2528x128xf32>
    %get3A_13 = vector.shape_cast %get3A_12 : vector<1x2528x128xf32> to vector<2528x128xf32>
    %add3A = arith.addf %get3A_8, %get3A_13 : vector<2528x128xf32>
    %mul3A = vector.broadcast %rsqrt3A : vector<2528x1xf32> to vector<2528x128xf32>
    %mul3A_14 = arith.mulf %add3A, %mul3A : vector<2528x128xf32>
    %get3A_15 = arith.constant 0 : index
    %get3A_16 = arith.constant 0 : index
    %get3A_17 = vector.load %arg4[%get3A_15, %get3A_16] : memref<128x128xf32, #tpu.memory_space<vmem>>, vector<128x128xf32>
    %dot_general3A = arith.constant dense<0.000000e+00> : vector<2528x128xf32>
    %dot_general3A_18 = tpu.matmul %mul3A_14, %get3A_17, %dot_general3A {dimension_numbers = #tpu.dot_dimension_numbers<[1], [0], [0], [1], [0, 0, 1, 1], [], []>, transpose_lhs_hint = false} : vector<2528x128xf32>, vector<128x128xf32>, vector<2528x128xf32> -> vector<2528x128xf32>
    %get3A_19 = arith.constant 0 : index
    %get3A_20 = arith.constant 0 : index
    %get3A_21 = vector.load %arg5[%get3A_19, %get3A_20] : memref<1x128xf32, #tpu.memory_space<vmem>>, vector<1x128xf32>
    %add3A_22 = vector.broadcast %get3A_21 : vector<1x128xf32> to vector<2528x128xf32>
    %add3A_23 = arith.addf %dot_general3A_18, %add3A_22 : vector<2528x128xf32>
    %max3A_24 = arith.constant 0.000000e+00 : f32
    %max3A_25 = vector.broadcast %max3A_24 : f32 to vector<2528x128xf32>
    %max3A_26 = arith.maximumf %add3A_23, %max3A_25 : vector<2528x128xf32>
    %get3A_27 = arith.constant 0 : index
    %get3A_28 = arith.constant 0 : index
    %get3A_29 = vector.load %arg3[%get3A_27, %get3A_28] : memref<2528x128xf32, #tpu.memory_space<vmem>>, vector<2528x1xf32>
    %max3A_30 = arith.constant 1.000000e+00 : f32
    %max3A_31 = vector.broadcast %max3A_30 : f32 to vector<2528x1xf32>
    %max3A_32 = arith.maximumf %get3A_29, %max3A_31 : vector<2528x1xf32>
    %rsqrt3A_33 = math.rsqrt %max3A_32 : vector<2528x1xf32>
    %mul3A_34 = vector.broadcast %rsqrt3A_33 : vector<2528x1xf32> to vector<2528x128xf32>
    %mul3A_35 = arith.mulf %max3A_26, %mul3A_34 : vector<2528x128xf32>
    %swap3A = arith.constant 0 : index
    %swap3A_36 = arith.constant 0 : index
    %swap3A_37 = vector.load %arg6[%swap3A, %swap3A_36] : memref<2528x128xf32, #tpu.memory_space<vmem>>, vector<2528x128xf32>
    tpu.vector_store %arg6[%swap3A, %swap3A_36], %mul3A_35 {strides = array<i32>} : memref<2528x128xf32, #tpu.memory_space<vmem>>, vector<2528x128xf32>,
    return
  }
  func.func @transform_0(%arg0: i32) -> (i32, i32, i32) {
    %c0_i32 = arith.constant 0 : i32
    %c0_i32_0 = arith.constant 0 : i32
    %c0_i32_1 = arith.constant 0 : i32
    return %c0_i32, %arg0, %c0_i32_0 : i32, i32, i32
  }
  func.func @transform_1(%arg0: i32) -> (i32, i32) {
    %c0_i32 = arith.constant 0 : i32
    %c0_i32_0 = arith.constant 0 : i32
    return %arg0, %c0_i32 : i32, i32
  }
  func.func @transform_2(%arg0: i32) -> (i32, i32) {
    %c0_i32 = arith.constant 0 : i32
    %c0_i32_0 = arith.constant 0 : i32
    return %arg0, %c0_i32 : i32, i32
  }
  func.func @transform_3(%arg0: i32) -> (i32, i32) {
    %c0_i32 = arith.constant 0 : i32
    %c0_i32_0 = arith.constant 0 : i32
    %c0_i32_1 = arith.constant 0 : i32
    return %c0_i32, %c0_i32_0 : i32, i32
  }
  func.func @transform_4(%arg0: i32) -> (i32, i32) {
    %c0_i32 = arith.constant 0 : i32
    %c0_i32_0 = arith.constant 0 : i32
    %c0_i32_1 = arith.constant 0 : i32
    return %c0_i32, %c0_i32_0 : i32, i32
  }
  func.func @transform_5(%arg0: i32) -> (i32, i32) {
    %c0_i32 = arith.constant 0 : i32
    %c0_i32_0 = arith.constant 0 : i32
    return %arg0, %c0_i32 : i32, i32
  }
}

module attributes {stable_mosaic.version = 14 : i64} {
  func.func @body(%arg0: i32, %arg1: memref<2x2528x128xf32, #tpu.memory_space<vmem>>, %arg2: memref<2528x128xf32, #tpu.memory_space<vmem>>, %arg3: memref<128x128xf32, #tpu.memory_space<vmem>>, %arg4: memref<1x128xf32, #tpu.memory_space<vmem>>, %arg5: memref<2528x128xf32, #tpu.memory_space<vmem>>) attributes {dimension_semantics = [#tpu.dimension_semantics<arbitrary>], iteration_bounds = array<i64: 4>, scalar_prefetch = 0 : i64, scratch_operands = 0 : i64, tpu.core_type = #tpu.core_type<tc>, window_params = [{transform_indices = @transform_0, window_bounds = array<i64: 2, 2528, 128>}, {transform_indices = @transform_1, window_bounds = array<i64: 2528, 128>}, {pipeline_mode = #tpu.pipeline_mode<synchronous>, transform_indices = @transform_2, window_bounds = array<i64: 128, 128>}, {pipeline_mode = #tpu.pipeline_mode<synchronous>, transform_indices = @transform_3, window_bounds = array<i64: 1, 128>}, {transform_indices = @transform_4, window_bounds = array<i64: 2528, 128>}]} {
    %get3A = arith.constant 0 : index
    %get3A_0 = arith.constant 0 : index
    %get3A_1 = vector.load %arg2[%get3A, %get3A_0] : memref<2528x128xf32, #tpu.memory_space<vmem>>, vector<2528x1xf32>
    %max3A = arith.constant 1.000000e+00 : f32
    %max3A_2 = vector.broadcast %max3A : f32 to vector<2528x1xf32>
    %max3A_3 = arith.maximumf %get3A_1, %max3A_2 : vector<2528x1xf32>
    %rsqrt3A = math.rsqrt %max3A_3 : vector<2528x1xf32>
    %get3A_4 = arith.constant 0 : index
    %get3A_5 = arith.constant 0 : index
    %get3A_6 = arith.constant 0 : index
    %get3A_7 = vector.load %arg1[%get3A_4, %get3A_5, %get3A_6] : memref<2x2528x128xf32, #tpu.memory_space<vmem>>, vector<1x2528x128xf32>
    %get3A_8 = vector.shape_cast %get3A_7 : vector<1x2528x128xf32> to vector<2528x128xf32>
    %get3A_9 = arith.constant 1 : index
    %get3A_10 = arith.constant 0 : index
    %get3A_11 = arith.constant 0 : index
    %get3A_12 = vector.load %arg1[%get3A_9, %get3A_10, %get3A_11] : memref<2x2528x128xf32, #tpu.memory_space<vmem>>, vector<1x2528x128xf32>
    %get3A_13 = vector.shape_cast %get3A_12 : vector<1x2528x128xf32> to vector<2528x128xf32>
    %add3A = arith.addf %get3A_8, %get3A_13 : vector<2528x128xf32>
    %mul3A = vector.broadcast %rsqrt3A : vector<2528x1xf32> to vector<2528x128xf32>
    %mul3A_14 = arith.mulf %add3A, %mul3A : vector<2528x128xf32>
    %get3A_15 = arith.constant 0 : index
    %get3A_16 = arith.constant 0 : index
    %get3A_17 = vector.load %arg3[%get3A_15, %get3A_16] : memref<128x128xf32, #tpu.memory_space<vmem>>, vector<128x128xf32>
    %dot_general3A = arith.constant dense<0.000000e+00> : vector<2528x128xf32>
    %dot_general3A_18 = tpu.matmul %mul3A_14, %get3A_17, %dot_general3A {dimension_numbers = #tpu.dot_dimension_numbers<[1], [0], [0], [1], [0, 0, 1, 1], [], []>, transpose_lhs_hint = false} : vector<2528x128xf32>, vector<128x128xf32>, vector<2528x128xf32> -> vector<2528x128xf32>
    %get3A_19 = arith.constant 0 : index
    %get3A_20 = arith.constant 0 : index
    %get3A_21 = vector.load %arg4[%get3A_19, %get3A_20] : memref<1x128xf32, #tpu.memory_space<vmem>>, vector<1x128xf32>
    %add3A_22 = vector.broadcast %get3A_21 : vector<1x128xf32> to vector<2528x128xf32>
    %add3A_23 = arith.addf %dot_general3A_18, %add3A_22 : vector<2528x128xf32>
    %swap3A = arith.constant 0 : index
    %swap3A_24 = arith.constant 0 : index
    %swap3A_25 = vector.load %arg5[%swap3A, %swap3A_24] : memref<2528x128xf32, #tpu.memory_space<vmem>>, vector<2528x128xf32>
    tpu.vector_store %arg5[%swap3A, %swap3A_24], %add3A_23 {strides = array<i32>} : memref<2528x128xf32, #tpu.memory_space<vmem>>, vector<2528x128xf32>,
    return
  }
  func.func @transform_0(%arg0: i32) -> (i32, i32, i32) {
    %c0_i32 = arith.constant 0 : i32
    %c0_i32_0 = arith.constant 0 : i32
    %c0_i32_1 = arith.constant 0 : i32
    return %c0_i32, %arg0, %c0_i32_0 : i32, i32, i32
  }
  func.func @transform_1(%arg0: i32) -> (i32, i32) {
    %c0_i32 = arith.constant 0 : i32
    %c0_i32_0 = arith.constant 0 : i32
    return %arg0, %c0_i32 : i32, i32
  }
  func.func @transform_2(%arg0: i32) -> (i32, i32) {
    %c0_i32 = arith.constant 0 : i32
    %c0_i32_0 = arith.constant 0 : i32
    %c0_i32_1 = arith.constant 0 : i32
    return %c0_i32, %c0_i32_0 : i32, i32
  }
  func.func @transform_3(%arg0: i32) -> (i32, i32) {
    %c0_i32 = arith.constant 0 : i32
    %c0_i32_0 = arith.constant 0 : i32
    %c0_i32_1 = arith.constant 0 : i32
    return %c0_i32, %c0_i32_0 : i32, i32
  }
  func.func @transform_4(%arg0: i32) -> (i32, i32) {
    %c0_i32 = arith.constant 0 : i32
    %c0_i32_0 = arith.constant 0 : i32
    return %arg0, %c0_i32 : i32, i32
  }
}

</mosaic_0001>

<sc_bundles>
// kernel: kernel.12.cloned.1.call-start
scs
__scs_entry_jumppad:
0x0: {  	(pc) =	sbr.rel $0x88, $3  }
0x1: {  	(tag) =	ssettag $0x0;
	lr =	simm.s32 $0x1  }
0x2: {  	[smem:$0x3F9B] =	sst lr;
	_ =	strace $0xD0000000  }
0x3: {  	_ = 	snop  }
0x4: {  	_ = 	snop  }
0x5: {  	_ = 	snop  }
0x6: {  	_ = 	snop  }
0x7: {  	_ = 	snop  }
__scs_overlays_trampoline_lowered:
0x8: {  	[smem:$0x3FAA] =	sst s0  }
0x9: {  	[smem:$0x3FAB] =	sst s1  }
0xa: {  	[smem:$0x3FAC] =	sst s2  }
0xb: {  	[smem:$0x3FAD] =	sst s3  }
0xc: {  	[smem:$0x3FAE] =	sst s4  }
0xd: {  	[smem:$0x3FAF] =	sst s5  }
0xe: {  	[smem:$0x3FB0] =	sst s6  }
0xf: {  	[smem:$0x3FB1] =	sst s7  }
0x10: {  	[smem:$0x3FB2] =	sst s8  }
0x11: {  	[smem:$0x3FB3] =	sst s9;
	s0 =	simm.s32 @!p0 $0x0  }
0x12: {  	s1 =	sld [smem:$0x3F99];
	s0 =	simm.s32 @p0 $0x1  }
0x13: {  	[smem:$0x3FB4] =	sst s0;
	s0 =	simm.s32 @!p1 $0x0  }
0x14: {  	s2 =	sld [smem:$0x3F98];
	s0 =	simm.s32 @p1 $0x1  }
0x15: {  	[smem:$0x3FB5] =	sst s0;
	s0 =	simm.s32 @!p2 $0x0  }
0x16: {  	s3 =	sld [smem:$0x3FDB];
	s0 =	simm.s32 @p2 $0x1  }
0x17: {  	s4 =	simm.s32 $0x1BF5;
	[smem:$0x3FB7] =	sst s0  }
0x18: {  	s0 =	sld [smem:$0x3F9A];
	_ =	swait.ge [sflag:s4], $0x0  }
0x19: {  	s7 =	sld [smem:$0x3F9B]  }
0x1a: {  	s8 =	sadd.s32 $0xFFFFE003, lr  }
0x1b: {  	s9 =	sadd.s32 $0xFFFFFEF7, lr;
	s5 =	simm.s32 $0xFFFFFFFF;
	p2 =	slt.u32 s8, $0xFFFFF086  }
0x1c: {  	p1 =	slt.u32 s9, $0xF7A;
	s5 =	simm.s32 @!p2 $0x0  }
0x1d: {  	s5 =	simm.s32 @p1 $0x1;
	p0 =	seq.s32 s7, s2  }
0x1e: {  	s7 =	smul.u32 @!p0 $0xF7A, s2;
	p2 =	seq.s32 @!p0 s5, $0x0  }
0x1f: {  	s9 =	smul.u32 $0xF7A, s1;
	s8 =	simm.s32 @!p0 $0x1BF5;
	p2 =	por !p2, p0  }
0x20: {  	[sflag:s8] =	ssyncset.s32 @!p0 $0xFFFFF086;
	s6 =	sadd.s32 @!p0 s3, s7;
	s7 =	simm.s32 @!p0 $0x108  }
0x21: {  	s3 =	sadd.s32 s3, s9;
	s6 =	sadd.s32 @!p0 $0x88, s6;
	s7 =	simm.s32 @p2 $0x1082  }
0x22: {  	[simem:s7], [sflag:s8] =	dma.local @!p0 [hbm:s6], $0xF7A  }
0x23: {  	s9 =	sor.u32 $0xD0000000, s2;
	s6 =	simm.s32 $0x108;
	_ =	swait.ge @!p0 [sflag:s8], $0x0  }
0x24: {  	s3 =	sadd.s32 $0x88, s3;
	s6 =	simm.s32 @!p1 $0x1082;
	[sflag:s4] =	ssyncset.s32 $0xFFFFF086  }
0x25: {  	[simem:s6], [sflag:s4] =	dma.local [hbm:s3], $0xF7A  }
0x26: {  	[smem:$0x3F9B] =	sst s1;
	(tag) =	ssettag s2;
	_ =	strace s9  }
0x27: {  	s1 =	sld [smem:$0x3FAB]  }
0x28: {  	s2 =	sld [smem:$0x3FAC]  }
0x29: {  	s4 =	sld [smem:$0x3FAE]  }
0x2a: {  	p0 =	seq.s32 s5, $0x0;
	s5 =	sld [smem:$0x3FAF]  }
0x2b: {  	s6 =	sld [smem:$0x3FB0]  }
0x2c: {  	s7 =	sld [smem:$0x3FB1]  }
0x2d: {  	s3 =	simm.s32 $0x108;
	s8 =	sld [smem:$0x3FB2]  }
0x2e: {  	s3 =	simm.s32 @!p0 $0x1082;
	s9 =	sld [smem:$0x3FB3]  }
0x2f: {  	lr =	sadd.s32 s0, s3;
	s0 =	sld [smem:$0x3FAA]  }
0x30: {  	s3 =	sld [smem:$0x3FAD]  }
0x31: {  	[smem:$0x3FB6] =	sst s10  }
0x32: {  	s10 =	sld [smem:$0x3FB4];
	_ =	sdelay $0x3  }
0x33: {  	p0 =	seq.s32 s10, $0x1;
	s10 =	sld [smem:$0x3FB6];
	_ =	sdelay $0x3  }
0x34: {  	[smem:$0x3FB6] =	sst s10  }
0x35: {  	s10 =	sld [smem:$0x3FB5];
	_ =	sdelay $0x3  }
0x36: {  	p1 =	seq.s32 s10, $0x1;
	s10 =	sld [smem:$0x3FB6];
	_ =	sdelay $0x3  }
0x37: {  	[smem:$0x3FB6] =	sst s10  }
0x38: {  	s10 =	sld [smem:$0x3FB7]  }
0x39: {  	_ = 	snop;
	(pc) =	sbr.ind lr, $3  }
0x3a: {  	_ = 	snop  }
0x3b: {  	_ = 	snop  }
0x3c: {  	p2 =	seq.s32 s10, $0x1;
	s10 =	sld [smem:$0x3FB6]  }
0x3d: {  	_ =	shalt  }
0x3e: {  	_ =	shalt  }
0x3f: {  	_ =	shalt  }
0x40: {  	_ =	shalt  }
0x41: {  	_ =	shalt  }
0x42: {  	_ =	shalt  }
0x43: {  	_ =	shalt  }
0x44: {  	_ =	shalt  }
0x45: {  	_ =	shalt  }
0x46: {  	_ =	shalt  }
0x47: {  	_ =	shalt  }
0x48: {  	_ =	shalt  }
0x49: {  	_ =	shalt  }
0x4a: {  	_ =	shalt  }
0x4b: {  	_ =	shalt  }
0x4c: {  	_ =	shalt  }
0x4d: {  	_ =	shalt  }
0x4e: {  	_ =	shalt  }
0x4f: {  	_ =	shalt  }
0x50: {  	_ =	shalt  }
0x51: {  	_ =	shalt  }
0x52: {  	_ =	shalt  }
0x53: {  	_ =	shalt  }
0x54: {  	_ =	shalt  }
0x55: {  	_ =	shalt  }
0x56: {  	_ =	shalt  }
0x57: {  	_ =	shalt  }
0x58: {  	_ =	shalt  }
0x59: {  	_ =	shalt  }
0x5a: {  	_ =	shalt  }
0x5b: {  	_ =	shalt  }
0x5c: {  	_ =	shalt  }
0x5d: {  	_ =	shalt  }
0x5e: {  	_ =	shalt  }
0x5f: {  	_ =	shalt  }
0x60: {  	_ =	shalt  }
0x61: {  	_ =	shalt  }
0x62: {  	_ =	shalt  }
0x63: {  	_ =	shalt  }
0x64: {  	_ =	shalt  }
0x65: {  	_ =	shalt  }
0x66: {  	_ =	shalt  }
0x67: {  	_ =	shalt  }
0x68: {  	_ =	shalt  }
0x69: {  	_ =	shalt  }
0x6a: {  	_ =	shalt  }
0x6b: {  	_ =	shalt  }
0x6c: {  	_ =	shalt  }
0x6d: {  	_ =	shalt  }
0x6e: {  	_ =	shalt  }
0x6f: {  	_ =	shalt  }
0x70: {  	_ =	shalt  }
0x71: {  	_ =	shalt  }
0x72: {  	_ =	shalt  }
0x73: {  	_ =	shalt  }
0x74: {  	_ =	shalt  }
0x75: {  	_ =	shalt  }
0x76: {  	_ =	shalt  }
0x77: {  	_ =	shalt  }
0x78: {  	_ =	shalt  }
0x79: {  	_ =	shalt  }
0x7a: {  	_ =	shalt  }
0x7b: {  	_ =	shalt  }
0x7c: {  	_ =	shalt  }
0x7d: {  	_ =	shalt  }
0x7e: {  	_ =	shalt  }
0x7f: {  	_ =	shalt  }
0x80: {  	_ =	shalt  }
0x81: {  	_ =	shalt  }
0x82: {  	_ =	shalt  }
0x83: {  	_ =	shalt  }
0x84: {  	_ =	shalt  }
0x85: {  	_ =	shalt  }
0x86: {  	_ =	shalt  }
0x87: {  	_ =	shalt  }
.Lfunc_end0:
.L_simem_size_0:
called_computation.1_lowered:
.L_overlay_start_0:
0x88: {  	s2 =	sld [smem:$0x3FD9]  }
0x89: {  	s3 =	sld [smem:$0x3FFE];
	_ =	sdelay $0x1  }
0x8a: {  	s1 =	srdreg.scid  }
0x8b: {  	s0 =	sand.u32 $0x1, s1  }
0x8c: {  	s17 =	sshll.u32 s0, $0xA;
	s2 =	sadd.s32 s3, s2  }
0x8d: {  	s2 =	sadd.s32 s2, s17  }
0x8e: {  	[smem:$0x3FC2] =	sst s2  }
0x8f: {  	_ = 	snop  }
0x90: {  	s2 =	sld [smem:$0x3FD0];
	(tm) =	ssettm $0x1  }
0x91: {  	s18 =	sld [smem:$0x3FFB];
	_ =	sdelay $0x3  }
0x92: {  	_ =	strace s18  }
0x93: {  	s3 =	sld [smem:$0x3FFC];
	_ =	sdelay $0x3  }
0x94: {  	_ =	strace s3  }
0x95: {  	s3 =	sld [smem:$0x3FFD];
	_ =	sdelay $0x3  }
0x96: {  	_ =	strace s3  }
0x97: {  	_ =	strace $0x8FFFFFFF  }
0x98: {  	s19 =	sld [smem:$0x3FDB];
	_ =	sdelay $0x1  }
0x99: {  	s4 =	simm.s32 $_scs_section_size  }
0x9a: {  	s5 =	simm.s32 $_size__tile_overlayer_lowered;
	s6 =	simm.s32 $_tile_overlayer_lowered  }
0x9b: {  	s22 =	simm.s32 $0x1BFF;
	s21 =	sshll.u32 s6, $0x1;
	s3 =	sadd.s32 s4, s19  }
0x9c: {  	s7 =	simm.s32 $0x0;
	s20 =	sshll.u32 s5, $0x1;
	s5 =	sadd.s32 s21, s3  }
0x9d: {  	[timem:s7], [sflag:s22] =	dma.local [hbm:s5], s20  }
0x9e: {  	_ =	swait.ge [sflag:s22], s20  }
0x9f: {  	s4 =	ssub.s32 $0x0, s20;
	[sflag:s22] =	ssyncset.done $0x0  }
0xa0: {  	[sflag:s22] =	ssyncadd.s32 s4;
	_ =	sdelay $0x1  }
0xa1: {  	s23 =	simm.s32 $0x1B8B  }
0xa2: {  	_ =	swait.ge [sflag:s23], $0x1  }
0xa3: {  	[sflag:s23] =	ssyncset.done $0x0  }
0xa4: {  	s25 =	simm.s32 $0x1B8E;
	s24 =	sld [smem:$0x3FFE];
	[sflag:s23] =	ssyncadd.s32 $0xFFFFFFFF  }
0xa5: {  	s26 =	simm.s32 $execute0_lowered;
	[smem:$0x3FD2] =	sst s25  }
0xa6: {  	s5 =	sshll.u32 s26, $0x1;
	_ =	strace $0x80000049;
	[dreg:$0x1] =	wrdreg $0xFFFFFFFF  }
0xa7: {  	s28 =	simm.s32 $_size_execute0_lowered;
	s3 =	sadd.s32 s3, s5;
	[dreg:$0x0] =	wrdreg $0x0  }
0xa8: {  	s5 =	sshll.u32 s28, $0x1;
	[dreg:$0x2] =	wrdreg s3  }
0xa9: {  	[dreg:$0x3] =	wrdreg s5  }
0xaa: {  	[dreg:$0x4] =	wrdreg $0xC0  }
0xab: {  	_ =	task [dreg:s7], $0x5FFFF  }
0xac: {  	[dreg:$0x1] =	wrdreg $0xFFFFFFFF  }
0xad: {  	[dreg:$0x0] =	wrdreg $0x60  }
0xae: {  	[dreg:$0x2] =	wrdreg s24  }
0xaf: {  	[dreg:$0x3] =	wrdreg s2  }
0xb0: {  	[dreg:$0x4] =	wrdreg $0xC0000  }
0xb1: {  	[dreg:$0x5] =	wrdreg $0x9  }
0xb2: {  	_ =	task.clear_ibuf [dreg:s7], $0x6FFFF;
	_ =	strace $0x90000049  }
0xb3: {  	s29 =	simm.s32 $0x9;
	_ =	strace $0x8000004B  }
0xb4: {  	_ =	swait.ge [sflag:s29], $0x1  }
0xb5: {  	[sflag:s29] =	ssyncadd.s32 $0xFFFFFFFF  }
0xb6: {  	_ =	strace $0x9000004B  }
0xb7: {  	_ =	sfence  }
0xb8: {  	s30 =	sld [smem:$0x0];
	_ =	sdelay $0x2  }
0xb9: {  	s31 =	sshll.u32 s1, $0xD;
	s1 =	sshrl.u32 s1, $0x2  }
0xba: {  	s3 =	sand.u32 $0x4000, s31;
	s1 =	sadd.s32 s1, s30  }
0xbb: {  	s0 =	sor.u32 s3, s0;
	s1 =	sshll.u32 s1, $0x11  }
0xbc: {  	s0 =	sor.u32 s1, s0  }
0xbd: {  	s0 =	sadd.s32 $0x8F2B, s0  }
0xbe: {  	[sflag:s0] =	ssyncadd.remote.s32 $0x1  }
0xbf: {  	_ =	sfence.sel $0xFFFF  }
0xc0: {  	[dreg:$0x0] =	wrdreg $0xFFFFFFFF;
	(pc) =	sbr.abs _section_cstart, $3  }
0xc1: {  	[dreg:$0x1] =	wrdreg $0xFFFFFFFF  }
0xc2: {  	_ =	task.clear_ibuf [dreg:s7], $0x2FFFF;
	_ =	strace $0x9FFFFFFF  }
0xc3: {  	(tm) =	ssettm $0x7FFFFFFF  }
tec
execute0_lowered:
.L_overlay_start_1:
0x0: {  	(tag) =	ssettag $0x1  }
0x1: {  	s0 =	rddreg [dreg:$0x0]  }
0x2: {  	s2 =	rddreg [dreg:$0x1]  }
0x3: {  	s1 =	rddreg [dreg:$0x2];
	s3 =	simm.s32 $0x0  }
0x4: {  	s4 =	srdreg.scid;
	s11 =	stileid.u32;
	s14 =	simm.s32 $0x3  }
0x5: {  	s15 =	simm.s32 $0x2000;
	s16 =	simm.s32 $0x80;
	s17 =	simm.s32 $0x4000  }
0x6: {  	s18 =	simm.s32 $0x8000;
	s19 =	simm.s32 $0x1;
	s20 =	simm.s32 $0x2  }
0x7: {  	s28 =	simm.s32 $0x2700;
	s29 =	simm.s32 $0x2780;
	s30 =	simm.s32 $0x0  }
0x8: {  	[smem:$0x7FF] =	sst s3;
	s6 =	sand.u32 $0x1, s4;
	s8 =	smul.u32 $0x13C00, s11  }
0x9: {  	s4 =	sadd.s32 $0x2000, s0;
	s5 =	sadd.s32 $0x29800, s0;
	s10 =	smul.u32 $0x4F000, s11  }
0xa: {  	s26 =	sshll.u32 s11, $0x6;
	s7 =	smul.u32 $0x13C000, s6;
	s9 =	sshll.u32 s6, $0x4  }
0xb: {  	_ =	strace $0x8000004A;
	s6 =	ssub.s32 $0x2, s6;
	s9 =	sor.u32 s11, s9  }
0xc: {  	s23 =	sshrl.u32 s6, $0x1;
	s25 =	sshrl.u32 s10, $0x2;
	s7 =	sadd.s32 s8, s7  }
0xd: {  	s22 =	smul.u32 $0x2800, s9;
	s12 =	ssub.s32 s6, s23;
	s31 =	sadd.s32 s25, s1  }
0xe: {  	s23 =	simm.s32 $0x2600;
	s25 =	simm.s32 $0x2680;
	s7 =	sshrl.u32 s7, $0x3  }
0xf: {  	s12 =	smax.u32 s12, $0x1;
	s13 =	sshrl.u32 s31, $0x3;
	s0 =	sadd.s32 s7, s0  }
0x10: {  	s24 =	sshrl.u32 s22, $0x3;
	s7 =	sor.u32 $0x1C03, s26;
	s26 =	simm.s32 $0x780  }
0x11: {  	s6 =	sadd.s32 s2, s24;
	s11 =	sadd.s32 $0x2C000, s0;
	s24 =	simm.s32 $0x700  }
0x12: {  	s8 =	sadd.s32 $0xA000, s6;
	s9 =	sadd.s32 $0x400, s6;
	s10 =	sadd.s32 $0xA400, s6  }
.LBB2_1:
0x13: {  	[spmem:s13], [sflag:s7] =	dma.local [hbm:s5], $0x2780  }
0x14: {  	_ =	swait.ge [sflag:s14], $0x2780  }
0x15: {  	[sflag:s14] =	ssyncset.done $0x0  }
0x16: {  	[sflag:s14] =	ssyncadd.s32 $0xFFFFD880  }
0x17: {  	[tilespmem:s3], [sflag:$0x3] =	stream.linear.gather [hbm4b:s6+s3], $0x2000, $0x38;
	[tilespmem:$0x1FC00] =	vst v63  }
0x18: {  	_ =	swait.ge [sflag:s14], $0x2000  }
0x19: {  	[sflag:s14] =	ssyncset.done $0x0  }
0x1a: {  	[sflag:s14] =	ssyncadd.s32 $0xFFFFE000  }
0x1b: {  	[tilespmem:s15], [sflag:$0x3] =	stream.linear.gather [hbm4b:s8+s3], $0x2000, $0x38;
	[tilespmem:$0x1FC00] =	vst v63  }
0x1c: {  	_ =	swait.ge [sflag:s14], $0x2000  }
0x1d: {  	[sflag:s14] =	ssyncset.done $0x0  }
0x1e: {  	[sflag:s14] =	ssyncadd.s32 $0xFFFFE000  }
0x1f: {  	[bflag:$0x0] =	sbarrier.arrive $0xFFFF  }
0x20: {  	[tilespmem:s17], [sflag:$0x1] =	stream.indirect.gather [hbm4b:s4+s16], $0x80, s3, s16, $0xb8;
	[tilespmem:$0x1FC00] =	vst v63  }
0x21: {  	s0 =	simm.s32 $0x80  }
0x22: {  	[tilespmem:s18], [sflag:$0x2] =	stream.indirect.gather [hbm4b:s4+s16], $0x80, s0, s16, $0xb8;
	[tilespmem:$0x1FC00] =	vst v63  }
0x23: {  	_ =	swait.ge [sflag:s19], $0x4000  }
0x24: {  	[sflag:s19] =	ssyncset.done $0x0  }
0x25: {  	s2 =	simm.s32 $0x2000;
	[sflag:s19] =	ssyncadd.s32 $0xFFFFC000  }
0x26: {  	[spmem:s1] =	stream.indirect.scatter.add.f32 [tilespmem:s17], [sflag:$0x3], $0x80, s2, s16, $0xb8;
	[tilespmem:$0x1FC00] =	vst v63  }
0x27: {  	_ =	swait.ge [sflag:s14], $0x4000  }
0x28: {  	[sflag:s14] =	ssyncset.done $0x0  }
0x29: {  	s21 =	simm.s32 $0x100;
	[sflag:s14] =	ssyncadd.s32 $0xFFFFC000  }
0x2a: {  	[tilespmem:s17], [sflag:$0x1] =	stream.indirect.gather [hbm4b:s4+s16], $0x80, s21, s16, $0xb8;
	[tilespmem:$0x1FC00] =	vst v63  }
0x2b: {  	_ =	swait.ge [sflag:s20], $0x4000  }
0x2c: {  	[sflag:s20] =	ssyncset.done $0x0  }
0x2d: {  	s22 =	simm.s32 $0x2080;
	[sflag:s20] =	ssyncadd.s32 $0xFFFFC000  }
0x2e: {  	[spmem:s1] =	stream.indirect.scatter.add.f32 [tilespmem:s18], [sflag:$0x3], $0x80, s22, s16, $0xb8;
	[tilespmem:$0x1FC00] =	vst v63  }
0x2f: {  	_ =	swait.ge [sflag:s14], $0x4000  }
0x30: {  	s31 =	simm.s32 $0x100;
	s0 =	simm.s32 $0x800;
	[sflag:s14] =	ssyncset.done $0x0  }
.LBB2_2:
0x31: {  	s2 =	sadd.s32 $0x80, s31  }
0x32: {  	[sflag:s14] =	ssyncadd.s32 $0xFFFFC000;
	s21 =	smov.u32 s0;
	s22 =	sadd.s32 $0x400, s0  }
0x33: {  	[tilespmem:s18], [sflag:$0x2] =	stream.indirect.gather [hbm4b:s4+s16], $0x80, s2, s16, $0xb8;
	[tilespmem:$0x1FC00] =	vst v63  }
0x34: {  	p0 =	sne.s32 s0, $0x7800;
	_ =	swait.ge [sflag:s19], $0x4000  }
0x35: {  	[sflag:s19] =	ssyncset.done $0x0  }
0x36: {  	s0 =	sadd.s32 $0x2000, s31;
	[sflag:s19] =	ssyncadd.s32 $0xFFFFC000  }
0x37: {  	[spmem:s1] =	stream.indirect.scatter.add.f32 [tilespmem:s17], [sflag:$0x3], $0x80, s0, s16, $0xb8;
	[tilespmem:$0x1FC00] =	vst v63  }
0x38: {  	_ =	swait.ge [sflag:s14], $0x4000  }
0x39: {  	[sflag:s14] =	ssyncset.done $0x0  }
0x3a: {  	s0 =	sadd.s32 $0x100, s31;
	[sflag:s14] =	ssyncadd.s32 $0xFFFFC000  }
0x3b: {  	[tilespmem:s17], [sflag:$0x1] =	stream.indirect.gather [hbm4b:s4+s16], $0x80, s0, s16, $0xb8;
	[tilespmem:$0x1FC00] =	vst v63  }
0x3c: {  	_ =	swait.ge [sflag:s20], $0x4000  }
.Ltmp0:
0x3d: {  	[sflag:s20] =	ssyncset.done $0x0;
	(pc) =	sbr.rel @p0 .LBB2_2-.Ltmp0, $4  }
0x3e: {  	s0 =	sadd.s32 $0x2080, s31;
	[sflag:s20] =	ssyncadd.s32 $0xFFFFC000  }
0x3f: {  	[spmem:s1] =	stream.indirect.scatter.add.f32 [tilespmem:s18], [sflag:$0x3], $0x80, s0, s16, $0xb8;
	[tilespmem:$0x1FC00] =	vst v63  }
0x40: {  	_ =	swait.ge [sflag:s14], $0x4000  }
0x41: {  	s31 =	sshra.s32 s21, $0x2;
	s0 =	smov.u32 s22;
	[sflag:s14] =	ssyncset.done $0x0  }
0x42: {  	s0 =	sadd.s32 $0x80, s31;
	[sflag:s14] =	ssyncadd.s32 $0xFFFFC000  }
0x43: {  	[tilespmem:s18], [sflag:$0x2] =	stream.indirect.gather [hbm4b:s4+s16], $0x80, s0, s16, $0xb8;
	[tilespmem:$0x1FC00] =	vst v63  }
0x44: {  	_ =	swait.ge [sflag:s19], $0x4000  }
0x45: {  	[sflag:s19] =	ssyncset.done $0x0  }
0x46: {  	s22 =	sadd.s32 $0x2000, s31;
	[sflag:s19] =	ssyncadd.s32 $0xFFFFC000  }
0x47: {  	[spmem:s1] =	stream.indirect.scatter.add.f32 [tilespmem:s17], [sflag:$0x3], $0x80, s22, s16, $0xb8;
	[tilespmem:$0x1FC00] =	vst v63  }
0x48: {  	_ =	swait.ge [sflag:s14], $0x4000  }
0x49: {  	[sflag:s14] =	ssyncset.done $0x0  }
0x4a: {  	s2 =	sadd.s32 $0x100, s31;
	[sflag:s14] =	ssyncadd.s32 $0xFFFFC000  }
0x4b: {  	[tilespmem:s17], [sflag:$0x1] =	stream.indirect.gather [hbm4b:s4+s16], $0x80, s2, s16, $0xb8;
	[tilespmem:$0x1FC00] =	vst v63  }
0x4c: {  	_ =	swait.ge [sflag:s20], $0x4000  }
0x4d: {  	[sflag:s20] =	ssyncset.done $0x0  }
0x4e: {  	s21 =	sadd.s32 $0x2080, s31;
	[sflag:s20] =	ssyncadd.s32 $0xFFFFC000  }
0x4f: {  	[spmem:s1] =	stream.indirect.scatter.add.f32 [tilespmem:s18], [sflag:$0x3], $0x80, s21, s16, $0xb8;
	[tilespmem:$0x1FC00] =	vst v63  }
0x50: {  	_ =	swait.ge [sflag:s14], $0x4000  }
0x51: {  	[sflag:s14] =	ssyncset.done $0x0  }
0x52: {  	s22 =	simm.s32 $0x1F80;
	[sflag:s14] =	ssyncadd.s32 $0xFFFFC000  }
0x53: {  	[tilespmem:s18], [sflag:$0x2] =	stream.indirect.gather [hbm4b:s4+s16], $0x80, s22, s16, $0xb8;
	[tilespmem:$0x1FC00] =	vst v63  }
0x54: {  	_ =	swait.ge [sflag:s19], $0x4000  }
0x55: {  	[sflag:s19] =	ssyncset.done $0x0  }
0x56: {  	s31 =	simm.s32 $0x3F00;
	[sflag:s19] =	ssyncadd.s32 $0xFFFFC000  }
0x57: {  	[spmem:s1] =	stream.indirect.scatter.add.f32 [tilespmem:s17], [sflag:$0x3], $0x80, s31, s16, $0xb8;
	[tilespmem:$0x1FC00] =	vst v63  }
0x58: {  	_ =	swait.ge [sflag:s14], $0x4000  }
0x59: {  	[sflag:s14] =	ssyncset.done $0x0  }
0x5a: {  	[sflag:s14] =	ssyncadd.s32 $0xFFFFC000  }
0x5b: {  	_ =	swait.ge [sflag:s20], $0x4000  }
0x5c: {  	[sflag:s20] =	ssyncset.done $0x0  }
0x5d: {  	s2 =	simm.s32 $0x3F80;
	[sflag:s20] =	ssyncadd.s32 $0xFFFFC000  }
0x5e: {  	[spmem:s1] =	stream.indirect.scatter.add.f32 [tilespmem:s18], [sflag:$0x3], $0x80, s2, s16, $0xb8;
	[tilespmem:$0x1FC00] =	vst v63  }
0x5f: {  	_ =	swait.ge [sflag:s14], $0x4000  }
0x60: {  	[sflag:s14] =	ssyncset.done $0x0  }
0x61: {  	[sflag:s14] =	ssyncadd.s32 $0xFFFFC000  }
0x62: {  	[tilespmem:s3], [sflag:$0x3] =	stream.linear.gather [hbm4b:s9+s3], $0x800, $0x38;
	[tilespmem:$0x1FC00] =	vst v63  }
0x63: {  	_ =	swait.ge [sflag:s14], $0x800  }
0x64: {  	[sflag:s14] =	ssyncset.done $0x0  }
0x65: {  	[sflag:s14] =	ssyncadd.s32 $0xFFFFF800  }
0x66: {  	[tilespmem:s15], [sflag:$0x3] =	stream.linear.gather [hbm4b:s10+s3], $0x800, $0x38;
	[tilespmem:$0x1FC00] =	vst v63  }
0x67: {  	_ =	swait.ge [sflag:s14], $0x800  }
0x68: {  	[sflag:s14] =	ssyncset.done $0x0  }
0x69: {  	[sflag:s14] =	ssyncadd.s32 $0xFFFFF800  }
0x6a: {  	[tilespmem:s17], [sflag:$0x1] =	stream.indirect.gather [hbm4b:s4+s16], $0x80, s3, s16, $0xb8;
	[tilespmem:$0x1FC00] =	vst v63  }
0x6b: {  	_ = 	snop  }
0x6c: {  	[tilespmem:s18], [sflag:$0x2] =	stream.indirect.gather [hbm4b:s4+s16], $0x80, s16, s16, $0xb8;
	[tilespmem:$0x1FC00] =	vst v63  }
0x6d: {  	_ =	swait.ge [sflag:s19], $0x4000  }
0x6e: {  	[sflag:s19] =	ssyncset.done $0x0  }
0x6f: {  	[sflag:s19] =	ssyncadd.s32 $0xFFFFC000  }
0x70: {  	[spmem:s1] =	stream.indirect.scatter.add.f32 [tilespmem:s17], [sflag:$0x3], $0x80, s15, s16, $0xb8;
	[tilespmem:$0x1FC00] =	vst v63  }
0x71: {  	_ =	swait.ge [sflag:s14], $0x4000  }
0x72: {  	[sflag:s14] =	ssyncset.done $0x0  }
0x73: {  	s21 =	simm.s32 $0x100;
	[sflag:s14] =	ssyncadd.s32 $0xFFFFC000  }
0x74: {  	[tilespmem:s17], [sflag:$0x1] =	stream.indirect.gather [hbm4b:s4+s16], $0x80, s21, s16, $0xb8;
	[tilespmem:$0x1FC00] =	vst v63  }
0x75: {  	_ =	swait.ge [sflag:s20], $0x4000  }
0x76: {  	[sflag:s20] =	ssyncset.done $0x0  }
0x77: {  	s22 =	simm.s32 $0x2080;
	[sflag:s20] =	ssyncadd.s32 $0xFFFFC000  }
0x78: {  	[spmem:s1] =	stream.indirect.scatter.add.f32 [tilespmem:s18], [sflag:$0x3], $0x80, s22, s16, $0xb8;
	[tilespmem:$0x1FC00] =	vst v63  }
0x79: {  	_ =	swait.ge [sflag:s14], $0x4000  }
0x7a: {  	[sflag:s14] =	ssyncset.done $0x0  }
0x7b: {  	s31 =	simm.s32 $0x180;
	[sflag:s14] =	ssyncadd.s32 $0xFFFFC000  }
0x7c: {  	[tilespmem:s18], [sflag:$0x2] =	stream.indirect.gather [hbm4b:s4+s16], $0x80, s31, s16, $0xb8;
	[tilespmem:$0x1FC00] =	vst v63  }
0x7d: {  	_ =	swait.ge [sflag:s19], $0x4000  }
0x7e: {  	[sflag:s19] =	ssyncset.done $0x0  }
0x7f: {  	s2 =	simm.s32 $0x2100;
	[sflag:s19] =	ssyncadd.s32 $0xFFFFC000  }
0x80: {  	[spmem:s1] =	stream.indirect.scatter.add.f32 [tilespmem:s17], [sflag:$0x3], $0x80, s2, s16, $0xb8;
	[tilespmem:$0x1FC00] =	vst v63  }
0x81: {  	_ =	swait.ge [sflag:s14], $0x4000  }
0x82: {  	[sflag:s14] =	ssyncset.done $0x0  }
0x83: {  	s21 =	simm.s32 $0x200;
	[sflag:s14] =	ssyncadd.s32 $0xFFFFC000  }
0x84: {  	[tilespmem:s17], [sflag:$0x1] =	stream.indirect.gather [hbm4b:s4+s16], $0x80, s21, s16, $0xb8;
	[tilespmem:$0x1FC00] =	vst v63  }
0x85: {  	_ =	swait.ge [sflag:s20], $0x4000  }
0x86: {  	[sflag:s20] =	ssyncset.done $0x0  }
0x87: {  	s22 =	simm.s32 $0x2180;
	[sflag:s20] =	ssyncadd.s32 $0xFFFFC000  }
0x88: {  	[spmem:s1] =	stream.indirect.scatter.add.f32 [tilespmem:s18], [sflag:$0x3], $0x80, s22, s16, $0xb8;
	[tilespmem:$0x1FC00] =	vst v63  }
0x89: {  	_ =	swait.ge [sflag:s14], $0x4000  }
0x8a: {  	[sflag:s14] =	ssyncset.done $0x0  }
0x8b: {  	s31 =	simm.s32 $0x280;
	[sflag:s14] =	ssyncadd.s32 $0xFFFFC000  }
0x8c: {  	[tilespmem:s18], [sflag:$0x2] =	stream.indirect.gather [hbm4b:s4+s16], $0x80, s31, s16, $0xb8;
	[tilespmem:$0x1FC00] =	vst v63  }
0x8d: {  	_ =	swait.ge [sflag:s19], $0x4000  }
0x8e: {  	[sflag:s19] =	ssyncset.done $0x0  }
0x8f: {  	s2 =	simm.s32 $0x2200;
	[sflag:s19] =	ssyncadd.s32 $0xFFFFC000  }
0x90: {  	[spmem:s1] =	stream.indirect.scatter.add.f32 [tilespmem:s17], [sflag:$0x3], $0x80, s2, s16, $0xb8;
	[tilespmem:$0x1FC00] =	vst v63  }
0x91: {  	_ =	swait.ge [sflag:s14], $0x4000  }
0x92: {  	[sflag:s14] =	ssyncset.done $0x0  }
0x93: {  	s21 =	simm.s32 $0x300;
	[sflag:s14] =	ssyncadd.s32 $0xFFFFC000  }
0x94: {  	[tilespmem:s17], [sflag:$0x1] =	stream.indirect.gather [hbm4b:s4+s16], $0x80, s21, s16, $0xb8;
	[tilespmem:$0x1FC00] =	vst v63  }
0x95: {  	_ =	swait.ge [sflag:s20], $0x4000  }
0x96: {  	[sflag:s20] =	ssyncset.done $0x0  }
0x97: {  	s22 =	simm.s32 $0x2280;
	[sflag:s20] =	ssyncadd.s32 $0xFFFFC000  }
0x98: {  	[spmem:s1] =	stream.indirect.scatter.add.f32 [tilespmem:s18], [sflag:$0x3], $0x80, s22, s16, $0xb8;
	[tilespmem:$0x1FC00] =	vst v63  }
0x99: {  	_ =	swait.ge [sflag:s14], $0x4000  }
0x9a: {  	[sflag:s14] =	ssyncset.done $0x0  }
0x9b: {  	s31 =	simm.s32 $0x380;
	[sflag:s14] =	ssyncadd.s32 $0xFFFFC000  }
0x9c: {  	[tilespmem:s18], [sflag:$0x2] =	stream.indirect.gather [hbm4b:s4+s16], $0x80, s31, s16, $0xb8;
	[tilespmem:$0x1FC00] =	vst v63  }
0x9d: {  	_ =	swait.ge [sflag:s19], $0x4000  }
0x9e: {  	[sflag:s19] =	ssyncset.done $0x0  }
0x9f: {  	s2 =	simm.s32 $0x2300;
	[sflag:s19] =	ssyncadd.s32 $0xFFFFC000  }
0xa0: {  	[spmem:s1] =	stream.indirect.scatter.add.f32 [tilespmem:s17], [sflag:$0x3], $0x80, s2, s16, $0xb8;
	[tilespmem:$0x1FC00] =	vst v63  }
0xa1: {  	_ =	swait.ge [sflag:s14], $0x4000  }
0xa2: {  	[sflag:s14] =	ssyncset.done $0x0  }
0xa3: {  	s21 =	simm.s32 $0x400;
	[sflag:s14] =	ssyncadd.s32 $0xFFFFC000  }
0xa4: {  	[tilespmem:s17], [sflag:$0x1] =	stream.indirect.gather [hbm4b:s4+s16], $0x80, s21, s16, $0xb8;
	[tilespmem:$0x1FC00] =	vst v63  }
0xa5: {  	_ =	swait.ge [sflag:s20], $0x4000  }
0xa6: {  	[sflag:s20] =	ssyncset.done $0x0  }
0xa7: {  	s22 =	simm.s32 $0x2380;
	[sflag:s20] =	ssyncadd.s32 $0xFFFFC000  }
0xa8: {  	[spmem:s1] =	stream.indirect.scatter.add.f32 [tilespmem:s18], [sflag:$0x3], $0x80, s22, s16, $0xb8;
	[tilespmem:$0x1FC00] =	vst v63  }
0xa9: {  	_ =	swait.ge [sflag:s14], $0x4000  }
0xaa: {  	[sflag:s14] =	ssyncset.done $0x0  }
0xab: {  	s31 =	simm.s32 $0x480;
	[sflag:s14] =	ssyncadd.s32 $0xFFFFC000  }
0xac: {  	[tilespmem:s18], [sflag:$0x2] =	stream.indirect.gather [hbm4b:s4+s16], $0x80, s31, s16, $0xb8;
	[tilespmem:$0x1FC00] =	vst v63  }
0xad: {  	_ =	swait.ge [sflag:s19], $0x4000  }
0xae: {  	[sflag:s19] =	ssyncset.done $0x0  }
0xaf: {  	s2 =	simm.s32 $0x2400;
	[sflag:s19] =	ssyncadd.s32 $0xFFFFC000  }
0xb0: {  	[spmem:s1] =	stream.indirect.scatter.add.f32 [tilespmem:s17], [sflag:$0x3], $0x80, s2, s16, $0xb8;
	[tilespmem:$0x1FC00] =	vst v63  }
0xb1: {  	_ =	swait.ge [sflag:s14], $0x4000  }
0xb2: {  	[sflag:s14] =	ssyncset.done $0x0  }
0xb3: {  	s21 =	simm.s32 $0x500;
	[sflag:s14] =	ssyncadd.s32 $0xFFFFC000  }
0xb4: {  	[tilespmem:s17], [sflag:$0x1] =	stream.indirect.gather [hbm4b:s4+s16], $0x80, s21, s16, $0xb8;
	[tilespmem:$0x1FC00] =	vst v63  }
0xb5: {  	_ =	swait.ge [sflag:s20], $0x4000  }
0xb6: {  	[sflag:s20] =	ssyncset.done $0x0  }
0xb7: {  	s22 =	simm.s32 $0x2480;
	[sflag:s20] =	ssyncadd.s32 $0xFFFFC000  }
0xb8: {  	[spmem:s1] =	stream.indirect.scatter.add.f32 [tilespmem:s18], [sflag:$0x3], $0x80, s22, s16, $0xb8;
	[tilespmem:$0x1FC00] =	vst v63  }
0xb9: {  	_ =	swait.ge [sflag:s14], $0x4000  }
0xba: {  	[sflag:s14] =	ssyncset.done $0x0  }
0xbb: {  	s31 =	simm.s32 $0x580;
	[sflag:s14] =	ssyncadd.s32 $0xFFFFC000  }
0xbc: {  	[tilespmem:s18], [sflag:$0x2] =	stream.indirect.gather [hbm4b:s4+s16], $0x80, s31, s16, $0xb8;
	[tilespmem:$0x1FC00] =	vst v63  }
0xbd: {  	_ =	swait.ge [sflag:s19], $0x4000  }
0xbe: {  	[sflag:s19] =	ssyncset.done $0x0  }
0xbf: {  	s2 =	simm.s32 $0x2500;
	[sflag:s19] =	ssyncadd.s32 $0xFFFFC000  }
0xc0: {  	[spmem:s1] =	stream.indirect.scatter.add.f32 [tilespmem:s17], [sflag:$0x3], $0x80, s2, s16, $0xb8;
	[tilespmem:$0x1FC00] =	vst v63  }
0xc1: {  	_ =	swait.ge [sflag:s14], $0x4000  }
0xc2: {  	[sflag:s14] =	ssyncset.done $0x0  }
0xc3: {  	s21 =	simm.s32 $0x600;
	[sflag:s14] =	ssyncadd.s32 $0xFFFFC000  }
0xc4: {  	[tilespmem:s17], [sflag:$0x1] =	stream.indirect.gather [hbm4b:s4+s16], $0x80, s21, s16, $0xb8;
	[tilespmem:$0x1FC00] =	vst v63  }
0xc5: {  	_ =	swait.ge [sflag:s20], $0x4000  }
0xc6: {  	[sflag:s20] =	ssyncset.done $0x0  }
0xc7: {  	s22 =	simm.s32 $0x2580;
	[sflag:s20] =	ssyncadd.s32 $0xFFFFC000  }
0xc8: {  	[spmem:s1] =	stream.indirect.scatter.add.f32 [tilespmem:s18], [sflag:$0x3], $0x80, s22, s16, $0xb8;
	[tilespmem:$0x1FC00] =	vst v63  }
0xc9: {  	_ =	swait.ge [sflag:s14], $0x4000  }
0xca: {  	[sflag:s14] =	ssyncset.done $0x0  }
0xcb: {  	s31 =	simm.s32 $0x680;
	[sflag:s14] =	ssyncadd.s32 $0xFFFFC000  }
0xcc: {  	[tilespmem:s18], [sflag:$0x2] =	stream.indirect.gather [hbm4b:s4+s16], $0x80, s31, s16, $0xb8;
	[tilespmem:$0x1FC00] =	vst v63  }
0xcd: {  	_ =	swait.ge [sflag:s19], $0x4000  }
0xce: {  	[sflag:s19] =	ssyncset.done $0x0  }
0xcf: {  	[sflag:s19] =	ssyncadd.s32 $0xFFFFC000  }
0xd0: {  	[spmem:s1] =	stream.indirect.scatter.add.f32 [tilespmem:s17], [sflag:$0x3], $0x80, s23, s16, $0xb8;
	[tilespmem:$0x1FC00] =	vst v63  }
0xd1: {  	_ =	swait.ge [sflag:s14], $0x4000  }
0xd2: {  	[sflag:s14] =	ssyncset.done $0x0  }
0xd3: {  	[sflag:s14] =	ssyncadd.s32 $0xFFFFC000  }
0xd4: {  	[tilespmem:s17], [sflag:$0x1] =	stream.indirect.gather [hbm4b:s4+s16], $0x80, s24, s16, $0xb8;
	[tilespmem:$0x1FC00] =	vst v63  }
0xd5: {  	_ =	swait.ge [sflag:s20], $0x4000  }
0xd6: {  	[sflag:s20] =	ssyncset.done $0x0  }
0xd7: {  	[sflag:s20] =	ssyncadd.s32 $0xFFFFC000  }
0xd8: {  	[spmem:s1] =	stream.indirect.scatter.add.f32 [tilespmem:s18], [sflag:$0x3], $0x80, s25, s16, $0xb8;
	[tilespmem:$0x1FC00] =	vst v63  }
0xd9: {  	_ =	swait.ge [sflag:s14], $0x4000  }
0xda: {  	[sflag:s14] =	ssyncset.done $0x0  }
0xdb: {  	[sflag:s14] =	ssyncadd.s32 $0xFFFFC000  }
0xdc: {  	[tilespmem:s18], [sflag:$0x2] =	stream.indirect.gather [hbm4b:s4+s16], $0x80, s26, s16, $0xb8;
	[tilespmem:$0x1FC00] =	vst v63  }
0xdd: {  	_ =	swait.ge [sflag:s19], $0x4000  }
0xde: {  	[sflag:s19] =	ssyncset.done $0x0  }
0xdf: {  	[sflag:s19] =	ssyncadd.s32 $0xFFFFC000  }
0xe0: {  	[spmem:s1] =	stream.indirect.scatter.add.f32 [tilespmem:s17], [sflag:$0x3], $0x80, s28, s16, $0xb8;
	[tilespmem:$0x1FC00] =	vst v63  }
0xe1: {  	_ =	swait.ge [sflag:s14], $0x4000  }
0xe2: {  	[sflag:s14] =	ssyncset.done $0x0  }
0xe3: {  	[sflag:s14] =	ssyncadd.s32 $0xFFFFC000  }
0xe4: {  	_ =	swait.ge [sflag:s20], $0x4000  }
0xe5: {  	[sflag:s20] =	ssyncset.done $0x0  }
0xe6: {  	[sflag:s20] =	ssyncadd.s32 $0xFFFFC000  }
0xe7: {  	[spmem:s1] =	stream.indirect.scatter.add.f32 [tilespmem:s18], [sflag:$0x3], $0x80, s29, s16, $0xb8;
	[tilespmem:$0x1FC00] =	vst v63  }
0xe8: {  	_ =	swait.ge [sflag:s14], $0x4000  }
0xe9: {  	s30 =	sadd.s32 $0x1, s30;
	[sflag:s14] =	ssyncset.done $0x0  }
0xea: {  	p0 =	sne.s32 s30, s12;
	[sflag:s14] =	ssyncadd.s32 $0xFFFFC000  }
.Ltmp1:
0xeb: {  	[bflag:$0x0] =	sbarrier.arrive $0xFFFF;
	(pc) =	sbr.rel @p0 .LBB2_1-.Ltmp1, $4  }
0xec: {  	[hbm:s11], [sflag:s7] =	dma.local [spmem:s13], $0x2780  }
0xed: {  	_ =	swait.ge [sflag:s14], $0x2780  }
0xee: {  	[sflag:s14] =	ssyncset.done $0x0  }
0xef: {  	[sflag:s14] =	ssyncadd.s32 $0xFFFFD880  }
0xf0: {  	_ =	sfence.sel $0x180000  }
0xf1: {  	[bflag:$0x0] =	sbarrier.arrive $0xFFFF  }
0xf2: {  	_ =	strace $0x9000004A  }
0xf3: {  	s0 =	stileid.u32;
	[bflag:$0x2] =	sbarrier.arrive $0xFFFF  }
0xf4: {  	p0 =	sne.s32 s0, $0x0;
	s0 =	rddreg [dreg:$0x3]  }
0xf5: {  	s0 =	sadd.s32 @!p0 $0x100000, s0  }
0xf6: {  	[sflag:s0] =	ssyncadd.tile.s32 @!p0 $0x1;
	_ =	shalt  }
.Lfunc_end2:
_tile_overlayer_lowered:
.L_overlay_start_2:
0xf7: {  	(tag) =	ssettag $0x2  }
0xf8: {  	s0 =	rddreg [dreg:$0x0];
	s2 =	stileid.u32  }
0xf9: {  	s1 =	rddreg [dreg:$0x1];
	p0 =	sne.s32 s2, $0x0  }
0xfa: {  	s3 =	rddreg [dreg:$0x2];
	[bflag:$0x3] =	sbarrier.arrive $0xFFFF;
	s2 =	simm.s32 @!p0 $0x1C03  }
0xfb: {  	[timem:s3], [sflag:s2] =	dma.local @!p0 [hbm:s0], s1  }
0xfc: {  	s0 =	simm.s32 @!p0 $0x3  }
0xfd: {  	_ =	swait.ge @!p0 [sflag:s0], s1  }
0xfe: {  	s1 =	ssub.s32 @!p0 $0x0, s1;
	[sflag:s0] =	ssyncset.done @!p0 $0x0  }
0xff: {  	[sflag:s0] =	ssyncadd.s32 @!p0 s1  }
0x100: {  	[bflag:$0x3] =	sbarrier.arrive $0xFFFF  }
0x101: {  	_ =	shalt  }

// kernel: kernel.15.cloned.1.call-start
scs
__scs_entry_jumppad:
0x0: {  	(pc) =	sbr.rel $0x88, $3  }
0x1: {  	(tag) =	ssettag $0x0;
	lr =	simm.s32 $0x1  }
0x2: {  	[smem:$0x3F9B] =	sst lr;
	_ =	strace $0xD0000000  }
0x3: {  	_ = 	snop  }
0x4: {  	_ = 	snop  }
0x5: {  	_ = 	snop  }
0x6: {  	_ = 	snop  }
0x7: {  	_ = 	snop  }
__scs_overlays_trampoline_lowered:
0x8: {  	[smem:$0x3FAA] =	sst s0  }
0x9: {  	[smem:$0x3FAB] =	sst s1  }
0xa: {  	[smem:$0x3FAC] =	sst s2  }
0xb: {  	[smem:$0x3FAD] =	sst s3  }
0xc: {  	[smem:$0x3FAE] =	sst s4  }
0xd: {  	[smem:$0x3FAF] =	sst s5  }
0xe: {  	[smem:$0x3FB0] =	sst s6  }
0xf: {  	[smem:$0x3FB1] =	sst s7  }
0x10: {  	[smem:$0x3FB2] =	sst s8  }
0x11: {  	[smem:$0x3FB3] =	sst s9;
	s0 =	simm.s32 @!p0 $0x0  }
0x12: {  	s1 =	sld [smem:$0x3F99];
	s0 =	simm.s32 @p0 $0x1  }
0x13: {  	[smem:$0x3FB4] =	sst s0;
	s0 =	simm.s32 @!p1 $0x0  }
0x14: {  	s2 =	sld [smem:$0x3F98];
	s0 =	simm.s32 @p1 $0x1  }
0x15: {  	[smem:$0x3FB5] =	sst s0;
	s0 =	simm.s32 @!p2 $0x0  }
0x16: {  	s3 =	sld [smem:$0x3FDB];
	s0 =	simm.s32 @p2 $0x1  }
0x17: {  	s4 =	simm.s32 $0x1BF5;
	[smem:$0x3FB7] =	sst s0  }
0x18: {  	s0 =	sld [smem:$0x3F9A];
	_ =	swait.ge [sflag:s4], $0x0  }
0x19: {  	s7 =	sld [smem:$0x3F9B]  }
0x1a: {  	s8 =	sadd.s32 $0xFFFFE003, lr  }
0x1b: {  	s9 =	sadd.s32 $0xFFFFFEF7, lr;
	s5 =	simm.s32 $0xFFFFFFFF;
	p2 =	slt.u32 s8, $0xFFFFF086  }
0x1c: {  	p1 =	slt.u32 s9, $0xF7A;
	s5 =	simm.s32 @!p2 $0x0  }
0x1d: {  	s5 =	simm.s32 @p1 $0x1;
	p0 =	seq.s32 s7, s2  }
0x1e: {  	s7 =	smul.u32 @!p0 $0xF7A, s2;
	p2 =	seq.s32 @!p0 s5, $0x0  }
0x1f: {  	s9 =	smul.u32 $0xF7A, s1;
	s8 =	simm.s32 @!p0 $0x1BF5;
	p2 =	por !p2, p0  }
0x20: {  	[sflag:s8] =	ssyncset.s32 @!p0 $0xFFFFF086;
	s6 =	sadd.s32 @!p0 s3, s7;
	s7 =	simm.s32 @!p0 $0x108  }
0x21: {  	s3 =	sadd.s32 s3, s9;
	s6 =	sadd.s32 @!p0 $0x88, s6;
	s7 =	simm.s32 @p2 $0x1082  }
0x22: {  	[simem:s7], [sflag:s8] =	dma.local @!p0 [hbm:s6], $0xF7A  }
0x23: {  	s9 =	sor.u32 $0xD0000000, s2;
	s6 =	simm.s32 $0x108;
	_ =	swait.ge @!p0 [sflag:s8], $0x0  }
0x24: {  	s3 =	sadd.s32 $0x88, s3;
	s6 =	simm.s32 @!p1 $0x1082;
	[sflag:s4] =	ssyncset.s32 $0xFFFFF086  }
0x25: {  	[simem:s6], [sflag:s4] =	dma.local [hbm:s3], $0xF7A  }
0x26: {  	[smem:$0x3F9B] =	sst s1;
	(tag) =	ssettag s2;
	_ =	strace s9  }
0x27: {  	s1 =	sld [smem:$0x3FAB]  }
0x28: {  	s2 =	sld [smem:$0x3FAC]  }
0x29: {  	s4 =	sld [smem:$0x3FAE]  }
0x2a: {  	p0 =	seq.s32 s5, $0x0;
	s5 =	sld [smem:$0x3FAF]  }
0x2b: {  	s6 =	sld [smem:$0x3FB0]  }
0x2c: {  	s7 =	sld [smem:$0x3FB1]  }
0x2d: {  	s3 =	simm.s32 $0x108;
	s8 =	sld [smem:$0x3FB2]  }
0x2e: {  	s3 =	simm.s32 @!p0 $0x1082;
	s9 =	sld [smem:$0x3FB3]  }
0x2f: {  	lr =	sadd.s32 s0, s3;
	s0 =	sld [smem:$0x3FAA]  }
0x30: {  	s3 =	sld [smem:$0x3FAD]  }
0x31: {  	[smem:$0x3FB6] =	sst s10  }
0x32: {  	s10 =	sld [smem:$0x3FB4];
	_ =	sdelay $0x3  }
0x33: {  	p0 =	seq.s32 s10, $0x1;
	s10 =	sld [smem:$0x3FB6];
	_ =	sdelay $0x3  }
0x34: {  	[smem:$0x3FB6] =	sst s10  }
0x35: {  	s10 =	sld [smem:$0x3FB5];
	_ =	sdelay $0x3  }
0x36: {  	p1 =	seq.s32 s10, $0x1;
	s10 =	sld [smem:$0x3FB6];
	_ =	sdelay $0x3  }
0x37: {  	[smem:$0x3FB6] =	sst s10  }
0x38: {  	s10 =	sld [smem:$0x3FB7]  }
0x39: {  	_ = 	snop;
	(pc) =	sbr.ind lr, $3  }
0x3a: {  	_ = 	snop  }
0x3b: {  	_ = 	snop  }
0x3c: {  	p2 =	seq.s32 s10, $0x1;
	s10 =	sld [smem:$0x3FB6]  }
0x3d: {  	_ =	shalt  }
0x3e: {  	_ =	shalt  }
0x3f: {  	_ =	shalt  }
0x40: {  	_ =	shalt  }
0x41: {  	_ =	shalt  }
0x42: {  	_ =	shalt  }
0x43: {  	_ =	shalt  }
0x44: {  	_ =	shalt  }
0x45: {  	_ =	shalt  }
0x46: {  	_ =	shalt  }
0x47: {  	_ =	shalt  }
0x48: {  	_ =	shalt  }
0x49: {  	_ =	shalt  }
0x4a: {  	_ =	shalt  }
0x4b: {  	_ =	shalt  }
0x4c: {  	_ =	shalt  }
0x4d: {  	_ =	shalt  }
0x4e: {  	_ =	shalt  }
0x4f: {  	_ =	shalt  }
0x50: {  	_ =	shalt  }
0x51: {  	_ =	shalt  }
0x52: {  	_ =	shalt  }
0x53: {  	_ =	shalt  }
0x54: {  	_ =	shalt  }
0x55: {  	_ =	shalt  }
0x56: {  	_ =	shalt  }
0x57: {  	_ =	shalt  }
0x58: {  	_ =	shalt  }
0x59: {  	_ =	shalt  }
0x5a: {  	_ =	shalt  }
0x5b: {  	_ =	shalt  }
0x5c: {  	_ =	shalt  }
0x5d: {  	_ =	shalt  }
0x5e: {  	_ =	shalt  }
0x5f: {  	_ =	shalt  }
0x60: {  	_ =	shalt  }
0x61: {  	_ =	shalt  }
0x62: {  	_ =	shalt  }
0x63: {  	_ =	shalt  }
0x64: {  	_ =	shalt  }
0x65: {  	_ =	shalt  }
0x66: {  	_ =	shalt  }
0x67: {  	_ =	shalt  }
0x68: {  	_ =	shalt  }
0x69: {  	_ =	shalt  }
0x6a: {  	_ =	shalt  }
0x6b: {  	_ =	shalt  }
0x6c: {  	_ =	shalt  }
0x6d: {  	_ =	shalt  }
0x6e: {  	_ =	shalt  }
0x6f: {  	_ =	shalt  }
0x70: {  	_ =	shalt  }
0x71: {  	_ =	shalt  }
0x72: {  	_ =	shalt  }
0x73: {  	_ =	shalt  }
0x74: {  	_ =	shalt  }
0x75: {  	_ =	shalt  }
0x76: {  	_ =	shalt  }
0x77: {  	_ =	shalt  }
0x78: {  	_ =	shalt  }
0x79: {  	_ =	shalt  }
0x7a: {  	_ =	shalt  }
0x7b: {  	_ =	shalt  }
0x7c: {  	_ =	shalt  }
0x7d: {  	_ =	shalt  }
0x7e: {  	_ =	shalt  }
0x7f: {  	_ =	shalt  }
0x80: {  	_ =	shalt  }
0x81: {  	_ =	shalt  }
0x82: {  	_ =	shalt  }
0x83: {  	_ =	shalt  }
0x84: {  	_ =	shalt  }
0x85: {  	_ =	shalt  }
0x86: {  	_ =	shalt  }
0x87: {  	_ =	shalt  }
.Lfunc_end0:
.L_simem_size_0:
called_computation.2_lowered:
.L_overlay_start_0:
0x88: {  	s2 =	sld [smem:$0x3FD9]  }
0x89: {  	s3 =	sld [smem:$0x3FFE];
	_ =	sdelay $0x1  }
0x8a: {  	s1 =	srdreg.scid  }
0x8b: {  	s0 =	sand.u32 $0x1, s1  }
0x8c: {  	s17 =	sshll.u32 s0, $0xA;
	s2 =	sadd.s32 s3, s2  }
0x8d: {  	s2 =	sadd.s32 s2, s17  }
0x8e: {  	[smem:$0x3FC2] =	sst s2  }
0x8f: {  	_ = 	snop  }
0x90: {  	s2 =	sld [smem:$0x3FD0];
	(tm) =	ssettm $0x1  }
0x91: {  	s18 =	sld [smem:$0x3FFB];
	_ =	sdelay $0x3  }
0x92: {  	_ =	strace s18  }
0x93: {  	s3 =	sld [smem:$0x3FFC];
	_ =	sdelay $0x3  }
0x94: {  	_ =	strace s3  }
0x95: {  	s3 =	sld [smem:$0x3FFD];
	_ =	sdelay $0x3  }
0x96: {  	_ =	strace s3  }
0x97: {  	_ =	strace $0x8FFFFFFF  }
0x98: {  	s19 =	sld [smem:$0x3FDB];
	_ =	sdelay $0x1  }
0x99: {  	s4 =	simm.s32 $_scs_section_size  }
0x9a: {  	s5 =	simm.s32 $_size__tile_overlayer_lowered;
	s6 =	simm.s32 $_tile_overlayer_lowered  }
0x9b: {  	s22 =	simm.s32 $0x1BFF;
	s21 =	sshll.u32 s6, $0x1;
	s3 =	sadd.s32 s4, s19  }
0x9c: {  	s7 =	simm.s32 $0x0;
	s20 =	sshll.u32 s5, $0x1;
	s5 =	sadd.s32 s21, s3  }
0x9d: {  	[timem:s7], [sflag:s22] =	dma.local [hbm:s5], s20  }
0x9e: {  	_ =	swait.ge [sflag:s22], s20  }
0x9f: {  	s4 =	ssub.s32 $0x0, s20;
	[sflag:s22] =	ssyncset.done $0x0  }
0xa0: {  	[sflag:s22] =	ssyncadd.s32 s4;
	_ =	sdelay $0x1  }
0xa1: {  	s23 =	simm.s32 $0x1B8B  }
0xa2: {  	_ =	swait.ge [sflag:s23], $0x1  }
0xa3: {  	[sflag:s23] =	ssyncset.done $0x0  }
0xa4: {  	s25 =	simm.s32 $0x1B8E;
	s24 =	sld [smem:$0x3FFE];
	[sflag:s23] =	ssyncadd.s32 $0xFFFFFFFF  }
0xa5: {  	s26 =	simm.s32 $execute0_lowered;
	[smem:$0x3FD2] =	sst s25  }
0xa6: {  	s5 =	sshll.u32 s26, $0x1;
	_ =	strace $0x8000004C;
	[dreg:$0x1] =	wrdreg $0xFFFFFFFF  }
0xa7: {  	s28 =	simm.s32 $_size_execute0_lowered;
	s3 =	sadd.s32 s3, s5;
	[dreg:$0x0] =	wrdreg $0x0  }
0xa8: {  	s5 =	sshll.u32 s28, $0x1;
	[dreg:$0x2] =	wrdreg s3  }
0xa9: {  	[dreg:$0x3] =	wrdreg s5  }
0xaa: {  	[dreg:$0x4] =	wrdreg $0xC0  }
0xab: {  	_ =	task [dreg:s7], $0x5FFFF  }
0xac: {  	[dreg:$0x1] =	wrdreg $0xFFFFFFFF  }
0xad: {  	[dreg:$0x0] =	wrdreg $0x60  }
0xae: {  	[dreg:$0x2] =	wrdreg s24  }
0xaf: {  	[dreg:$0x3] =	wrdreg s2  }
0xb0: {  	[dreg:$0x4] =	wrdreg $0xC0000  }
0xb1: {  	[dreg:$0x5] =	wrdreg $0x9  }
0xb2: {  	_ =	task.clear_ibuf [dreg:s7], $0x6FFFF;
	_ =	strace $0x9000004C  }
0xb3: {  	s29 =	simm.s32 $0x9;
	_ =	strace $0x8000004E  }
0xb4: {  	_ =	swait.ge [sflag:s29], $0x1  }
0xb5: {  	[sflag:s29] =	ssyncadd.s32 $0xFFFFFFFF  }
0xb6: {  	_ =	strace $0x9000004E  }
0xb7: {  	_ =	sfence  }
0xb8: {  	s30 =	sld [smem:$0x0];
	_ =	sdelay $0x2  }
0xb9: {  	s31 =	sshll.u32 s1, $0xD;
	s1 =	sshrl.u32 s1, $0x2  }
0xba: {  	s3 =	sand.u32 $0x4000, s31;
	s1 =	sadd.s32 s1, s30  }
0xbb: {  	s0 =	sor.u32 s3, s0;
	s1 =	sshll.u32 s1, $0x11  }
0xbc: {  	s0 =	sor.u32 s1, s0  }
0xbd: {  	s0 =	sadd.s32 $0x8F2B, s0  }
0xbe: {  	[sflag:s0] =	ssyncadd.remote.s32 $0x1  }
0xbf: {  	_ =	sfence.sel $0xFFFF  }
0xc0: {  	[dreg:$0x0] =	wrdreg $0xFFFFFFFF;
	(pc) =	sbr.abs _section_cstart, $3  }
0xc1: {  	[dreg:$0x1] =	wrdreg $0xFFFFFFFF  }
0xc2: {  	_ =	task.clear_ibuf [dreg:s7], $0x2FFFF;
	_ =	strace $0x9FFFFFFF  }
0xc3: {  	(tm) =	ssettm $0x7FFFFFFF  }
tec
execute0_lowered:
.L_overlay_start_1:
0x0: {  	(tag) =	ssettag $0x1  }
0x1: {  	s0 =	rddreg [dreg:$0x0]  }
0x2: {  	s2 =	rddreg [dreg:$0x1]  }
0x3: {  	s1 =	rddreg [dreg:$0x2];
	s3 =	simm.s32 $0x0  }
0x4: {  	s4 =	srdreg.scid;
	s11 =	stileid.u32;
	s14 =	simm.s32 $0x3  }
0x5: {  	s15 =	simm.s32 $0x2000;
	s16 =	simm.s32 $0x80;
	s17 =	simm.s32 $0x4000  }
0x6: {  	s18 =	simm.s32 $0x8000;
	s19 =	simm.s32 $0x1;
	s20 =	simm.s32 $0x2  }
0x7: {  	s28 =	simm.s32 $0x2700;
	s29 =	simm.s32 $0x2780;
	s30 =	simm.s32 $0x0  }
0x8: {  	[smem:$0x7FF] =	sst s3;
	s6 =	sand.u32 $0x1, s4;
	s8 =	smul.u32 $0x13C00, s11  }
0x9: {  	s4 =	sadd.s32 $0x2000, s0;
	s5 =	sadd.s32 $0x29800, s0;
	s10 =	smul.u32 $0x4F000, s11  }
0xa: {  	s26 =	sshll.u32 s11, $0x6;
	s7 =	smul.u32 $0x13C000, s6;
	s9 =	sshll.u32 s6, $0x4  }
0xb: {  	_ =	strace $0x8000004D;
	s6 =	ssub.s32 $0x2, s6;
	s9 =	sor.u32 s11, s9  }
0xc: {  	s23 =	sshrl.u32 s6, $0x1;
	s25 =	sshrl.u32 s10, $0x2;
	s7 =	sadd.s32 s8, s7  }
0xd: {  	s22 =	smul.u32 $0x2800, s9;
	s12 =	ssub.s32 s6, s23;
	s31 =	sadd.s32 s25, s1  }
0xe: {  	s23 =	simm.s32 $0x2600;
	s25 =	simm.s32 $0x2680;
	s7 =	sshrl.u32 s7, $0x3  }
0xf: {  	s12 =	smax.u32 s12, $0x1;
	s13 =	sshrl.u32 s31, $0x3;
	s0 =	sadd.s32 s7, s0  }
0x10: {  	s24 =	sshrl.u32 s22, $0x3;
	s7 =	sor.u32 $0x1C03, s26;
	s26 =	simm.s32 $0x780  }
0x11: {  	s6 =	sadd.s32 s2, s24;
	s11 =	sadd.s32 $0x2C000, s0;
	s24 =	simm.s32 $0x700  }
0x12: {  	s8 =	sadd.s32 $0xA000, s6;
	s9 =	sadd.s32 $0x400, s6;
	s10 =	sadd.s32 $0xA400, s6  }
.LBB2_1:
0x13: {  	[spmem:s13], [sflag:s7] =	dma.local [hbm:s5], $0x2780  }
0x14: {  	_ =	swait.ge [sflag:s14], $0x2780  }
0x15: {  	[sflag:s14] =	ssyncset.done $0x0  }
0x16: {  	[sflag:s14] =	ssyncadd.s32 $0xFFFFD880  }
0x17: {  	[tilespmem:s3], [sflag:$0x3] =	stream.linear.gather [hbm4b:s6+s3], $0x2000, $0x38;
	[tilespmem:$0x1FC00] =	vst v63  }
0x18: {  	_ =	swait.ge [sflag:s14], $0x2000  }
0x19: {  	[sflag:s14] =	ssyncset.done $0x0  }
0x1a: {  	[sflag:s14] =	ssyncadd.s32 $0xFFFFE000  }
0x1b: {  	[tilespmem:s15], [sflag:$0x3] =	stream.linear.gather [hbm4b:s8+s3], $0x2000, $0x38;
	[tilespmem:$0x1FC00] =	vst v63  }
0x1c: {  	_ =	swait.ge [sflag:s14], $0x2000  }
0x1d: {  	[sflag:s14] =	ssyncset.done $0x0  }
0x1e: {  	[sflag:s14] =	ssyncadd.s32 $0xFFFFE000  }
0x1f: {  	[bflag:$0x0] =	sbarrier.arrive $0xFFFF  }
0x20: {  	[tilespmem:s17], [sflag:$0x1] =	stream.indirect.gather [hbm4b:s4+s16], $0x80, s3, s16, $0xb8;
	[tilespmem:$0x1FC00] =	vst v63  }
0x21: {  	s0 =	simm.s32 $0x80  }
0x22: {  	[tilespmem:s18], [sflag:$0x2] =	stream.indirect.gather [hbm4b:s4+s16], $0x80, s0, s16, $0xb8;
	[tilespmem:$0x1FC00] =	vst v63  }
0x23: {  	_ =	swait.ge [sflag:s19], $0x4000  }
0x24: {  	[sflag:s19] =	ssyncset.done $0x0  }
0x25: {  	s2 =	simm.s32 $0x2000;
	[sflag:s19] =	ssyncadd.s32 $0xFFFFC000  }
0x26: {  	[spmem:s1] =	stream.indirect.scatter.add.f32 [tilespmem:s17], [sflag:$0x3], $0x80, s2, s16, $0xb8;
	[tilespmem:$0x1FC00] =	vst v63  }
0x27: {  	_ =	swait.ge [sflag:s14], $0x4000  }
0x28: {  	[sflag:s14] =	ssyncset.done $0x0  }
0x29: {  	s21 =	simm.s32 $0x100;
	[sflag:s14] =	ssyncadd.s32 $0xFFFFC000  }
0x2a: {  	[tilespmem:s17], [sflag:$0x1] =	stream.indirect.gather [hbm4b:s4+s16], $0x80, s21, s16, $0xb8;
	[tilespmem:$0x1FC00] =	vst v63  }
0x2b: {  	_ =	swait.ge [sflag:s20], $0x4000  }
0x2c: {  	[sflag:s20] =	ssyncset.done $0x0  }
0x2d: {  	s22 =	simm.s32 $0x2080;
	[sflag:s20] =	ssyncadd.s32 $0xFFFFC000  }
0x2e: {  	[spmem:s1] =	stream.indirect.scatter.add.f32 [tilespmem:s18], [sflag:$0x3], $0x80, s22, s16, $0xb8;
	[tilespmem:$0x1FC00] =	vst v63  }
0x2f: {  	_ =	swait.ge [sflag:s14], $0x4000  }
0x30: {  	s31 =	simm.s32 $0x100;
	s0 =	simm.s32 $0x800;
	[sflag:s14] =	ssyncset.done $0x0  }
.LBB2_2:
0x31: {  	s2 =	sadd.s32 $0x80, s31  }
0x32: {  	[sflag:s14] =	ssyncadd.s32 $0xFFFFC000;
	s21 =	smov.u32 s0;
	s22 =	sadd.s32 $0x400, s0  }
0x33: {  	[tilespmem:s18], [sflag:$0x2] =	stream.indirect.gather [hbm4b:s4+s16], $0x80, s2, s16, $0xb8;
	[tilespmem:$0x1FC00] =	vst v63  }
0x34: {  	p0 =	sne.s32 s0, $0x7800;
	_ =	swait.ge [sflag:s19], $0x4000  }
0x35: {  	[sflag:s19] =	ssyncset.done $0x0  }
0x36: {  	s0 =	sadd.s32 $0x2000, s31;
	[sflag:s19] =	ssyncadd.s32 $0xFFFFC000  }
0x37: {  	[spmem:s1] =	stream.indirect.scatter.add.f32 [tilespmem:s17], [sflag:$0x3], $0x80, s0, s16, $0xb8;
	[tilespmem:$0x1FC00] =	vst v63  }
0x38: {  	_ =	swait.ge [sflag:s14], $0x4000  }
0x39: {  	[sflag:s14] =	ssyncset.done $0x0  }
0x3a: {  	s0 =	sadd.s32 $0x100, s31;
	[sflag:s14] =	ssyncadd.s32 $0xFFFFC000  }
0x3b: {  	[tilespmem:s17], [sflag:$0x1] =	stream.indirect.gather [hbm4b:s4+s16], $0x80, s0, s16, $0xb8;
	[tilespmem:$0x1FC00] =	vst v63  }
0x3c: {  	_ =	swait.ge [sflag:s20], $0x4000  }
.Ltmp0:
0x3d: {  	[sflag:s20] =	ssyncset.done $0x0;
	(pc) =	sbr.rel @p0 .LBB2_2-.Ltmp0, $4  }
0x3e: {  	s0 =	sadd.s32 $0x2080, s31;
	[sflag:s20] =	ssyncadd.s32 $0xFFFFC000  }
0x3f: {  	[spmem:s1] =	stream.indirect.scatter.add.f32 [tilespmem:s18], [sflag:$0x3], $0x80, s0, s16, $0xb8;
	[tilespmem:$0x1FC00] =	vst v63  }
0x40: {  	_ =	swait.ge [sflag:s14], $0x4000  }
0x41: {  	s31 =	sshra.s32 s21, $0x2;
	s0 =	smov.u32 s22;
	[sflag:s14] =	ssyncset.done $0x0  }
0x42: {  	s0 =	sadd.s32 $0x80, s31;
	[sflag:s14] =	ssyncadd.s32 $0xFFFFC000  }
0x43: {  	[tilespmem:s18], [sflag:$0x2] =	stream.indirect.gather [hbm4b:s4+s16], $0x80, s0, s16, $0xb8;
	[tilespmem:$0x1FC00] =	vst v63  }
0x44: {  	_ =	swait.ge [sflag:s19], $0x4000  }
0x45: {  	[sflag:s19] =	ssyncset.done $0x0  }
0x46: {  	s22 =	sadd.s32 $0x2000, s31;
	[sflag:s19] =	ssyncadd.s32 $0xFFFFC000  }
0x47: {  	[spmem:s1] =	stream.indirect.scatter.add.f32 [tilespmem:s17], [sflag:$0x3], $0x80, s22, s16, $0xb8;
	[tilespmem:$0x1FC00] =	vst v63  }
0x48: {  	_ =	swait.ge [sflag:s14], $0x4000  }
0x49: {  	[sflag:s14] =	ssyncset.done $0x0  }
0x4a: {  	s2 =	sadd.s32 $0x100, s31;
	[sflag:s14] =	ssyncadd.s32 $0xFFFFC000  }
0x4b: {  	[tilespmem:s17], [sflag:$0x1] =	stream.indirect.gather [hbm4b:s4+s16], $0x80, s2, s16, $0xb8;
	[tilespmem:$0x1FC00] =	vst v63  }
0x4c: {  	_ =	swait.ge [sflag:s20], $0x4000  }
0x4d: {  	[sflag:s20] =	ssyncset.done $0x0  }
0x4e: {  	s21 =	sadd.s32 $0x2080, s31;
	[sflag:s20] =	ssyncadd.s32 $0xFFFFC000  }
0x4f: {  	[spmem:s1] =	stream.indirect.scatter.add.f32 [tilespmem:s18], [sflag:$0x3], $0x80, s21, s16, $0xb8;
	[tilespmem:$0x1FC00] =	vst v63  }
0x50: {  	_ =	swait.ge [sflag:s14], $0x4000  }
0x51: {  	[sflag:s14] =	ssyncset.done $0x0  }
0x52: {  	s22 =	simm.s32 $0x1F80;
	[sflag:s14] =	ssyncadd.s32 $0xFFFFC000  }
0x53: {  	[tilespmem:s18], [sflag:$0x2] =	stream.indirect.gather [hbm4b:s4+s16], $0x80, s22, s16, $0xb8;
	[tilespmem:$0x1FC00] =	vst v63  }
0x54: {  	_ =	swait.ge [sflag:s19], $0x4000  }
0x55: {  	[sflag:s19] =	ssyncset.done $0x0  }
0x56: {  	s31 =	simm.s32 $0x3F00;
	[sflag:s19] =	ssyncadd.s32 $0xFFFFC000  }
0x57: {  	[spmem:s1] =	stream.indirect.scatter.add.f32 [tilespmem:s17], [sflag:$0x3], $0x80, s31, s16, $0xb8;
	[tilespmem:$0x1FC00] =	vst v63  }
0x58: {  	_ =	swait.ge [sflag:s14], $0x4000  }
0x59: {  	[sflag:s14] =	ssyncset.done $0x0  }
0x5a: {  	[sflag:s14] =	ssyncadd.s32 $0xFFFFC000  }
0x5b: {  	_ =	swait.ge [sflag:s20], $0x4000  }
0x5c: {  	[sflag:s20] =	ssyncset.done $0x0  }
0x5d: {  	s2 =	simm.s32 $0x3F80;
	[sflag:s20] =	ssyncadd.s32 $0xFFFFC000  }
0x5e: {  	[spmem:s1] =	stream.indirect.scatter.add.f32 [tilespmem:s18], [sflag:$0x3], $0x80, s2, s16, $0xb8;
	[tilespmem:$0x1FC00] =	vst v63  }
0x5f: {  	_ =	swait.ge [sflag:s14], $0x4000  }
0x60: {  	[sflag:s14] =	ssyncset.done $0x0  }
0x61: {  	[sflag:s14] =	ssyncadd.s32 $0xFFFFC000  }
0x62: {  	[tilespmem:s3], [sflag:$0x3] =	stream.linear.gather [hbm4b:s9+s3], $0x800, $0x38;
	[tilespmem:$0x1FC00] =	vst v63  }
0x63: {  	_ =	swait.ge [sflag:s14], $0x800  }
0x64: {  	[sflag:s14] =	ssyncset.done $0x0  }
0x65: {  	[sflag:s14] =	ssyncadd.s32 $0xFFFFF800  }
0x66: {  	[tilespmem:s15], [sflag:$0x3] =	stream.linear.gather [hbm4b:s10+s3], $0x800, $0x38;
	[tilespmem:$0x1FC00] =	vst v63  }
0x67: {  	_ =	swait.ge [sflag:s14], $0x800  }
0x68: {  	[sflag:s14] =	ssyncset.done $0x0  }
0x69: {  	[sflag:s14] =	ssyncadd.s32 $0xFFFFF800  }
0x6a: {  	[tilespmem:s17], [sflag:$0x1] =	stream.indirect.gather [hbm4b:s4+s16], $0x80, s3, s16, $0xb8;
	[tilespmem:$0x1FC00] =	vst v63  }
0x6b: {  	_ = 	snop  }
0x6c: {  	[tilespmem:s18], [sflag:$0x2] =	stream.indirect.gather [hbm4b:s4+s16], $0x80, s16, s16, $0xb8;
	[tilespmem:$0x1FC00] =	vst v63  }
0x6d: {  	_ =	swait.ge [sflag:s19], $0x4000  }
0x6e: {  	[sflag:s19] =	ssyncset.done $0x0  }
0x6f: {  	[sflag:s19] =	ssyncadd.s32 $0xFFFFC000  }
0x70: {  	[spmem:s1] =	stream.indirect.scatter.add.f32 [tilespmem:s17], [sflag:$0x3], $0x80, s15, s16, $0xb8;
	[tilespmem:$0x1FC00] =	vst v63  }
0x71: {  	_ =	swait.ge [sflag:s14], $0x4000  }
0x72: {  	[sflag:s14] =	ssyncset.done $0x0  }
0x73: {  	s21 =	simm.s32 $0x100;
	[sflag:s14] =	ssyncadd.s32 $0xFFFFC000  }
0x74: {  	[tilespmem:s17], [sflag:$0x1] =	stream.indirect.gather [hbm4b:s4+s16], $0x80, s21, s16, $0xb8;
	[tilespmem:$0x1FC00] =	vst v63  }
0x75: {  	_ =	swait.ge [sflag:s20], $0x4000  }
0x76: {  	[sflag:s20] =	ssyncset.done $0x0  }
0x77: {  	s22 =	simm.s32 $0x2080;
	[sflag:s20] =	ssyncadd.s32 $0xFFFFC000  }
0x78: {  	[spmem:s1] =	stream.indirect.scatter.add.f32 [tilespmem:s18], [sflag:$0x3], $0x80, s22, s16, $0xb8;
	[tilespmem:$0x1FC00] =	vst v63  }
0x79: {  	_ =	swait.ge [sflag:s14], $0x4000  }
0x7a: {  	[sflag:s14] =	ssyncset.done $0x0  }
0x7b: {  	s31 =	simm.s32 $0x180;
	[sflag:s14] =	ssyncadd.s32 $0xFFFFC000  }
0x7c: {  	[tilespmem:s18], [sflag:$0x2] =	stream.indirect.gather [hbm4b:s4+s16], $0x80, s31, s16, $0xb8;
	[tilespmem:$0x1FC00] =	vst v63  }
0x7d: {  	_ =	swait.ge [sflag:s19], $0x4000  }
0x7e: {  	[sflag:s19] =	ssyncset.done $0x0  }
0x7f: {  	s2 =	simm.s32 $0x2100;
	[sflag:s19] =	ssyncadd.s32 $0xFFFFC000  }
0x80: {  	[spmem:s1] =	stream.indirect.scatter.add.f32 [tilespmem:s17], [sflag:$0x3], $0x80, s2, s16, $0xb8;
	[tilespmem:$0x1FC00] =	vst v63  }
0x81: {  	_ =	swait.ge [sflag:s14], $0x4000  }
0x82: {  	[sflag:s14] =	ssyncset.done $0x0  }
0x83: {  	s21 =	simm.s32 $0x200;
	[sflag:s14] =	ssyncadd.s32 $0xFFFFC000  }
0x84: {  	[tilespmem:s17], [sflag:$0x1] =	stream.indirect.gather [hbm4b:s4+s16], $0x80, s21, s16, $0xb8;
	[tilespmem:$0x1FC00] =	vst v63  }
0x85: {  	_ =	swait.ge [sflag:s20], $0x4000  }
0x86: {  	[sflag:s20] =	ssyncset.done $0x0  }
0x87: {  	s22 =	simm.s32 $0x2180;
	[sflag:s20] =	ssyncadd.s32 $0xFFFFC000  }
0x88: {  	[spmem:s1] =	stream.indirect.scatter.add.f32 [tilespmem:s18], [sflag:$0x3], $0x80, s22, s16, $0xb8;
	[tilespmem:$0x1FC00] =	vst v63  }
0x89: {  	_ =	swait.ge [sflag:s14], $0x4000  }
0x8a: {  	[sflag:s14] =	ssyncset.done $0x0  }
0x8b: {  	s31 =	simm.s32 $0x280;
	[sflag:s14] =	ssyncadd.s32 $0xFFFFC000  }
0x8c: {  	[tilespmem:s18], [sflag:$0x2] =	stream.indirect.gather [hbm4b:s4+s16], $0x80, s31, s16, $0xb8;
	[tilespmem:$0x1FC00] =	vst v63  }
0x8d: {  	_ =	swait.ge [sflag:s19], $0x4000  }
0x8e: {  	[sflag:s19] =	ssyncset.done $0x0  }
0x8f: {  	s2 =	simm.s32 $0x2200;
	[sflag:s19] =	ssyncadd.s32 $0xFFFFC000  }
0x90: {  	[spmem:s1] =	stream.indirect.scatter.add.f32 [tilespmem:s17], [sflag:$0x3], $0x80, s2, s16, $0xb8;
	[tilespmem:$0x1FC00] =	vst v63  }
0x91: {  	_ =	swait.ge [sflag:s14], $0x4000  }
0x92: {  	[sflag:s14] =	ssyncset.done $0x0  }
0x93: {  	s21 =	simm.s32 $0x300;
	[sflag:s14] =	ssyncadd.s32 $0xFFFFC000  }
0x94: {  	[tilespmem:s17], [sflag:$0x1] =	stream.indirect.gather [hbm4b:s4+s16], $0x80, s21, s16, $0xb8;
	[tilespmem:$0x1FC00] =	vst v63  }
0x95: {  	_ =	swait.ge [sflag:s20], $0x4000  }
0x96: {  	[sflag:s20] =	ssyncset.done $0x0  }
0x97: {  	s22 =	simm.s32 $0x2280;
	[sflag:s20] =	ssyncadd.s32 $0xFFFFC000  }
0x98: {  	[spmem:s1] =	stream.indirect.scatter.add.f32 [tilespmem:s18], [sflag:$0x3], $0x80, s22, s16, $0xb8;
	[tilespmem:$0x1FC00] =	vst v63  }
0x99: {  	_ =	swait.ge [sflag:s14], $0x4000  }
0x9a: {  	[sflag:s14] =	ssyncset.done $0x0  }
0x9b: {  	s31 =	simm.s32 $0x380;
	[sflag:s14] =	ssyncadd.s32 $0xFFFFC000  }
0x9c: {  	[tilespmem:s18], [sflag:$0x2] =	stream.indirect.gather [hbm4b:s4+s16], $0x80, s31, s16, $0xb8;
	[tilespmem:$0x1FC00] =	vst v63  }
0x9d: {  	_ =	swait.ge [sflag:s19], $0x4000  }
0x9e: {  	[sflag:s19] =	ssyncset.done $0x0  }
0x9f: {  	s2 =	simm.s32 $0x2300;
	[sflag:s19] =	ssyncadd.s32 $0xFFFFC000  }
0xa0: {  	[spmem:s1] =	stream.indirect.scatter.add.f32 [tilespmem:s17], [sflag:$0x3], $0x80, s2, s16, $0xb8;
	[tilespmem:$0x1FC00] =	vst v63  }
0xa1: {  	_ =	swait.ge [sflag:s14], $0x4000  }
0xa2: {  	[sflag:s14] =	ssyncset.done $0x0  }
0xa3: {  	s21 =	simm.s32 $0x400;
	[sflag:s14] =	ssyncadd.s32 $0xFFFFC000  }
0xa4: {  	[tilespmem:s17], [sflag:$0x1] =	stream.indirect.gather [hbm4b:s4+s16], $0x80, s21, s16, $0xb8;
	[tilespmem:$0x1FC00] =	vst v63  }
0xa5: {  	_ =	swait.ge [sflag:s20], $0x4000  }
0xa6: {  	[sflag:s20] =	ssyncset.done $0x0  }
0xa7: {  	s22 =	simm.s32 $0x2380;
	[sflag:s20] =	ssyncadd.s32 $0xFFFFC000  }
0xa8: {  	[spmem:s1] =	stream.indirect.scatter.add.f32 [tilespmem:s18], [sflag:$0x3], $0x80, s22, s16, $0xb8;
	[tilespmem:$0x1FC00] =	vst v63  }
0xa9: {  	_ =	swait.ge [sflag:s14], $0x4000  }
0xaa: {  	[sflag:s14] =	ssyncset.done $0x0  }
0xab: {  	s31 =	simm.s32 $0x480;
	[sflag:s14] =	ssyncadd.s32 $0xFFFFC000  }
0xac: {  	[tilespmem:s18], [sflag:$0x2] =	stream.indirect.gather [hbm4b:s4+s16], $0x80, s31, s16, $0xb8;
	[tilespmem:$0x1FC00] =	vst v63  }
0xad: {  	_ =	swait.ge [sflag:s19], $0x4000  }
0xae: {  	[sflag:s19] =	ssyncset.done $0x0  }
0xaf: {  	s2 =	simm.s32 $0x2400;
	[sflag:s19] =	ssyncadd.s32 $0xFFFFC000  }
0xb0: {  	[spmem:s1] =	stream.indirect.scatter.add.f32 [tilespmem:s17], [sflag:$0x3], $0x80, s2, s16, $0xb8;
	[tilespmem:$0x1FC00] =	vst v63  }
0xb1: {  	_ =	swait.ge [sflag:s14], $0x4000  }
0xb2: {  	[sflag:s14] =	ssyncset.done $0x0  }
0xb3: {  	s21 =	simm.s32 $0x500;
	[sflag:s14] =	ssyncadd.s32 $0xFFFFC000  }
0xb4: {  	[tilespmem:s17], [sflag:$0x1] =	stream.indirect.gather [hbm4b:s4+s16], $0x80, s21, s16, $0xb8;
	[tilespmem:$0x1FC00] =	vst v63  }
0xb5: {  	_ =	swait.ge [sflag:s20], $0x4000  }
0xb6: {  	[sflag:s20] =	ssyncset.done $0x0  }
0xb7: {  	s22 =	simm.s32 $0x2480;
	[sflag:s20] =	ssyncadd.s32 $0xFFFFC000  }
0xb8: {  	[spmem:s1] =	stream.indirect.scatter.add.f32 [tilespmem:s18], [sflag:$0x3], $0x80, s22, s16, $0xb8;
	[tilespmem:$0x1FC00] =	vst v63  }
0xb9: {  	_ =	swait.ge [sflag:s14], $0x4000  }
0xba: {  	[sflag:s14] =	ssyncset.done $0x0  }
0xbb: {  	s31 =	simm.s32 $0x580;
	[sflag:s14] =	ssyncadd.s32 $0xFFFFC000  }
0xbc: {  	[tilespmem:s18], [sflag:$0x2] =	stream.indirect.gather [hbm4b:s4+s16], $0x80, s31, s16, $0xb8;
	[tilespmem:$0x1FC00] =	vst v63  }
0xbd: {  	_ =	swait.ge [sflag:s19], $0x4000  }
0xbe: {  	[sflag:s19] =	ssyncset.done $0x0  }
0xbf: {  	s2 =	simm.s32 $0x2500;
	[sflag:s19] =	ssyncadd.s32 $0xFFFFC000  }
0xc0: {  	[spmem:s1] =	stream.indirect.scatter.add.f32 [tilespmem:s17], [sflag:$0x3], $0x80, s2, s16, $0xb8;
	[tilespmem:$0x1FC00] =	vst v63  }
0xc1: {  	_ =	swait.ge [sflag:s14], $0x4000  }
0xc2: {  	[sflag:s14] =	ssyncset.done $0x0  }
0xc3: {  	s21 =	simm.s32 $0x600;
	[sflag:s14] =	ssyncadd.s32 $0xFFFFC000  }
0xc4: {  	[tilespmem:s17], [sflag:$0x1] =	stream.indirect.gather [hbm4b:s4+s16], $0x80, s21, s16, $0xb8;
	[tilespmem:$0x1FC00] =	vst v63  }
0xc5: {  	_ =	swait.ge [sflag:s20], $0x4000  }
0xc6: {  	[sflag:s20] =	ssyncset.done $0x0  }
0xc7: {  	s22 =	simm.s32 $0x2580;
	[sflag:s20] =	ssyncadd.s32 $0xFFFFC000  }
0xc8: {  	[spmem:s1] =	stream.indirect.scatter.add.f32 [tilespmem:s18], [sflag:$0x3], $0x80, s22, s16, $0xb8;
	[tilespmem:$0x1FC00] =	vst v63  }
0xc9: {  	_ =	swait.ge [sflag:s14], $0x4000  }
0xca: {  	[sflag:s14] =	ssyncset.done $0x0  }
0xcb: {  	s31 =	simm.s32 $0x680;
	[sflag:s14] =	ssyncadd.s32 $0xFFFFC000  }
0xcc: {  	[tilespmem:s18], [sflag:$0x2] =	stream.indirect.gather [hbm4b:s4+s16], $0x80, s31, s16, $0xb8;
	[tilespmem:$0x1FC00] =	vst v63  }
0xcd: {  	_ =	swait.ge [sflag:s19], $0x4000  }
0xce: {  	[sflag:s19] =	ssyncset.done $0x0  }
0xcf: {  	[sflag:s19] =	ssyncadd.s32 $0xFFFFC000  }
0xd0: {  	[spmem:s1] =	stream.indirect.scatter.add.f32 [tilespmem:s17], [sflag:$0x3], $0x80, s23, s16, $0xb8;
	[tilespmem:$0x1FC00] =	vst v63  }
0xd1: {  	_ =	swait.ge [sflag:s14], $0x4000  }
0xd2: {  	[sflag:s14] =	ssyncset.done $0x0  }
0xd3: {  	[sflag:s14] =	ssyncadd.s32 $0xFFFFC000  }
0xd4: {  	[tilespmem:s17], [sflag:$0x1] =	stream.indirect.gather [hbm4b:s4+s16], $0x80, s24, s16, $0xb8;
	[tilespmem:$0x1FC00] =	vst v63  }
0xd5: {  	_ =	swait.ge [sflag:s20], $0x4000  }
0xd6: {  	[sflag:s20] =	ssyncset.done $0x0  }
0xd7: {  	[sflag:s20] =	ssyncadd.s32 $0xFFFFC000  }
0xd8: {  	[spmem:s1] =	stream.indirect.scatter.add.f32 [tilespmem:s18], [sflag:$0x3], $0x80, s25, s16, $0xb8;
	[tilespmem:$0x1FC00] =	vst v63  }
0xd9: {  	_ =	swait.ge [sflag:s14], $0x4000  }
0xda: {  	[sflag:s14] =	ssyncset.done $0x0  }
0xdb: {  	[sflag:s14] =	ssyncadd.s32 $0xFFFFC000  }
0xdc: {  	[tilespmem:s18], [sflag:$0x2] =	stream.indirect.gather [hbm4b:s4+s16], $0x80, s26, s16, $0xb8;
	[tilespmem:$0x1FC00] =	vst v63  }
0xdd: {  	_ =	swait.ge [sflag:s19], $0x4000  }
0xde: {  	[sflag:s19] =	ssyncset.done $0x0  }
0xdf: {  	[sflag:s19] =	ssyncadd.s32 $0xFFFFC000  }
0xe0: {  	[spmem:s1] =	stream.indirect.scatter.add.f32 [tilespmem:s17], [sflag:$0x3], $0x80, s28, s16, $0xb8;
	[tilespmem:$0x1FC00] =	vst v63  }
0xe1: {  	_ =	swait.ge [sflag:s14], $0x4000  }
0xe2: {  	[sflag:s14] =	ssyncset.done $0x0  }
0xe3: {  	[sflag:s14] =	ssyncadd.s32 $0xFFFFC000  }
0xe4: {  	_ =	swait.ge [sflag:s20], $0x4000  }
0xe5: {  	[sflag:s20] =	ssyncset.done $0x0  }
0xe6: {  	[sflag:s20] =	ssyncadd.s32 $0xFFFFC000  }
0xe7: {  	[spmem:s1] =	stream.indirect.scatter.add.f32 [tilespmem:s18], [sflag:$0x3], $0x80, s29, s16, $0xb8;
	[tilespmem:$0x1FC00] =	vst v63  }
0xe8: {  	_ =	swait.ge [sflag:s14], $0x4000  }
0xe9: {  	s30 =	sadd.s32 $0x1, s30;
	[sflag:s14] =	ssyncset.done $0x0  }
0xea: {  	p0 =	sne.s32 s30, s12;
	[sflag:s14] =	ssyncadd.s32 $0xFFFFC000  }
.Ltmp1:
0xeb: {  	[bflag:$0x0] =	sbarrier.arrive $0xFFFF;
	(pc) =	sbr.rel @p0 .LBB2_1-.Ltmp1, $4  }
0xec: {  	[hbm:s11], [sflag:s7] =	dma.local [spmem:s13], $0x2780  }
0xed: {  	_ =	swait.ge [sflag:s14], $0x2780  }
0xee: {  	[sflag:s14] =	ssyncset.done $0x0  }
0xef: {  	[sflag:s14] =	ssyncadd.s32 $0xFFFFD880  }
0xf0: {  	_ =	sfence.sel $0x180000  }
0xf1: {  	[bflag:$0x0] =	sbarrier.arrive $0xFFFF  }
0xf2: {  	_ =	strace $0x9000004D  }
0xf3: {  	s0 =	stileid.u32;
	[bflag:$0x2] =	sbarrier.arrive $0xFFFF  }
0xf4: {  	p0 =	sne.s32 s0, $0x0;
	s0 =	rddreg [dreg:$0x3]  }
0xf5: {  	s0 =	sadd.s32 @!p0 $0x100000, s0  }
0xf6: {  	[sflag:s0] =	ssyncadd.tile.s32 @!p0 $0x1;
	_ =	shalt  }
.Lfunc_end2:
_tile_overlayer_lowered:
.L_overlay_start_2:
0xf7: {  	(tag) =	ssettag $0x2  }
0xf8: {  	s0 =	rddreg [dreg:$0x0];
	s2 =	stileid.u32  }
0xf9: {  	s1 =	rddreg [dreg:$0x1];
	p0 =	sne.s32 s2, $0x0  }
0xfa: {  	s3 =	rddreg [dreg:$0x2];
	[bflag:$0x3] =	sbarrier.arrive $0xFFFF;
	s2 =	simm.s32 @!p0 $0x1C03  }
0xfb: {  	[timem:s3], [sflag:s2] =	dma.local @!p0 [hbm:s0], s1  }
0xfc: {  	s0 =	simm.s32 @!p0 $0x3  }
0xfd: {  	_ =	swait.ge @!p0 [sflag:s0], s1  }
0xfe: {  	s1 =	ssub.s32 @!p0 $0x0, s1;
	[sflag:s0] =	ssyncset.done @!p0 $0x0  }
0xff: {  	[sflag:s0] =	ssyncadd.s32 @!p0 s1  }
0x100: {  	[bflag:$0x3] =	sbarrier.arrive $0xFFFF  }
0x101: {  	_ =	shalt  }

// kernel: kernel.9.cloned.1.call-start
scs
__scs_entry_jumppad:
0x0: {  	(pc) =	sbr.rel $0x88, $3  }
0x1: {  	(tag) =	ssettag $0x0;
	lr =	simm.s32 $0x1  }
0x2: {  	[smem:$0x3F9B] =	sst lr;
	_ =	strace $0xD0000000  }
0x3: {  	_ = 	snop  }
0x4: {  	_ = 	snop  }
0x5: {  	_ = 	snop  }
0x6: {  	_ = 	snop  }
0x7: {  	_ = 	snop  }
__scs_overlays_trampoline_lowered:
0x8: {  	[smem:$0x3FAA] =	sst s0  }
0x9: {  	[smem:$0x3FAB] =	sst s1  }
0xa: {  	[smem:$0x3FAC] =	sst s2  }
0xb: {  	[smem:$0x3FAD] =	sst s3  }
0xc: {  	[smem:$0x3FAE] =	sst s4  }
0xd: {  	[smem:$0x3FAF] =	sst s5  }
0xe: {  	[smem:$0x3FB0] =	sst s6  }
0xf: {  	[smem:$0x3FB1] =	sst s7  }
0x10: {  	[smem:$0x3FB2] =	sst s8  }
0x11: {  	[smem:$0x3FB3] =	sst s9;
	s0 =	simm.s32 @!p0 $0x0  }
0x12: {  	s1 =	sld [smem:$0x3F99];
	s0 =	simm.s32 @p0 $0x1  }
0x13: {  	[smem:$0x3FB4] =	sst s0;
	s0 =	simm.s32 @!p1 $0x0  }
0x14: {  	s2 =	sld [smem:$0x3F98];
	s0 =	simm.s32 @p1 $0x1  }
0x15: {  	[smem:$0x3FB5] =	sst s0;
	s0 =	simm.s32 @!p2 $0x0  }
0x16: {  	s3 =	sld [smem:$0x3FDB];
	s0 =	simm.s32 @p2 $0x1  }
0x17: {  	s4 =	simm.s32 $0x1BF5;
	[smem:$0x3FB7] =	sst s0  }
0x18: {  	s0 =	sld [smem:$0x3F9A];
	_ =	swait.ge [sflag:s4], $0x0  }
0x19: {  	s7 =	sld [smem:$0x3F9B]  }
0x1a: {  	s8 =	sadd.s32 $0xFFFFE003, lr  }
0x1b: {  	s9 =	sadd.s32 $0xFFFFFEF7, lr;
	s5 =	simm.s32 $0xFFFFFFFF;
	p2 =	slt.u32 s8, $0xFFFFF086  }
0x1c: {  	p1 =	slt.u32 s9, $0xF7A;
	s5 =	simm.s32 @!p2 $0x0  }
0x1d: {  	s5 =	simm.s32 @p1 $0x1;
	p0 =	seq.s32 s7, s2  }
0x1e: {  	s7 =	smul.u32 @!p0 $0xF7A, s2;
	p2 =	seq.s32 @!p0 s5, $0x0  }
0x1f: {  	s9 =	smul.u32 $0xF7A, s1;
	s8 =	simm.s32 @!p0 $0x1BF5;
	p2 =	por !p2, p0  }
0x20: {  	[sflag:s8] =	ssyncset.s32 @!p0 $0xFFFFF086;
	s6 =	sadd.s32 @!p0 s3, s7;
	s7 =	simm.s32 @!p0 $0x108  }
0x21: {  	s3 =	sadd.s32 s3, s9;
	s6 =	sadd.s32 @!p0 $0x88, s6;
	s7 =	simm.s32 @p2 $0x1082  }
0x22: {  	[simem:s7], [sflag:s8] =	dma.local @!p0 [hbm:s6], $0xF7A  }
0x23: {  	s9 =	sor.u32 $0xD0000000, s2;
	s6 =	simm.s32 $0x108;
	_ =	swait.ge @!p0 [sflag:s8], $0x0  }
0x24: {  	s3 =	sadd.s32 $0x88, s3;
	s6 =	simm.s32 @!p1 $0x1082;
	[sflag:s4] =	ssyncset.s32 $0xFFFFF086  }
0x25: {  	[simem:s6], [sflag:s4] =	dma.local [hbm:s3], $0xF7A  }
0x26: {  	[smem:$0x3F9B] =	sst s1;
	(tag) =	ssettag s2;
	_ =	strace s9  }
0x27: {  	s1 =	sld [smem:$0x3FAB]  }
0x28: {  	s2 =	sld [smem:$0x3FAC]  }
0x29: {  	s4 =	sld [smem:$0x3FAE]  }
0x2a: {  	p0 =	seq.s32 s5, $0x0;
	s5 =	sld [smem:$0x3FAF]  }
0x2b: {  	s6 =	sld [smem:$0x3FB0]  }
0x2c: {  	s7 =	sld [smem:$0x3FB1]  }
0x2d: {  	s3 =	simm.s32 $0x108;
	s8 =	sld [smem:$0x3FB2]  }
0x2e: {  	s3 =	simm.s32 @!p0 $0x1082;
	s9 =	sld [smem:$0x3FB3]  }
0x2f: {  	lr =	sadd.s32 s0, s3;
	s0 =	sld [smem:$0x3FAA]  }
0x30: {  	s3 =	sld [smem:$0x3FAD]  }
0x31: {  	[smem:$0x3FB6] =	sst s10  }
0x32: {  	s10 =	sld [smem:$0x3FB4];
	_ =	sdelay $0x3  }
0x33: {  	p0 =	seq.s32 s10, $0x1;
	s10 =	sld [smem:$0x3FB6];
	_ =	sdelay $0x3  }
0x34: {  	[smem:$0x3FB6] =	sst s10  }
0x35: {  	s10 =	sld [smem:$0x3FB5];
	_ =	sdelay $0x3  }
0x36: {  	p1 =	seq.s32 s10, $0x1;
	s10 =	sld [smem:$0x3FB6];
	_ =	sdelay $0x3  }
0x37: {  	[smem:$0x3FB6] =	sst s10  }
0x38: {  	s10 =	sld [smem:$0x3FB7]  }
0x39: {  	_ = 	snop;
	(pc) =	sbr.ind lr, $3  }
0x3a: {  	_ = 	snop  }
0x3b: {  	_ = 	snop  }
0x3c: {  	p2 =	seq.s32 s10, $0x1;
	s10 =	sld [smem:$0x3FB6]  }
0x3d: {  	_ =	shalt  }
0x3e: {  	_ =	shalt  }
0x3f: {  	_ =	shalt  }
0x40: {  	_ =	shalt  }
0x41: {  	_ =	shalt  }
0x42: {  	_ =	shalt  }
0x43: {  	_ =	shalt  }
0x44: {  	_ =	shalt  }
0x45: {  	_ =	shalt  }
0x46: {  	_ =	shalt  }
0x47: {  	_ =	shalt  }
0x48: {  	_ =	shalt  }
0x49: {  	_ =	shalt  }
0x4a: {  	_ =	shalt  }
0x4b: {  	_ =	shalt  }
0x4c: {  	_ =	shalt  }
0x4d: {  	_ =	shalt  }
0x4e: {  	_ =	shalt  }
0x4f: {  	_ =	shalt  }
0x50: {  	_ =	shalt  }
0x51: {  	_ =	shalt  }
0x52: {  	_ =	shalt  }
0x53: {  	_ =	shalt  }
0x54: {  	_ =	shalt  }
0x55: {  	_ =	shalt  }
0x56: {  	_ =	shalt  }
0x57: {  	_ =	shalt  }
0x58: {  	_ =	shalt  }
0x59: {  	_ =	shalt  }
0x5a: {  	_ =	shalt  }
0x5b: {  	_ =	shalt  }
0x5c: {  	_ =	shalt  }
0x5d: {  	_ =	shalt  }
0x5e: {  	_ =	shalt  }
0x5f: {  	_ =	shalt  }
0x60: {  	_ =	shalt  }
0x61: {  	_ =	shalt  }
0x62: {  	_ =	shalt  }
0x63: {  	_ =	shalt  }
0x64: {  	_ =	shalt  }
0x65: {  	_ =	shalt  }
0x66: {  	_ =	shalt  }
0x67: {  	_ =	shalt  }
0x68: {  	_ =	shalt  }
0x69: {  	_ =	shalt  }
0x6a: {  	_ =	shalt  }
0x6b: {  	_ =	shalt  }
0x6c: {  	_ =	shalt  }
0x6d: {  	_ =	shalt  }
0x6e: {  	_ =	shalt  }
0x6f: {  	_ =	shalt  }
0x70: {  	_ =	shalt  }
0x71: {  	_ =	shalt  }
0x72: {  	_ =	shalt  }
0x73: {  	_ =	shalt  }
0x74: {  	_ =	shalt  }
0x75: {  	_ =	shalt  }
0x76: {  	_ =	shalt  }
0x77: {  	_ =	shalt  }
0x78: {  	_ =	shalt  }
0x79: {  	_ =	shalt  }
0x7a: {  	_ =	shalt  }
0x7b: {  	_ =	shalt  }
0x7c: {  	_ =	shalt  }
0x7d: {  	_ =	shalt  }
0x7e: {  	_ =	shalt  }
0x7f: {  	_ =	shalt  }
0x80: {  	_ =	shalt  }
0x81: {  	_ =	shalt  }
0x82: {  	_ =	shalt  }
0x83: {  	_ =	shalt  }
0x84: {  	_ =	shalt  }
0x85: {  	_ =	shalt  }
0x86: {  	_ =	shalt  }
0x87: {  	_ =	shalt  }
.Lfunc_end0:
.L_simem_size_0:
called_computation_lowered:
.L_overlay_start_0:
0x88: {  	s2 =	sld [smem:$0x3FD9]  }
0x89: {  	s3 =	sld [smem:$0x3FFE];
	_ =	sdelay $0x1  }
0x8a: {  	s1 =	srdreg.scid  }
0x8b: {  	s0 =	sand.u32 $0x1, s1  }
0x8c: {  	s17 =	sshll.u32 s0, $0xA;
	s2 =	sadd.s32 s3, s2  }
0x8d: {  	s2 =	sadd.s32 s2, s17  }
0x8e: {  	[smem:$0x3FC2] =	sst s2  }
0x8f: {  	_ = 	snop  }
0x90: {  	s2 =	sld [smem:$0x3FD0];
	(tm) =	ssettm $0x1  }
0x91: {  	s18 =	sld [smem:$0x3FFB];
	_ =	sdelay $0x3  }
0x92: {  	_ =	strace s18  }
0x93: {  	s3 =	sld [smem:$0x3FFC];
	_ =	sdelay $0x3  }
0x94: {  	_ =	strace s3  }
0x95: {  	s3 =	sld [smem:$0x3FFD];
	_ =	sdelay $0x3  }
0x96: {  	_ =	strace s3  }
0x97: {  	_ =	strace $0x8FFFFFFF  }
0x98: {  	s19 =	sld [smem:$0x3FDB];
	_ =	sdelay $0x1  }
0x99: {  	s4 =	simm.s32 $_scs_section_size  }
0x9a: {  	s5 =	simm.s32 $_size__tile_overlayer_lowered;
	s6 =	simm.s32 $_tile_overlayer_lowered  }
0x9b: {  	s22 =	simm.s32 $0x1BFF;
	s21 =	sshll.u32 s6, $0x1;
	s3 =	sadd.s32 s4, s19  }
0x9c: {  	s7 =	simm.s32 $0x0;
	s20 =	sshll.u32 s5, $0x1;
	s5 =	sadd.s32 s21, s3  }
0x9d: {  	[timem:s7], [sflag:s22] =	dma.local [hbm:s5], s20  }
0x9e: {  	_ =	swait.ge [sflag:s22], s20  }
0x9f: {  	s4 =	ssub.s32 $0x0, s20;
	[sflag:s22] =	ssyncset.done $0x0  }
0xa0: {  	[sflag:s22] =	ssyncadd.s32 s4;
	_ =	sdelay $0x1  }
0xa1: {  	s23 =	simm.s32 $0x1B8B  }
0xa2: {  	_ =	swait.ge [sflag:s23], $0x1  }
0xa3: {  	[sflag:s23] =	ssyncset.done $0x0  }
0xa4: {  	s25 =	simm.s32 $0x1B8E;
	s24 =	sld [smem:$0x3FFE];
	[sflag:s23] =	ssyncadd.s32 $0xFFFFFFFF  }
0xa5: {  	s26 =	simm.s32 $execute0_lowered;
	[smem:$0x3FD2] =	sst s25  }
0xa6: {  	s5 =	sshll.u32 s26, $0x1;
	_ =	strace $0x80000046;
	[dreg:$0x1] =	wrdreg $0xFFFFFFFF  }
0xa7: {  	s28 =	simm.s32 $_size_execute0_lowered;
	s3 =	sadd.s32 s3, s5;
	[dreg:$0x0] =	wrdreg $0x0  }
0xa8: {  	s5 =	sshll.u32 s28, $0x1;
	[dreg:$0x2] =	wrdreg s3  }
0xa9: {  	[dreg:$0x3] =	wrdreg s5  }
0xaa: {  	[dreg:$0x4] =	wrdreg $0xC0  }
0xab: {  	_ =	task [dreg:s7], $0x5FFFF  }
0xac: {  	[dreg:$0x1] =	wrdreg $0xFFFFFFFF  }
0xad: {  	[dreg:$0x0] =	wrdreg $0x60  }
0xae: {  	[dreg:$0x2] =	wrdreg s2  }
0xaf: {  	[dreg:$0x3] =	wrdreg s24  }
0xb0: {  	[dreg:$0x4] =	wrdreg $0x9  }
0xb1: {  	_ =	task.clear_ibuf [dreg:s7], $0x5FFFF;
	_ =	strace $0x90000046  }
0xb2: {  	s29 =	simm.s32 $0x9;
	_ =	strace $0x80000048  }
0xb3: {  	_ =	swait.ge [sflag:s29], $0x1  }
0xb4: {  	[sflag:s29] =	ssyncadd.s32 $0xFFFFFFFF  }
0xb5: {  	_ =	strace $0x90000048  }
0xb6: {  	_ =	sfence  }
0xb7: {  	s30 =	sld [smem:$0x0];
	_ =	sdelay $0x2  }
0xb8: {  	s31 =	sshll.u32 s1, $0xD;
	s1 =	sshrl.u32 s1, $0x2  }
0xb9: {  	s3 =	sand.u32 $0x4000, s31;
	s1 =	sadd.s32 s1, s30  }
0xba: {  	s0 =	sor.u32 s3, s0;
	s1 =	sshll.u32 s1, $0x11  }
0xbb: {  	s0 =	sor.u32 s1, s0  }
0xbc: {  	s0 =	sadd.s32 $0x8F2B, s0  }
0xbd: {  	[sflag:s0] =	ssyncadd.remote.s32 $0x1  }
0xbe: {  	_ =	sfence.sel $0xFFFF  }
0xbf: {  	[dreg:$0x0] =	wrdreg $0xFFFFFFFF;
	(pc) =	sbr.abs _section_cstart, $3  }
0xc0: {  	[dreg:$0x1] =	wrdreg $0xFFFFFFFF  }
0xc1: {  	_ =	task.clear_ibuf [dreg:s7], $0x2FFFF;
	_ =	strace $0x9FFFFFFF  }
0xc2: {  	(tm) =	ssettm $0x7FFFFFFF  }
0xc3: {  	_ =	shalt  }
tec
execute0_lowered:
.L_overlay_start_1:
0x0: {  	(tag) =	ssettag $0x1  }
0x1: {  	s0 =	srdreg.scid  }
0x2: {  	s4 =	sand.u32 $0x1, s0  }
0x3: {  	s0 =	stileid.u32;
	s5 =	smul.u32 $0x28000, s4  }
0x4: {  	s3 =	rddreg [dreg:$0x0];
	s7 =	smul.u32 $0x2800, s0  }
0x5: {  	s6 =	rddreg [dreg:$0x1];
	s2 =	simm.s32 $0x0;
	s8 =	smul.u32 $0x50000, s4  }
0x6: {  	[smem:$0x7FF] =	sst s2;
	s9 =	smul.u32 $0x5000, s0;
	s4 =	ssub.s32 $0x2, s4  }
0x7: {  	s1 =	rddreg [dreg:$0x2];
	_ =	strace $0x80000047;
	s29 =	sshrl.u32 s4, $0x1  }
0x8: {  	s5 =	sadd.s32 s7, s5;
	s28 =	sadd.s32 s9, s8;
	s30 =	ssub.s32 s4, s29  }
0x9: {  	s7 =	simm.s32 $0x5000;
	s5 =	sshrl.u32 s5, $0x3;
	s31 =	sshrl.u32 s28, $0x3  }
0xa: {  	s8 =	simm.s32 $0x0;
	s5 =	sadd.s32 s5, s6;
	s3 =	sadd.s32 s3, s31  }
0xb: {  	v0 =	vimm.f32 $0.0e+00;
	v1 =	vimm.f32 $1.000000000e+00;
	s6 =	simm.s32 $0x1;
	s4 =	sadd.s32 $0x2000, s5;
	s5 =	smax.u32 s30, $0x1  }
.LBB2_1:
0xc: {  	[tilespmem:s2], [sflag:$0x1] =	stream.linear.gather [hbm4b:s3+s2], $0x5000, $0x38;
	[tilespmem:$0x7800] =	vst v63  }
0xd: {  	_ =	swait.ge [sflag:s6], $0x5000  }
0xe: {  	[sflag:s6] =	ssyncset.done $0x0  }
0xf: {  	s9 =	simm.s32 $0x0;
	s10 =	simm.s32 $0x200;
	[sflag:s6] =	ssyncadd.s32 $0xFFFFB000  }
.LBB2_2:
0x10: {  	p0 =	sne.s32 s10, $0x9C00;
	[tilespmem:s9+$0x5070] =	vst v0  }
0x11: {  	[tilespmem:s9+$0x5000] =	vst v0  }
0x12: {  	[tilespmem:s9+$0x5010] =	vst v0  }
.Ltmp0:
0x13: {  	[tilespmem:s9+$0x5020] =	vst v0;
	(pc) =	sbr.rel @p0 .LBB2_2-.Ltmp0, $4  }
0x14: {  	[tilespmem:s9+$0x5030] =	vst v0  }
0x15: {  	[tilespmem:s9+$0x5040] =	vst v0  }
0x16: {  	[tilespmem:s9+$0x5050] =	vst v0  }
0x17: {  	[tilespmem:s9+$0x5060] =	vst v0;
	s9 =	sshra.s32 s10, $0x2;
	s10 =	sadd.s32 $0x200, s10  }
0x18: {  	[tilespmem:s9+$0x5070] =	vst v0  }
0x19: {  	[tilespmem:s9+$0x5000] =	vst v0  }
0x1a: {  	[tilespmem:s9+$0x5010] =	vst v0  }
0x1b: {  	[tilespmem:s9+$0x5020] =	vst v0  }
0x1c: {  	[tilespmem:s9+$0x5030] =	vst v0  }
0x1d: {  	[tilespmem:s9+$0x5040] =	vst v0  }
0x1e: {  	[tilespmem:s9+$0x5050] =	vst v0  }
0x1f: {  	[tilespmem:s9+$0x5060] =	vst v0;
	s9 =	simm.s32 $0x0  }
.LBB2_4:
0x20: {  	s10 =	sshra.s32 s9, $0x2  }
0x21: {  	v2 =	vld [tilespmem:s10+$0x0];
	_ =	sdelay $0x7  }
0x22: {  	[tilespmem:v2+s7+$0x0] =	vst.idx.add.f32.msk $0xffff, v1  }
0x23: {  	v2 =	vld [tilespmem:s10+$0x10];
	_ =	sdelay $0x7  }
0x24: {  	[tilespmem:v2+s7+$0x0] =	vst.idx.add.f32.msk $0xffff, v1  }
0x25: {  	v2 =	vld [tilespmem:s10+$0x20];
	_ =	sdelay $0x7  }
0x26: {  	[tilespmem:v2+s7+$0x0] =	vst.idx.add.f32.msk $0xffff, v1  }
0x27: {  	v2 =	vld [tilespmem:s10+$0x30];
	_ =	sdelay $0x7  }
0x28: {  	[tilespmem:v2+s7+$0x0] =	vst.idx.add.f32.msk $0xffff, v1  }
0x29: {  	v2 =	vld [tilespmem:s10+$0x40];
	_ =	sdelay $0x7  }
0x2a: {  	[tilespmem:v2+s7+$0x0] =	vst.idx.add.f32.msk $0xffff, v1  }
0x2b: {  	v2 =	vld [tilespmem:s10+$0x50];
	_ =	sdelay $0x7  }
0x2c: {  	[tilespmem:v2+s7+$0x0] =	vst.idx.add.f32.msk $0xffff, v1  }
0x2d: {  	v2 =	vld [tilespmem:s10+$0x60];
	_ =	sdelay $0x7  }
0x2e: {  	[tilespmem:v2+s7+$0x0] =	vst.idx.add.f32.msk $0xffff, v1  }
0x2f: {  	v2 =	vld [tilespmem:s10+$0x70];
	_ =	sdelay $0x2  }
0x30: {  	p0 =	sne.s32 s9, $0x13E00  }
.Ltmp1:
0x31: {  	_ = 	snop;
	(pc) =	sbr.rel @p0 .LBB2_4-.Ltmp1, $2  }
0x32: {  	_ =	sdelay $0x2  }
0x33: {  	s9 =	sadd.s32 $0x200, s9;
	[tilespmem:v2+s7+$0x0] =	vst.idx.add.f32.msk $0xffff, v1  }
0x34: {  	s8 =	sadd.s32 $0x1, s8  }
0x35: {  	p0 =	sne.s32 s8, s5  }
.Ltmp2:
0x36: {  	_ = 	snop;
	(pc) =	sbr.rel @p0 .LBB2_1-.Ltmp2, $4  }
0x37: {  	[hbm4b:s4+s2] =	stream.linear.scatter [tilespmem:s7], [sflag:$0x1], $0x2780, $0x38;
	[tilespmem:$0x7800] =	vst v63  }
0x38: {  	_ =	swait.ge [sflag:s6], $0x2780  }
0x39: {  	[sflag:s6] =	ssyncset.done $0x0  }
0x3a: {  	[sflag:s6] =	ssyncadd.s32 $0xFFFFD880  }
0x3b: {  	_ =	sfence.sel $0x180000  }
0x3c: {  	[bflag:$0x0] =	sbarrier.arrive $0xFFFF  }
0x3d: {  	p0 =	sne.s32 s0, $0x0;
	_ =	strace $0x90000047  }
0x3e: {  	s0 =	sadd.s32 @!p0 $0x100000, s1;
	[bflag:$0x2] =	sbarrier.arrive $0xFFFF  }
0x3f: {  	[sflag:s0] =	ssyncadd.tile.s32 @!p0 $0x1;
	_ =	shalt  }
.Lfunc_end2:
_tile_overlayer_lowered:
.L_overlay_start_2:
0x40: {  	(tag) =	ssettag $0x2  }
0x41: {  	s0 =	rddreg [dreg:$0x0];
	s2 =	stileid.u32  }
0x42: {  	s1 =	rddreg [dreg:$0x1];
	p0 =	sne.s32 s2, $0x0  }
0x43: {  	s3 =	rddreg [dreg:$0x2];
	[bflag:$0x3] =	sbarrier.arrive $0xFFFF;
	s2 =	simm.s32 @!p0 $0x1C01  }
0x44: {  	[timem:s3], [sflag:s2] =	dma.local @!p0 [hbm:s0], s1  }
0x45: {  	s0 =	simm.s32 @!p0 $0x1  }
0x46: {  	_ =	swait.ge @!p0 [sflag:s0], s1  }
0x47: {  	s1 =	ssub.s32 @!p0 $0x0, s1;
	[sflag:s0] =	ssyncset.done @!p0 $0x0  }
0x48: {  	[sflag:s0] =	ssyncadd.s32 @!p0 s1  }
0x49: {  	[bflag:$0x3] =	sbarrier.arrive $0xFFFF  }
0x4a: {  	_ =	shalt  }

</sc_bundles>
